<compile_context>
chip_gen: v7x
topology: tpu7x:2x2x1
jax: 0.10.2.dev20260603
libtpu: 0.0.44.dev20260713+nightly
codegen_flags: <defaults>
</compile_context>

<pallas_src>
import functools

import jax
import jax.numpy as jnp
from jax import lax
from jax.experimental import pallas as pl
from jax.experimental.pallas import tpu as pltpu
from jax.experimental.pallas import tpu_sc as plsc

_DROP_WIDTH = 64
_STRIPES_NUM = 2

_NC, _NS = 2, 16
_NW = _NC * _NS
_CH = 256

_B_SC = 32


def _stripe_params(B, total_width):
    key = jax.random.key(42)
    k_dist, k_bgn = jax.random.split(key)
    distances = jax.random.randint(k_dist, (B, _STRIPES_NUM), 0, _DROP_WIDTH)
    u = jax.random.uniform(k_bgn, (B, _STRIPES_NUM))
    bgns = jnp.floor(u * (total_width - distances).astype(jnp.float32)).astype(
        jnp.int32
    )
    ends = bgns + distances.astype(jnp.int32)
    return jnp.concatenate([bgns, ends], axis=1)


def _tc_body(params_ref, x_ref, o_ref):
    bb = x_ref.shape[0]
    W = x_ref.shape[1]
    b_base = pl.program_id(0) * bb
    o_ref[...] = x_ref[...]
    iota = jax.lax.broadcasted_iota(jnp.int32, (_DROP_WIDTH, 1), 0)
    for i in range(bb):
        b = b_base + i
        for s in range(_STRIPES_NUM):
            st = jnp.minimum(params_ref[b, s], W - _DROP_WIDTH)
            idx = iota + st
            drop = (idx >= params_ref[b, 0]) & (idx < params_ref[b, _STRIPES_NUM])
            for t in range(1, _STRIPES_NUM):
                drop |= (idx >= params_ref[b, t]) & (
                    idx < params_ref[b, _STRIPES_NUM + t]
                )
            keep = jnp.where(drop, 0.0, 1.0)
            win = pl.ds(st, _DROP_WIDTH)
            o_ref[i, win, :] = x_ref[i, win, :] * keep


def _tc_call(params, x, B_tc, W, C):
    BB = 8
    return pl.pallas_call(
        _tc_body,
        grid=(B_tc // BB,),
        in_specs=[
            pl.BlockSpec(memory_space=pltpu.SMEM),
            pl.BlockSpec((BB, W, C), lambda b: (b, 0, 0)),
        ],
        out_specs=pl.BlockSpec((BB, W, C), lambda b: (b, 0, 0)),
        out_shape=jax.ShapeDtypeStruct((B_tc, W, C), x.dtype),
    )(params, x)


def _pack_sc_params(params, b_base, B_sc):
    npar = 2 * _STRIPES_NUM
    bpw = B_sc // _NW
    P = -(-(npar * bpw) // 16) * 16
    rows = params[b_base : b_base + B_sc].reshape(_NW, bpw * npar)
    rows = jnp.pad(rows, ((0, 0), (0, P - bpw * npar)))
    return rows.reshape(-1), P


def _sc_call(params_packed, P, x, b_base, B_sc, W, C):
    bpw = B_sc // _NW
    nch = W // _CH
    npar = 2 * _STRIPES_NUM
    mesh = plsc.VectorSubcoreMesh(core_axis_name="c", subcore_axis_name="s")

    @functools.partial(
        pl.kernel,
        mesh=mesh,
        out_type=jax.ShapeDtypeStruct((B_sc, W, C), jnp.float32),
        scratch_types=[
            pltpu.VMEM((P,), jnp.int32),
            pltpu.VMEM((_CH, C), jnp.float32),
        ],
    )
    def run(params_hbm, x_hbm, o_hbm, pbuf, buf):
        wid = lax.axis_index("s") * _NC + lax.axis_index("c")
        pltpu.sync_copy(params_hbm.at[pl.ds(wid * P, P)], pbuf)
        zeros = jnp.zeros((16,), jnp.float32)
        pvecs = [pbuf[pl.ds(k * 16, 16)] for k in range(P // 16)]
        for i in range(bpw):
            b_in = b_base + wid * bpw + i
            b_out = wid * bpw + i
            bounds = [
                (
                    pvecs[(npar * i + s) // 16][(npar * i + s) % 16],
                    pvecs[(npar * i + _STRIPES_NUM + s) // 16][
                        (npar * i + _STRIPES_NUM + s) % 16
                    ],
                )
                for s in range(_STRIPES_NUM)
            ]
            for ch in range(nch):
                c0 = ch * _CH
                pltpu.sync_copy(x_hbm.at[b_in, pl.ds(c0, _CH), :], buf)
                for bgn, end in bounds:
                    lo = jnp.maximum(bgn - c0, 0)
                    hi = jnp.minimum(end - c0, _CH)

                    def zrow(r, carry):
                        for j in range(C // 16):
                            buf[r, pl.ds(j * 16, 16)] = zeros
                        return carry

                    lax.fori_loop(lo, hi, zrow, 0)
                pltpu.sync_copy(buf, o_hbm.at[b_out, pl.ds(c0, _CH), :])

    return run(params_packed, x)


@jax.jit
def kernel(input):
    B, W, C = input.shape
    params = _stripe_params(B, W)
    B_tc = B - _B_SC
    pp, P = _pack_sc_params(params, B_tc, _B_SC)
    out_sc = _sc_call(pp, P, input, B_tc, _B_SC, W, C)
    idx = jnp.arange(W)
    bgns = params[:B_tc, : _STRIPES_NUM]
    ends = params[:B_tc, _STRIPES_NUM :]
    in_stripe = (idx[None, None, :] >= bgns[:, :, None]) & (
        idx[None, None, :] < ends[:, :, None]
    )
    keep = (~jnp.any(in_stripe, axis=1)).astype(input.dtype)
    out_tc = input[:B_tc] * keep[:, :, None]
    return (out_tc, out_sc)

# --- scband reference (transcript-rebuilt; emitter-appended) ---
"""Pipeline reference for scband-drop-stripes-56959856279685 (READ-ONLY COPY).

The authoritative reference and input builder live on the scoring server;
editing this copy changes nothing except your own understanding.
"""

import jax, jax.numpy as jnp
import numpy as np

DIM = 1
DROP_WIDTH = 64
STRIPES_NUM = 2


def setup_inputs(seed: int = 0) -> dict:
    key = jax.random.key(seed)
    x = jax.random.normal(key, (128, 2048, 128), dtype=jnp.float32)
    return {"input": x}


def reference(input):
    # DropStripes in training mode: for each sample, drop STRIPES_NUM random
    # stripes of width in [0, DROP_WIDTH) along axis DIM by zeroing them.
    # Randomness is reproduced with a fixed jax PRNG key (torch RNG streams
    # cannot be matched bit-for-bit, but the math is identical).
    B = input.shape[0]
    total_width = input.shape[DIM]
    key = jax.random.key(42)
    k_dist, k_bgn = jax.random.split(key)
    # distance ~ randint(0, drop_width) per (sample, stripe)
    distances = jax.random.randint(k_dist, (B, STRIPES_NUM), 0, DROP_WIDTH)
    # bgn ~ randint(0, total_width - distance); emulate dynamic upper bound
    # via uniform * (total_width - distance)
    u = jax.random.uniform(k_bgn, (B, STRIPES_NUM))
    bgns = jnp.floor(u * (total_width - distances).astype(jnp.float32)).astype(jnp.int32)
    idx = jnp.arange(total_width)  # (W,)
    # per-stripe membership mask: (B, stripes, W)
    in_stripe = (idx[None, None, :] >= bgns[:, :, None]) & (
        idx[None, None, :] < (bgns + distances)[:, :, None]
    )
    drop_mask = jnp.any(in_stripe, axis=1)  # (B, W)
    keep = (~drop_mask).astype(input.dtype)
    if DIM == 1:
        out = input * keep[:, :, None]
    else:  # DIM == 2
        out = input * keep[:, None, :]
    return out

if __name__ == "__main__":
    import jax
    _d = setup_inputs()
    print(jax.jit(kernel)(*tuple(_d.values())))

</pallas_src>

<mosaic_0001>
#map = affine_map<(d0, d1) -> (0)>
#map1 = affine_map<(d0, d1) -> (0, 0, 0)>
module attributes {stable_mosaic.version = 14 : i64} {
  func.func @run(%arg0: i32, %arg1: i32, %arg2: memref<512xi32, #tpu.memory_space<hbm>>, %arg3: memref<128x2048x128xf32, #tpu.memory_space<hbm>>, %arg4: memref<32x2048x128xf32, #tpu.memory_space<hbm>>, %arg5: memref<16xi32, #tpu.memory_space<vmem>>, %arg6: memref<256x128xf32, #tpu.memory_space<vmem>>) attributes {dimension_semantics = [#tpu.dimension_semantics<core_parallel>, #tpu.dimension_semantics<subcore_parallel>], iteration_bounds = array<i64: 2, 16>, scalar_prefetch = 0 : i64, scratch_operands = 2 : i64, tpu.core_type = #tpu.core_type<sc_vector_subcore>, window_params = [{transform_indices = #map}, {transform_indices = #map1}, {transform_indices = #map1}]} {
    %mul3A = arith.constant 2 : i32
    %mul3A_0 = arith.muli %arg1, %mul3A : i32
    %add3A = arith.addi %mul3A_0, %arg0 : i32
    %mul3A_1 = arith.constant 16 : i32
    %mul3A_2 = arith.muli %add3A, %mul3A_1 : i32
    "tpu.region"() ({
      %run_scoped3A = tpu.sem_alloc : memref<!tpu.dma_semaphore, #tpu.memory_space<semaphore_mem>>
      %dma_start3A = tpu.memref_slice %arg2[%mul3A_2] : memref<512xi32, #tpu.memory_space<hbm>> -> memref<16xi32, #tpu.memory_space<hbm>>
      %dma_start3A_290 = tpu.memref_slice %arg2[%mul3A_2] : memref<512xi32, #tpu.memory_space<hbm>> -> memref<16xi32, #tpu.memory_space<hbm>>
      tpu.enqueue_dma source(%dma_start3A_290 : memref<16xi32, #tpu.memory_space<hbm>>) target(%arg5 : memref<16xi32, #tpu.memory_space<vmem>>) target_semaphore(%run_scoped3A : memref<!tpu.dma_semaphore, #tpu.memory_space<semaphore_mem>>)
      %dma_wait3A = tpu.memref_slice %arg2[%mul3A_2] : memref<512xi32, #tpu.memory_space<hbm>> -> memref<16xi32, #tpu.memory_space<hbm>>
      %dma_wait3A_291 = tpu.memref_slice %arg2[%mul3A_2] : memref<512xi32, #tpu.memory_space<hbm>> -> memref<16xi32, #tpu.memory_space<hbm>>
      tpu.wait_dma2 semaphore(%run_scoped3A : memref<!tpu.dma_semaphore, #tpu.memory_space<semaphore_mem>>) src(%dma_wait3A_291 : memref<16xi32, #tpu.memory_space<hbm>>) dst(%arg5 : memref<16xi32, #tpu.memory_space<vmem>>)
      tpu.yield
    }) : () -> ()
    %broadcast_in_dim3A = arith.constant 0.000000e+00 : f32
    %broadcast_in_dim3A_3 = vector.broadcast %broadcast_in_dim3A : f32 to vector<16xf32>
    %get3A = arith.constant 0 : index
    %get3A_4 = tpu.vector_load %arg5[%get3A] {strides = array<i32>} : memref<16xi32, #tpu.memory_space<vmem>>, vector<16xi32>,
    %get3A_5 = vector.shape_cast %get3A_4 : vector<16xi32> to vector<16xi32>
    %mul3A_6 = arith.constant 1 : i32
    %mul3A_7 = arith.muli %add3A, %mul3A_6 : i32
    %add3A_8 = arith.constant 96 : i32
    %add3A_9 = arith.addi %add3A_8, %mul3A_7 : i32
    %add3A_10 = arith.constant 0 : i32
    %add3A_11 = arith.addi %add3A_9, %add3A_10 : i32
    %mul3A_12 = arith.constant 1 : i32
    %mul3A_13 = arith.muli %add3A, %mul3A_12 : i32
    %add3A_14 = arith.constant 0 : i32
    %add3A_15 = arith.addi %mul3A_13, %add3A_14 : i32
    %slice3A = vector.extract_strided_slice %get3A_5 {offsets = [0], sizes = [1], strides = [1]} : vector<16xi32> to vector<1xi32>
    %squeeze3A = vector.extract %slice3A[0] : i32 from vector<1xi32>
    %slice3A_16 = vector.extract_strided_slice %get3A_5 {offsets = [2], sizes = [1], strides = [1]} : vector<16xi32> to vector<1xi32>
    %squeeze3A_17 = vector.extract %slice3A_16[0] : i32 from vector<1xi32>
    %slice3A_18 = vector.extract_strided_slice %get3A_5 {offsets = [1], sizes = [1], strides = [1]} : vector<16xi32> to vector<1xi32>
    %squeeze3A_19 = vector.extract %slice3A_18[0] : i32 from vector<1xi32>
    %slice3A_20 = vector.extract_strided_slice %get3A_5 {offsets = [3], sizes = [1], strides = [1]} : vector<16xi32> to vector<1xi32>
    %squeeze3A_21 = vector.extract %slice3A_20[0] : i32 from vector<1xi32>
    "tpu.region"() ({
      %run_scoped3A = tpu.sem_alloc : memref<!tpu.dma_semaphore, #tpu.memory_space<semaphore_mem>>
      %dma_start3A = arith.constant 0 : i32
      %dma_start3A_290 = arith.constant 0 : i32
      %dma_start3A_291 = tpu.memref_slice %arg3[%add3A_11, %dma_start3A, %dma_start3A_290] : memref<128x2048x128xf32, #tpu.memory_space<hbm>> -> memref<1x256x128xf32, #tpu.memory_space<hbm>>
      %dma_start3A_292 = tpu.memref_squeeze %dma_start3A_291 : memref<1x256x128xf32, #tpu.memory_space<hbm>> -> memref<256x128xf32, #tpu.memory_space<hbm>>
      %dma_start3A_293 = arith.constant 0 : i32
      %dma_start3A_294 = arith.constant 0 : i32
      %dma_start3A_295 = tpu.memref_slice %arg3[%add3A_11, %dma_start3A_293, %dma_start3A_294] : memref<128x2048x128xf32, #tpu.memory_space<hbm>> -> memref<1x256x128xf32, #tpu.memory_space<hbm>>
      %dma_start3A_296 = tpu.memref_squeeze %dma_start3A_295 : memref<1x256x128xf32, #tpu.memory_space<hbm>> -> memref<256x128xf32, #tpu.memory_space<hbm>>
      tpu.enqueue_dma source(%dma_start3A_296 : memref<256x128xf32, #tpu.memory_space<hbm>>) target(%arg6 : memref<256x128xf32, #tpu.memory_space<vmem>>) target_semaphore(%run_scoped3A : memref<!tpu.dma_semaphore, #tpu.memory_space<semaphore_mem>>)
      %dma_wait3A = arith.constant 0 : i32
      %dma_wait3A_297 = arith.constant 0 : i32
      %dma_wait3A_298 = tpu.memref_slice %arg3[%add3A_11, %dma_wait3A, %dma_wait3A_297] : memref<128x2048x128xf32, #tpu.memory_space<hbm>> -> memref<1x256x128xf32, #tpu.memory_space<hbm>>
      %dma_wait3A_299 = tpu.memref_squeeze %dma_wait3A_298 : memref<1x256x128xf32, #tpu.memory_space<hbm>> -> memref<256x128xf32, #tpu.memory_space<hbm>>
      %dma_wait3A_300 = arith.constant 0 : i32
      %dma_wait3A_301 = arith.constant 0 : i32
      %dma_wait3A_302 = tpu.memref_slice %arg3[%add3A_11, %dma_wait3A_300, %dma_wait3A_301] : memref<128x2048x128xf32, #tpu.memory_space<hbm>> -> memref<1x256x128xf32, #tpu.memory_space<hbm>>
      %dma_wait3A_303 = tpu.memref_squeeze %dma_wait3A_302 : memref<1x256x128xf32, #tpu.memory_space<hbm>> -> memref<256x128xf32, #tpu.memory_space<hbm>>
      tpu.wait_dma2 semaphore(%run_scoped3A : memref<!tpu.dma_semaphore, #tpu.memory_space<semaphore_mem>>) src(%dma_wait3A_303 : memref<256x128xf32, #tpu.memory_space<hbm>>) dst(%arg6 : memref<256x128xf32, #tpu.memory_space<vmem>>)
      tpu.yield
    }) : () -> ()
    %sub3A = arith.constant 0 : i32
    %sub3A_22 = arith.subi %squeeze3A, %sub3A : i32
    %max3A = arith.constant 0 : i32
    %max3A_23 = arith.maxsi %sub3A_22, %max3A : i32
    %sub3A_24 = arith.constant 0 : i32
    %sub3A_25 = arith.subi %squeeze3A_17, %sub3A_24 : i32
    %min3A = arith.constant 256 : i32
    %min3A_26 = arith.minsi %sub3A_25, %min3A : i32
    %while3A = arith.constant 0 : i32
    %while3A_27 = arith.subi %min3A_26, %max3A_23 : i32
    %while3A_28 = arith.addi %max3A_23, %while3A_27 : i32
    %while3A_29 = arith.constant 1 : i32
    %while3A_30 = arith.divsi %while3A_27, %while3A_29 : i32
    %while3A_31 = arith.muli %while3A_30, %while3A_29 : i32
    %while3A_32 = arith.addi %max3A_23, %while3A_31 : i32
    %while3A_33 = arith.constant 1 : i32
    scf.for %while3A_290 = %max3A_23 to %while3A_32 step %while3A_33  : i32 {
      %swap3A = arith.index_cast %while3A_290 : i32 to index
      %swap3A_291 = arith.constant 0 : index
      %swap3A_292 = tpu.vector_load %arg6[%swap3A, %swap3A_291] {strides = array<i32>} : memref<256x128xf32, #tpu.memory_space<vmem>>, vector<1x16xf32>,
      %swap3A_293 = vector.shape_cast %swap3A_292 : vector<1x16xf32> to vector<16xf32>
      %swap3A_294 = vector.shape_cast %broadcast_in_dim3A_3 : vector<16xf32> to vector<1x16xf32>
      tpu.vector_store %arg6[%swap3A, %swap3A_291], %swap3A_294 {strides = array<i32>} : memref<256x128xf32, #tpu.memory_space<vmem>>, vector<1x16xf32>,
      %swap3A_295 = arith.index_cast %while3A_290 : i32 to index
      %swap3A_296 = arith.constant 16 : index
      %swap3A_297 = tpu.vector_load %arg6[%swap3A_295, %swap3A_296] {strides = array<i32>} : memref<256x128xf32, #tpu.memory_space<vmem>>, vector<1x16xf32>,
      %swap3A_298 = vector.shape_cast %swap3A_297 : vector<1x16xf32> to vector<16xf32>
      %swap3A_299 = vector.shape_cast %broadcast_in_dim3A_3 : vector<16xf32> to vector<1x16xf32>
      tpu.vector_store %arg6[%swap3A_295, %swap3A_296], %swap3A_299 {strides = array<i32>} : memref<256x128xf32, #tpu.memory_space<vmem>>, vector<1x16xf32>,
      %swap3A_300 = arith.index_cast %while3A_290 : i32 to index
      %swap3A_301 = arith.constant 32 : index
      %swap3A_302 = tpu.vector_load %arg6[%swap3A_300, %swap3A_301] {strides = array<i32>} : memref<256x128xf32, #tpu.memory_space<vmem>>, vector<1x16xf32>,
      %swap3A_303 = vector.shape_cast %swap3A_302 : vector<1x16xf32> to vector<16xf32>
      %swap3A_304 = vector.shape_cast %broadcast_in_dim3A_3 : vector<16xf32> to vector<1x16xf32>
      tpu.vector_store %arg6[%swap3A_300, %swap3A_301], %swap3A_304 {strides = array<i32>} : memref<256x128xf32, #tpu.memory_space<vmem>>, vector<1x16xf32>,
      %swap3A_305 = arith.index_cast %while3A_290 : i32 to index
      %swap3A_306 = arith.constant 48 : index
      %swap3A_307 = tpu.vector_load %arg6[%swap3A_305, %swap3A_306] {strides = array<i32>} : memref<256x128xf32, #tpu.memory_space<vmem>>, vector<1x16xf32>,
      %swap3A_308 = vector.shape_cast %swap3A_307 : vector<1x16xf32> to vector<16xf32>
      %swap3A_309 = vector.shape_cast %broadcast_in_dim3A_3 : vector<16xf32> to vector<1x16xf32>
      tpu.vector_store %arg6[%swap3A_305, %swap3A_306], %swap3A_309 {strides = array<i32>} : memref<256x128xf32, #tpu.memory_space<vmem>>, vector<1x16xf32>,
      %swap3A_310 = arith.index_cast %while3A_290 : i32 to index
      %swap3A_311 = arith.constant 64 : index
      %swap3A_312 = tpu.vector_load %arg6[%swap3A_310, %swap3A_311] {strides = array<i32>} : memref<256x128xf32, #tpu.memory_space<vmem>>, vector<1x16xf32>,
      %swap3A_313 = vector.shape_cast %swap3A_312 : vector<1x16xf32> to vector<16xf32>
      %swap3A_314 = vector.shape_cast %broadcast_in_dim3A_3 : vector<16xf32> to vector<1x16xf32>
      tpu.vector_store %arg6[%swap3A_310, %swap3A_311], %swap3A_314 {strides = array<i32>} : memref<256x128xf32, #tpu.memory_space<vmem>>, vector<1x16xf32>,
      %swap3A_315 = arith.index_cast %while3A_290 : i32 to index
      %swap3A_316 = arith.constant 80 : index
      %swap3A_317 = tpu.vector_load %arg6[%swap3A_315, %swap3A_316] {strides = array<i32>} : memref<256x128xf32, #tpu.memory_space<vmem>>, vector<1x16xf32>,
      %swap3A_318 = vector.shape_cast %swap3A_317 : vector<1x16xf32> to vector<16xf32>
      %swap3A_319 = vector.shape_cast %broadcast_in_dim3A_3 : vector<16xf32> to vector<1x16xf32>
      tpu.vector_store %arg6[%swap3A_315, %swap3A_316], %swap3A_319 {strides = array<i32>} : memref<256x128xf32, #tpu.memory_space<vmem>>, vector<1x16xf32>,
      %swap3A_320 = arith.index_cast %while3A_290 : i32 to index
      %swap3A_321 = arith.constant 96 : index
      %swap3A_322 = tpu.vector_load %arg6[%swap3A_320, %swap3A_321] {strides = array<i32>} : memref<256x128xf32, #tpu.memory_space<vmem>>, vector<1x16xf32>,
      %swap3A_323 = vector.shape_cast %swap3A_322 : vector<1x16xf32> to vector<16xf32>
      %swap3A_324 = vector.shape_cast %broadcast_in_dim3A_3 : vector<16xf32> to vector<1x16xf32>
      tpu.vector_store %arg6[%swap3A_320, %swap3A_321], %swap3A_324 {strides = array<i32>} : memref<256x128xf32, #tpu.memory_space<vmem>>, vector<1x16xf32>,
      %swap3A_325 = arith.index_cast %while3A_290 : i32 to index
      %swap3A_326 = arith.constant 112 : index
      %swap3A_327 = tpu.vector_load %arg6[%swap3A_325, %swap3A_326] {strides = array<i32>} : memref<256x128xf32, #tpu.memory_space<vmem>>, vector<1x16xf32>,
      %swap3A_328 = vector.shape_cast %swap3A_327 : vector<1x16xf32> to vector<16xf32>
      %swap3A_329 = vector.shape_cast %broadcast_in_dim3A_3 : vector<16xf32> to vector<1x16xf32>
      tpu.vector_store %arg6[%swap3A_325, %swap3A_326], %swap3A_329 {strides = array<i32>} : memref<256x128xf32, #tpu.memory_space<vmem>>, vector<1x16xf32>,
    }
    %while3A_34 = arith.constant 1 : i32
    scf.for %while3A_290 = %while3A_32 to %while3A_28 step %while3A_34  : i32 {
      %swap3A = arith.index_cast %while3A_290 : i32 to index
      %swap3A_291 = arith.constant 0 : index
      %swap3A_292 = tpu.vector_load %arg6[%swap3A, %swap3A_291] {strides = array<i32>} : memref<256x128xf32, #tpu.memory_space<vmem>>, vector<1x16xf32>,
      %swap3A_293 = vector.shape_cast %swap3A_292 : vector<1x16xf32> to vector<16xf32>
      %swap3A_294 = vector.shape_cast %broadcast_in_dim3A_3 : vector<16xf32> to vector<1x16xf32>
      tpu.vector_store %arg6[%swap3A, %swap3A_291], %swap3A_294 {strides = array<i32>} : memref<256x128xf32, #tpu.memory_space<vmem>>, vector<1x16xf32>,
      %swap3A_295 = arith.index_cast %while3A_290 : i32 to index
      %swap3A_296 = arith.constant 16 : index
      %swap3A_297 = tpu.vector_load %arg6[%swap3A_295, %swap3A_296] {strides = array<i32>} : memref<256x128xf32, #tpu.memory_space<vmem>>, vector<1x16xf32>,
      %swap3A_298 = vector.shape_cast %swap3A_297 : vector<1x16xf32> to vector<16xf32>
      %swap3A_299 = vector.shape_cast %broadcast_in_dim3A_3 : vector<16xf32> to vector<1x16xf32>
      tpu.vector_store %arg6[%swap3A_295, %swap3A_296], %swap3A_299 {strides = array<i32>} : memref<256x128xf32, #tpu.memory_space<vmem>>, vector<1x16xf32>,
      %swap3A_300 = arith.index_cast %while3A_290 : i32 to index
      %swap3A_301 = arith.constant 32 : index
      %swap3A_302 = tpu.vector_load %arg6[%swap3A_300, %swap3A_301] {strides = array<i32>} : memref<256x128xf32, #tpu.memory_space<vmem>>, vector<1x16xf32>,
      %swap3A_303 = vector.shape_cast %swap3A_302 : vector<1x16xf32> to vector<16xf32>
      %swap3A_304 = vector.shape_cast %broadcast_in_dim3A_3 : vector<16xf32> to vector<1x16xf32>
      tpu.vector_store %arg6[%swap3A_300, %swap3A_301], %swap3A_304 {strides = array<i32>} : memref<256x128xf32, #tpu.memory_space<vmem>>, vector<1x16xf32>,
      %swap3A_305 = arith.index_cast %while3A_290 : i32 to index
      %swap3A_306 = arith.constant 48 : index
      %swap3A_307 = tpu.vector_load %arg6[%swap3A_305, %swap3A_306] {strides = array<i32>} : memref<256x128xf32, #tpu.memory_space<vmem>>, vector<1x16xf32>,
      %swap3A_308 = vector.shape_cast %swap3A_307 : vector<1x16xf32> to vector<16xf32>
      %swap3A_309 = vector.shape_cast %broadcast_in_dim3A_3 : vector<16xf32> to vector<1x16xf32>
      tpu.vector_store %arg6[%swap3A_305, %swap3A_306], %swap3A_309 {strides = array<i32>} : memref<256x128xf32, #tpu.memory_space<vmem>>, vector<1x16xf32>,
      %swap3A_310 = arith.index_cast %while3A_290 : i32 to index
      %swap3A_311 = arith.constant 64 : index
      %swap3A_312 = tpu.vector_load %arg6[%swap3A_310, %swap3A_311] {strides = array<i32>} : memref<256x128xf32, #tpu.memory_space<vmem>>, vector<1x16xf32>,
      %swap3A_313 = vector.shape_cast %swap3A_312 : vector<1x16xf32> to vector<16xf32>
      %swap3A_314 = vector.shape_cast %broadcast_in_dim3A_3 : vector<16xf32> to vector<1x16xf32>
      tpu.vector_store %arg6[%swap3A_310, %swap3A_311], %swap3A_314 {strides = array<i32>} : memref<256x128xf32, #tpu.memory_space<vmem>>, vector<1x16xf32>,
      %swap3A_315 = arith.index_cast %while3A_290 : i32 to index
      %swap3A_316 = arith.constant 80 : index
      %swap3A_317 = tpu.vector_load %arg6[%swap3A_315, %swap3A_316] {strides = array<i32>} : memref<256x128xf32, #tpu.memory_space<vmem>>, vector<1x16xf32>,
      %swap3A_318 = vector.shape_cast %swap3A_317 : vector<1x16xf32> to vector<16xf32>
      %swap3A_319 = vector.shape_cast %broadcast_in_dim3A_3 : vector<16xf32> to vector<1x16xf32>
      tpu.vector_store %arg6[%swap3A_315, %swap3A_316], %swap3A_319 {strides = array<i32>} : memref<256x128xf32, #tpu.memory_space<vmem>>, vector<1x16xf32>,
      %swap3A_320 = arith.index_cast %while3A_290 : i32 to index
      %swap3A_321 = arith.constant 96 : index
      %swap3A_322 = tpu.vector_load %arg6[%swap3A_320, %swap3A_321] {strides = array<i32>} : memref<256x128xf32, #tpu.memory_space<vmem>>, vector<1x16xf32>,
      %swap3A_323 = vector.shape_cast %swap3A_322 : vector<1x16xf32> to vector<16xf32>
      %swap3A_324 = vector.shape_cast %broadcast_in_dim3A_3 : vector<16xf32> to vector<1x16xf32>
      tpu.vector_store %arg6[%swap3A_320, %swap3A_321], %swap3A_324 {strides = array<i32>} : memref<256x128xf32, #tpu.memory_space<vmem>>, vector<1x16xf32>,
      %swap3A_325 = arith.index_cast %while3A_290 : i32 to index
      %swap3A_326 = arith.constant 112 : index
      %swap3A_327 = tpu.vector_load %arg6[%swap3A_325, %swap3A_326] {strides = array<i32>} : memref<256x128xf32, #tpu.memory_space<vmem>>, vector<1x16xf32>,
      %swap3A_328 = vector.shape_cast %swap3A_327 : vector<1x16xf32> to vector<16xf32>
      %swap3A_329 = vector.shape_cast %broadcast_in_dim3A_3 : vector<16xf32> to vector<1x16xf32>
      tpu.vector_store %arg6[%swap3A_325, %swap3A_326], %swap3A_329 {strides = array<i32>} : memref<256x128xf32, #tpu.memory_space<vmem>>, vector<1x16xf32>,
    }
    %sub3A_35 = arith.constant 0 : i32
    %sub3A_36 = arith.subi %squeeze3A_19, %sub3A_35 : i32
    %max3A_37 = arith.constant 0 : i32
    %max3A_38 = arith.maxsi %sub3A_36, %max3A_37 : i32
    %sub3A_39 = arith.constant 0 : i32
    %sub3A_40 = arith.subi %squeeze3A_21, %sub3A_39 : i32
    %min3A_41 = arith.constant 256 : i32
    %min3A_42 = arith.minsi %sub3A_40, %min3A_41 : i32
    %while3A_43 = arith.constant 0 : i32
    %while3A_44 = arith.subi %min3A_42, %max3A_38 : i32
    %while3A_45 = arith.addi %max3A_38, %while3A_44 : i32
    %while3A_46 = arith.constant 1 : i32
    %while3A_47 = arith.divsi %while3A_44, %while3A_46 : i32
    %while3A_48 = arith.muli %while3A_47, %while3A_46 : i32
    %while3A_49 = arith.addi %max3A_38, %while3A_48 : i32
    %while3A_50 = arith.constant 1 : i32
    scf.for %while3A_290 = %max3A_38 to %while3A_49 step %while3A_50  : i32 {
      %swap3A = arith.index_cast %while3A_290 : i32 to index
      %swap3A_291 = arith.constant 0 : index
      %swap3A_292 = tpu.vector_load %arg6[%swap3A, %swap3A_291] {strides = array<i32>} : memref<256x128xf32, #tpu.memory_space<vmem>>, vector<1x16xf32>,
      %swap3A_293 = vector.shape_cast %swap3A_292 : vector<1x16xf32> to vector<16xf32>
      %swap3A_294 = vector.shape_cast %broadcast_in_dim3A_3 : vector<16xf32> to vector<1x16xf32>
      tpu.vector_store %arg6[%swap3A, %swap3A_291], %swap3A_294 {strides = array<i32>} : memref<256x128xf32, #tpu.memory_space<vmem>>, vector<1x16xf32>,
      %swap3A_295 = arith.index_cast %while3A_290 : i32 to index
      %swap3A_296 = arith.constant 16 : index
      %swap3A_297 = tpu.vector_load %arg6[%swap3A_295, %swap3A_296] {strides = array<i32>} : memref<256x128xf32, #tpu.memory_space<vmem>>, vector<1x16xf32>,
      %swap3A_298 = vector.shape_cast %swap3A_297 : vector<1x16xf32> to vector<16xf32>
      %swap3A_299 = vector.shape_cast %broadcast_in_dim3A_3 : vector<16xf32> to vector<1x16xf32>
      tpu.vector_store %arg6[%swap3A_295, %swap3A_296], %swap3A_299 {strides = array<i32>} : memref<256x128xf32, #tpu.memory_space<vmem>>, vector<1x16xf32>,
      %swap3A_300 = arith.index_cast %while3A_290 : i32 to index
      %swap3A_301 = arith.constant 32 : index
      %swap3A_302 = tpu.vector_load %arg6[%swap3A_300, %swap3A_301] {strides = array<i32>} : memref<256x128xf32, #tpu.memory_space<vmem>>, vector<1x16xf32>,
      %swap3A_303 = vector.shape_cast %swap3A_302 : vector<1x16xf32> to vector<16xf32>
      %swap3A_304 = vector.shape_cast %broadcast_in_dim3A_3 : vector<16xf32> to vector<1x16xf32>
      tpu.vector_store %arg6[%swap3A_300, %swap3A_301], %swap3A_304 {strides = array<i32>} : memref<256x128xf32, #tpu.memory_space<vmem>>, vector<1x16xf32>,
      %swap3A_305 = arith.index_cast %while3A_290 : i32 to index
      %swap3A_306 = arith.constant 48 : index
      %swap3A_307 = tpu.vector_load %arg6[%swap3A_305, %swap3A_306] {strides = array<i32>} : memref<256x128xf32, #tpu.memory_space<vmem>>, vector<1x16xf32>,
      %swap3A_308 = vector.shape_cast %swap3A_307 : vector<1x16xf32> to vector<16xf32>
      %swap3A_309 = vector.shape_cast %broadcast_in_dim3A_3 : vector<16xf32> to vector<1x16xf32>
      tpu.vector_store %arg6[%swap3A_305, %swap3A_306], %swap3A_309 {strides = array<i32>} : memref<256x128xf32, #tpu.memory_space<vmem>>, vector<1x16xf32>,
      %swap3A_310 = arith.index_cast %while3A_290 : i32 to index
      %swap3A_311 = arith.constant 64 : index
      %swap3A_312 = tpu.vector_load %arg6[%swap3A_310, %swap3A_311] {strides = array<i32>} : memref<256x128xf32, #tpu.memory_space<vmem>>, vector<1x16xf32>,
      %swap3A_313 = vector.shape_cast %swap3A_312 : vector<1x16xf32> to vector<16xf32>
      %swap3A_314 = vector.shape_cast %broadcast_in_dim3A_3 : vector<16xf32> to vector<1x16xf32>
      tpu.vector_store %arg6[%swap3A_310, %swap3A_311], %swap3A_314 {strides = array<i32>} : memref<256x128xf32, #tpu.memory_space<vmem>>, vector<1x16xf32>,
      %swap3A_315 = arith.index_cast %while3A_290 : i32 to index
      %swap3A_316 = arith.constant 80 : index
      %swap3A_317 = tpu.vector_load %arg6[%swap3A_315, %swap3A_316] {strides = array<i32>} : memref<256x128xf32, #tpu.memory_space<vmem>>, vector<1x16xf32>,
      %swap3A_318 = vector.shape_cast %swap3A_317 : vector<1x16xf32> to vector<16xf32>
      %swap3A_319 = vector.shape_cast %broadcast_in_dim3A_3 : vector<16xf32> to vector<1x16xf32>
      tpu.vector_store %arg6[%swap3A_315, %swap3A_316], %swap3A_319 {strides = array<i32>} : memref<256x128xf32, #tpu.memory_space<vmem>>, vector<1x16xf32>,
      %swap3A_320 = arith.index_cast %while3A_290 : i32 to index
      %swap3A_321 = arith.constant 96 : index
      %swap3A_322 = tpu.vector_load %arg6[%swap3A_320, %swap3A_321] {strides = array<i32>} : memref<256x128xf32, #tpu.memory_space<vmem>>, vector<1x16xf32>,
      %swap3A_323 = vector.shape_cast %swap3A_322 : vector<1x16xf32> to vector<16xf32>
      %swap3A_324 = vector.shape_cast %broadcast_in_dim3A_3 : vector<16xf32> to vector<1x16xf32>
      tpu.vector_store %arg6[%swap3A_320, %swap3A_321], %swap3A_324 {strides = array<i32>} : memref<256x128xf32, #tpu.memory_space<vmem>>, vector<1x16xf32>,
      %swap3A_325 = arith.index_cast %while3A_290 : i32 to index
      %swap3A_326 = arith.constant 112 : index
      %swap3A_327 = tpu.vector_load %arg6[%swap3A_325, %swap3A_326] {strides = array<i32>} : memref<256x128xf32, #tpu.memory_space<vmem>>, vector<1x16xf32>,
      %swap3A_328 = vector.shape_cast %swap3A_327 : vector<1x16xf32> to vector<16xf32>
      %swap3A_329 = vector.shape_cast %broadcast_in_dim3A_3 : vector<16xf32> to vector<1x16xf32>
      tpu.vector_store %arg6[%swap3A_325, %swap3A_326], %swap3A_329 {strides = array<i32>} : memref<256x128xf32, #tpu.memory_space<vmem>>, vector<1x16xf32>,
    }
    %while3A_51 = arith.constant 1 : i32
    scf.for %while3A_290 = %while3A_49 to %while3A_45 step %while3A_51  : i32 {
      %swap3A = arith.index_cast %while3A_290 : i32 to index
      %swap3A_291 = arith.constant 0 : index
      %swap3A_292 = tpu.vector_load %arg6[%swap3A, %swap3A_291] {strides = array<i32>} : memref<256x128xf32, #tpu.memory_space<vmem>>, vector<1x16xf32>,
      %swap3A_293 = vector.shape_cast %swap3A_292 : vector<1x16xf32> to vector<16xf32>
      %swap3A_294 = vector.shape_cast %broadcast_in_dim3A_3 : vector<16xf32> to vector<1x16xf32>
      tpu.vector_store %arg6[%swap3A, %swap3A_291], %swap3A_294 {strides = array<i32>} : memref<256x128xf32, #tpu.memory_space<vmem>>, vector<1x16xf32>,
      %swap3A_295 = arith.index_cast %while3A_290 : i32 to index
      %swap3A_296 = arith.constant 16 : index
      %swap3A_297 = tpu.vector_load %arg6[%swap3A_295, %swap3A_296] {strides = array<i32>} : memref<256x128xf32, #tpu.memory_space<vmem>>, vector<1x16xf32>,
      %swap3A_298 = vector.shape_cast %swap3A_297 : vector<1x16xf32> to vector<16xf32>
      %swap3A_299 = vector.shape_cast %broadcast_in_dim3A_3 : vector<16xf32> to vector<1x16xf32>
      tpu.vector_store %arg6[%swap3A_295, %swap3A_296], %swap3A_299 {strides = array<i32>} : memref<256x128xf32, #tpu.memory_space<vmem>>, vector<1x16xf32>,
      %swap3A_300 = arith.index_cast %while3A_290 : i32 to index
      %swap3A_301 = arith.constant 32 : index
      %swap3A_302 = tpu.vector_load %arg6[%swap3A_300, %swap3A_301] {strides = array<i32>} : memref<256x128xf32, #tpu.memory_space<vmem>>, vector<1x16xf32>,
      %swap3A_303 = vector.shape_cast %swap3A_302 : vector<1x16xf32> to vector<16xf32>
      %swap3A_304 = vector.shape_cast %broadcast_in_dim3A_3 : vector<16xf32> to vector<1x16xf32>
      tpu.vector_store %arg6[%swap3A_300, %swap3A_301], %swap3A_304 {strides = array<i32>} : memref<256x128xf32, #tpu.memory_space<vmem>>, vector<1x16xf32>,
      %swap3A_305 = arith.index_cast %while3A_290 : i32 to index
      %swap3A_306 = arith.constant 48 : index
      %swap3A_307 = tpu.vector_load %arg6[%swap3A_305, %swap3A_306] {strides = array<i32>} : memref<256x128xf32, #tpu.memory_space<vmem>>, vector<1x16xf32>,
      %swap3A_308 = vector.shape_cast %swap3A_307 : vector<1x16xf32> to vector<16xf32>
      %swap3A_309 = vector.shape_cast %broadcast_in_dim3A_3 : vector<16xf32> to vector<1x16xf32>
      tpu.vector_store %arg6[%swap3A_305, %swap3A_306], %swap3A_309 {strides = array<i32>} : memref<256x128xf32, #tpu.memory_space<vmem>>, vector<1x16xf32>,
      %swap3A_310 = arith.index_cast %while3A_290 : i32 to index
      %swap3A_311 = arith.constant 64 : index
      %swap3A_312 = tpu.vector_load %arg6[%swap3A_310, %swap3A_311] {strides = array<i32>} : memref<256x128xf32, #tpu.memory_space<vmem>>, vector<1x16xf32>,
      %swap3A_313 = vector.shape_cast %swap3A_312 : vector<1x16xf32> to vector<16xf32>
      %swap3A_314 = vector.shape_cast %broadcast_in_dim3A_3 : vector<16xf32> to vector<1x16xf32>
      tpu.vector_store %arg6[%swap3A_310, %swap3A_311], %swap3A_314 {strides = array<i32>} : memref<256x128xf32, #tpu.memory_space<vmem>>, vector<1x16xf32>,
      %swap3A_315 = arith.index_cast %while3A_290 : i32 to index
      %swap3A_316 = arith.constant 80 : index
      %swap3A_317 = tpu.vector_load %arg6[%swap3A_315, %swap3A_316] {strides = array<i32>} : memref<256x128xf32, #tpu.memory_space<vmem>>, vector<1x16xf32>,
      %swap3A_318 = vector.shape_cast %swap3A_317 : vector<1x16xf32> to vector<16xf32>
      %swap3A_319 = vector.shape_cast %broadcast_in_dim3A_3 : vector<16xf32> to vector<1x16xf32>
      tpu.vector_store %arg6[%swap3A_315, %swap3A_316], %swap3A_319 {strides = array<i32>} : memref<256x128xf32, #tpu.memory_space<vmem>>, vector<1x16xf32>,
      %swap3A_320 = arith.index_cast %while3A_290 : i32 to index
      %swap3A_321 = arith.constant 96 : index
      %swap3A_322 = tpu.vector_load %arg6[%swap3A_320, %swap3A_321] {strides = array<i32>} : memref<256x128xf32, #tpu.memory_space<vmem>>, vector<1x16xf32>,
      %swap3A_323 = vector.shape_cast %swap3A_322 : vector<1x16xf32> to vector<16xf32>
      %swap3A_324 = vector.shape_cast %broadcast_in_dim3A_3 : vector<16xf32> to vector<1x16xf32>
      tpu.vector_store %arg6[%swap3A_320, %swap3A_321], %swap3A_324 {strides = array<i32>} : memref<256x128xf32, #tpu.memory_space<vmem>>, vector<1x16xf32>,
      %swap3A_325 = arith.index_cast %while3A_290 : i32 to index
      %swap3A_326 = arith.constant 112 : index
      %swap3A_327 = tpu.vector_load %arg6[%swap3A_325, %swap3A_326] {strides = array<i32>} : memref<256x128xf32, #tpu.memory_space<vmem>>, vector<1x16xf32>,
      %swap3A_328 = vector.shape_cast %swap3A_327 : vector<1x16xf32> to vector<16xf32>
      %swap3A_329 = vector.shape_cast %broadcast_in_dim3A_3 : vector<16xf32> to vector<1x16xf32>
      tpu.vector_store %arg6[%swap3A_325, %swap3A_326], %swap3A_329 {strides = array<i32>} : memref<256x128xf32, #tpu.memory_space<vmem>>, vector<1x16xf32>,
    }
    "tpu.region"() ({
      %run_scoped3A = tpu.sem_alloc : memref<!tpu.dma_semaphore, #tpu.memory_space<semaphore_mem>>
      %dma_start3A = arith.constant 0 : i32
      %dma_start3A_290 = arith.constant 0 : i32
      %dma_start3A_291 = tpu.memref_slice %arg4[%add3A_15, %dma_start3A, %dma_start3A_290] : memref<32x2048x128xf32, #tpu.memory_space<hbm>> -> memref<1x256x128xf32, #tpu.memory_space<hbm>>
      %dma_start3A_292 = tpu.memref_squeeze %dma_start3A_291 : memref<1x256x128xf32, #tpu.memory_space<hbm>> -> memref<256x128xf32, #tpu.memory_space<hbm>>
      %dma_start3A_293 = arith.constant 0 : i32
      %dma_start3A_294 = arith.constant 0 : i32
      %dma_start3A_295 = tpu.memref_slice %arg4[%add3A_15, %dma_start3A_293, %dma_start3A_294] : memref<32x2048x128xf32, #tpu.memory_space<hbm>> -> memref<1x256x128xf32, #tpu.memory_space<hbm>>
      %dma_start3A_296 = tpu.memref_squeeze %dma_start3A_295 : memref<1x256x128xf32, #tpu.memory_space<hbm>> -> memref<256x128xf32, #tpu.memory_space<hbm>>
      tpu.enqueue_dma source(%arg6 : memref<256x128xf32, #tpu.memory_space<vmem>>) target(%dma_start3A_296 : memref<256x128xf32, #tpu.memory_space<hbm>>) target_semaphore(%run_scoped3A : memref<!tpu.dma_semaphore, #tpu.memory_space<semaphore_mem>>)
      %dma_wait3A = arith.constant 0 : i32
      %dma_wait3A_297 = arith.constant 0 : i32
      %dma_wait3A_298 = tpu.memref_slice %arg4[%add3A_15, %dma_wait3A, %dma_wait3A_297] : memref<32x2048x128xf32, #tpu.memory_space<hbm>> -> memref<1x256x128xf32, #tpu.memory_space<hbm>>
      %dma_wait3A_299 = tpu.memref_squeeze %dma_wait3A_298 : memref<1x256x128xf32, #tpu.memory_space<hbm>> -> memref<256x128xf32, #tpu.memory_space<hbm>>
      %dma_wait3A_300 = arith.constant 0 : i32
      %dma_wait3A_301 = arith.constant 0 : i32
      %dma_wait3A_302 = tpu.memref_slice %arg4[%add3A_15, %dma_wait3A_300, %dma_wait3A_301] : memref<32x2048x128xf32, #tpu.memory_space<hbm>> -> memref<1x256x128xf32, #tpu.memory_space<hbm>>
      %dma_wait3A_303 = tpu.memref_squeeze %dma_wait3A_302 : memref<1x256x128xf32, #tpu.memory_space<hbm>> -> memref<256x128xf32, #tpu.memory_space<hbm>>
      tpu.wait_dma2 semaphore(%run_scoped3A : memref<!tpu.dma_semaphore, #tpu.memory_space<semaphore_mem>>) src(%arg6 : memref<256x128xf32, #tpu.memory_space<vmem>>) dst(%dma_wait3A_303 : memref<256x128xf32, #tpu.memory_space<hbm>>)
      tpu.yield
    }) : () -> ()
    "tpu.region"() ({
      %run_scoped3A = tpu.sem_alloc : memref<!tpu.dma_semaphore, #tpu.memory_space<semaphore_mem>>
      %dma_start3A = arith.constant 256 : i32
      %dma_start3A_290 = arith.constant 0 : i32
      %dma_start3A_291 = tpu.memref_slice %arg3[%add3A_11, %dma_start3A, %dma_start3A_290] : memref<128x2048x128xf32, #tpu.memory_space<hbm>> -> memref<1x256x128xf32, #tpu.memory_space<hbm>>
      %dma_start3A_292 = tpu.memref_squeeze %dma_start3A_291 : memref<1x256x128xf32, #tpu.memory_space<hbm>> -> memref<256x128xf32, #tpu.memory_space<hbm>>
      %dma_start3A_293 = arith.constant 256 : i32
      %dma_start3A_294 = arith.constant 0 : i32
      %dma_start3A_295 = tpu.memref_slice %arg3[%add3A_11, %dma_start3A_293, %dma_start3A_294] : memref<128x2048x128xf32, #tpu.memory_space<hbm>> -> memref<1x256x128xf32, #tpu.memory_space<hbm>>
      %dma_start3A_296 = tpu.memref_squeeze %dma_start3A_295 : memref<1x256x128xf32, #tpu.memory_space<hbm>> -> memref<256x128xf32, #tpu.memory_space<hbm>>
      tpu.enqueue_dma source(%dma_start3A_296 : memref<256x128xf32, #tpu.memory_space<hbm>>) target(%arg6 : memref<256x128xf32, #tpu.memory_space<vmem>>) target_semaphore(%run_scoped3A : memref<!tpu.dma_semaphore, #tpu.memory_space<semaphore_mem>>)
      %dma_wait3A = arith.constant 256 : i32
      %dma_wait3A_297 = arith.constant 0 : i32
      %dma_wait3A_298 = tpu.memref_slice %arg3[%add3A_11, %dma_wait3A, %dma_wait3A_297] : memref<128x2048x128xf32, #tpu.memory_space<hbm>> -> memref<1x256x128xf32, #tpu.memory_space<hbm>>
      %dma_wait3A_299 = tpu.memref_squeeze %dma_wait3A_298 : memref<1x256x128xf32, #tpu.memory_space<hbm>> -> memref<256x128xf32, #tpu.memory_space<hbm>>
      %dma_wait3A_300 = arith.constant 256 : i32
      %dma_wait3A_301 = arith.constant 0 : i32
      %dma_wait3A_302 = tpu.memref_slice %arg3[%add3A_11, %dma_wait3A_300, %dma_wait3A_301] : memref<128x2048x128xf32, #tpu.memory_space<hbm>> -> memref<1x256x128xf32, #tpu.memory_space<hbm>>
      %dma_wait3A_303 = tpu.memref_squeeze %dma_wait3A_302 : memref<1x256x128xf32, #tpu.memory_space<hbm>> -> memref<256x128xf32, #tpu.memory_space<hbm>>
      tpu.wait_dma2 semaphore(%run_scoped3A : memref<!tpu.dma_semaphore, #tpu.memory_space<semaphore_mem>>) src(%dma_wait3A_303 : memref<256x128xf32, #tpu.memory_space<hbm>>) dst(%arg6 : memref<256x128xf32, #tpu.memory_space<vmem>>)
      tpu.yield
    }) : () -> ()
    %sub3A_52 = arith.constant 256 : i32
    %sub3A_53 = arith.subi %squeeze3A, %sub3A_52 : i32
    %max3A_54 = arith.constant 0 : i32
    %max3A_55 = arith.maxsi %sub3A_53, %max3A_54 : i32
    %sub3A_56 = arith.constant 256 : i32
    %sub3A_57 = arith.subi %squeeze3A_17, %sub3A_56 : i32
    %min3A_58 = arith.constant 256 : i32
    %min3A_59 = arith.minsi %sub3A_57, %min3A_58 : i32
    %while3A_60 = arith.constant 0 : i32
    %while3A_61 = arith.subi %min3A_59, %max3A_55 : i32
    %while3A_62 = arith.addi %max3A_55, %while3A_61 : i32
    %while3A_63 = arith.constant 1 : i32
    %while3A_64 = arith.divsi %while3A_61, %while3A_63 : i32
    %while3A_65 = arith.muli %while3A_64, %while3A_63 : i32
    %while3A_66 = arith.addi %max3A_55, %while3A_65 : i32
    %while3A_67 = arith.constant 1 : i32
    scf.for %while3A_290 = %max3A_55 to %while3A_66 step %while3A_67  : i32 {
      %swap3A = arith.index_cast %while3A_290 : i32 to index
      %swap3A_291 = arith.constant 0 : index
      %swap3A_292 = tpu.vector_load %arg6[%swap3A, %swap3A_291] {strides = array<i32>} : memref<256x128xf32, #tpu.memory_space<vmem>>, vector<1x16xf32>,
      %swap3A_293 = vector.shape_cast %swap3A_292 : vector<1x16xf32> to vector<16xf32>
      %swap3A_294 = vector.shape_cast %broadcast_in_dim3A_3 : vector<16xf32> to vector<1x16xf32>
      tpu.vector_store %arg6[%swap3A, %swap3A_291], %swap3A_294 {strides = array<i32>} : memref<256x128xf32, #tpu.memory_space<vmem>>, vector<1x16xf32>,
      %swap3A_295 = arith.index_cast %while3A_290 : i32 to index
      %swap3A_296 = arith.constant 16 : index
      %swap3A_297 = tpu.vector_load %arg6[%swap3A_295, %swap3A_296] {strides = array<i32>} : memref<256x128xf32, #tpu.memory_space<vmem>>, vector<1x16xf32>,
      %swap3A_298 = vector.shape_cast %swap3A_297 : vector<1x16xf32> to vector<16xf32>
      %swap3A_299 = vector.shape_cast %broadcast_in_dim3A_3 : vector<16xf32> to vector<1x16xf32>
      tpu.vector_store %arg6[%swap3A_295, %swap3A_296], %swap3A_299 {strides = array<i32>} : memref<256x128xf32, #tpu.memory_space<vmem>>, vector<1x16xf32>,
      %swap3A_300 = arith.index_cast %while3A_290 : i32 to index
      %swap3A_301 = arith.constant 32 : index
      %swap3A_302 = tpu.vector_load %arg6[%swap3A_300, %swap3A_301] {strides = array<i32>} : memref<256x128xf32, #tpu.memory_space<vmem>>, vector<1x16xf32>,
      %swap3A_303 = vector.shape_cast %swap3A_302 : vector<1x16xf32> to vector<16xf32>
      %swap3A_304 = vector.shape_cast %broadcast_in_dim3A_3 : vector<16xf32> to vector<1x16xf32>
      tpu.vector_store %arg6[%swap3A_300, %swap3A_301], %swap3A_304 {strides = array<i32>} : memref<256x128xf32, #tpu.memory_space<vmem>>, vector<1x16xf32>,
      %swap3A_305 = arith.index_cast %while3A_290 : i32 to index
      %swap3A_306 = arith.constant 48 : index
      %swap3A_307 = tpu.vector_load %arg6[%swap3A_305, %swap3A_306] {strides = array<i32>} : memref<256x128xf32, #tpu.memory_space<vmem>>, vector<1x16xf32>,
      %swap3A_308 = vector.shape_cast %swap3A_307 : vector<1x16xf32> to vector<16xf32>
      %swap3A_309 = vector.shape_cast %broadcast_in_dim3A_3 : vector<16xf32> to vector<1x16xf32>
      tpu.vector_store %arg6[%swap3A_305, %swap3A_306], %swap3A_309 {strides = array<i32>} : memref<256x128xf32, #tpu.memory_space<vmem>>, vector<1x16xf32>,
      %swap3A_310 = arith.index_cast %while3A_290 : i32 to index
      %swap3A_311 = arith.constant 64 : index
      %swap3A_312 = tpu.vector_load %arg6[%swap3A_310, %swap3A_311] {strides = array<i32>} : memref<256x128xf32, #tpu.memory_space<vmem>>, vector<1x16xf32>,
      %swap3A_313 = vector.shape_cast %swap3A_312 : vector<1x16xf32> to vector<16xf32>
      %swap3A_314 = vector.shape_cast %broadcast_in_dim3A_3 : vector<16xf32> to vector<1x16xf32>
      tpu.vector_store %arg6[%swap3A_310, %swap3A_311], %swap3A_314 {strides = array<i32>} : memref<256x128xf32, #tpu.memory_space<vmem>>, vector<1x16xf32>,
      %swap3A_315 = arith.index_cast %while3A_290 : i32 to index
      %swap3A_316 = arith.constant 80 : index
      %swap3A_317 = tpu.vector_load %arg6[%swap3A_315, %swap3A_316] {strides = array<i32>} : memref<256x128xf32, #tpu.memory_space<vmem>>, vector<1x16xf32>,
      %swap3A_318 = vector.shape_cast %swap3A_317 : vector<1x16xf32> to vector<16xf32>
      %swap3A_319 = vector.shape_cast %broadcast_in_dim3A_3 : vector<16xf32> to vector<1x16xf32>
      tpu.vector_store %arg6[%swap3A_315, %swap3A_316], %swap3A_319 {strides = array<i32>} : memref<256x128xf32, #tpu.memory_space<vmem>>, vector<1x16xf32>,
      %swap3A_320 = arith.index_cast %while3A_290 : i32 to index
      %swap3A_321 = arith.constant 96 : index
      %swap3A_322 = tpu.vector_load %arg6[%swap3A_320, %swap3A_321] {strides = array<i32>} : memref<256x128xf32, #tpu.memory_space<vmem>>, vector<1x16xf32>,
      %swap3A_323 = vector.shape_cast %swap3A_322 : vector<1x16xf32> to vector<16xf32>
      %swap3A_324 = vector.shape_cast %broadcast_in_dim3A_3 : vector<16xf32> to vector<1x16xf32>
      tpu.vector_store %arg6[%swap3A_320, %swap3A_321], %swap3A_324 {strides = array<i32>} : memref<256x128xf32, #tpu.memory_space<vmem>>, vector<1x16xf32>,
      %swap3A_325 = arith.index_cast %while3A_290 : i32 to index
      %swap3A_326 = arith.constant 112 : index
      %swap3A_327 = tpu.vector_load %arg6[%swap3A_325, %swap3A_326] {strides = array<i32>} : memref<256x128xf32, #tpu.memory_space<vmem>>, vector<1x16xf32>,
      %swap3A_328 = vector.shape_cast %swap3A_327 : vector<1x16xf32> to vector<16xf32>
      %swap3A_329 = vector.shape_cast %broadcast_in_dim3A_3 : vector<16xf32> to vector<1x16xf32>
      tpu.vector_store %arg6[%swap3A_325, %swap3A_326], %swap3A_329 {strides = array<i32>} : memref<256x128xf32, #tpu.memory_space<vmem>>, vector<1x16xf32>,
    }
    %while3A_68 = arith.constant 1 : i32
    scf.for %while3A_290 = %while3A_66 to %while3A_62 step %while3A_68  : i32 {
      %swap3A = arith.index_cast %while3A_290 : i32 to index
      %swap3A_291 = arith.constant 0 : index
      %swap3A_292 = tpu.vector_load %arg6[%swap3A, %swap3A_291] {strides = array<i32>} : memref<256x128xf32, #tpu.memory_space<vmem>>, vector<1x16xf32>,
      %swap3A_293 = vector.shape_cast %swap3A_292 : vector<1x16xf32> to vector<16xf32>
      %swap3A_294 = vector.shape_cast %broadcast_in_dim3A_3 : vector<16xf32> to vector<1x16xf32>
      tpu.vector_store %arg6[%swap3A, %swap3A_291], %swap3A_294 {strides = array<i32>} : memref<256x128xf32, #tpu.memory_space<vmem>>, vector<1x16xf32>,
      %swap3A_295 = arith.index_cast %while3A_290 : i32 to index
      %swap3A_296 = arith.constant 16 : index
      %swap3A_297 = tpu.vector_load %arg6[%swap3A_295, %swap3A_296] {strides = array<i32>} : memref<256x128xf32, #tpu.memory_space<vmem>>, vector<1x16xf32>,
      %swap3A_298 = vector.shape_cast %swap3A_297 : vector<1x16xf32> to vector<16xf32>
      %swap3A_299 = vector.shape_cast %broadcast_in_dim3A_3 : vector<16xf32> to vector<1x16xf32>
      tpu.vector_store %arg6[%swap3A_295, %swap3A_296], %swap3A_299 {strides = array<i32>} : memref<256x128xf32, #tpu.memory_space<vmem>>, vector<1x16xf32>,
      %swap3A_300 = arith.index_cast %while3A_290 : i32 to index
      %swap3A_301 = arith.constant 32 : index
      %swap3A_302 = tpu.vector_load %arg6[%swap3A_300, %swap3A_301] {strides = array<i32>} : memref<256x128xf32, #tpu.memory_space<vmem>>, vector<1x16xf32>,
      %swap3A_303 = vector.shape_cast %swap3A_302 : vector<1x16xf32> to vector<16xf32>
      %swap3A_304 = vector.shape_cast %broadcast_in_dim3A_3 : vector<16xf32> to vector<1x16xf32>
      tpu.vector_store %arg6[%swap3A_300, %swap3A_301], %swap3A_304 {strides = array<i32>} : memref<256x128xf32, #tpu.memory_space<vmem>>, vector<1x16xf32>,
      %swap3A_305 = arith.index_cast %while3A_290 : i32 to index
      %swap3A_306 = arith.constant 48 : index
      %swap3A_307 = tpu.vector_load %arg6[%swap3A_305, %swap3A_306] {strides = array<i32>} : memref<256x128xf32, #tpu.memory_space<vmem>>, vector<1x16xf32>,
      %swap3A_308 = vector.shape_cast %swap3A_307 : vector<1x16xf32> to vector<16xf32>
      %swap3A_309 = vector.shape_cast %broadcast_in_dim3A_3 : vector<16xf32> to vector<1x16xf32>
      tpu.vector_store %arg6[%swap3A_305, %swap3A_306], %swap3A_309 {strides = array<i32>} : memref<256x128xf32, #tpu.memory_space<vmem>>, vector<1x16xf32>,
      %swap3A_310 = arith.index_cast %while3A_290 : i32 to index
      %swap3A_311 = arith.constant 64 : index
      %swap3A_312 = tpu.vector_load %arg6[%swap3A_310, %swap3A_311] {strides = array<i32>} : memref<256x128xf32, #tpu.memory_space<vmem>>, vector<1x16xf32>,
      %swap3A_313 = vector.shape_cast %swap3A_312 : vector<1x16xf32> to vector<16xf32>
      %swap3A_314 = vector.shape_cast %broadcast_in_dim3A_3 : vector<16xf32> to vector<1x16xf32>
      tpu.vector_store %arg6[%swap3A_310, %swap3A_311], %swap3A_314 {strides = array<i32>} : memref<256x128xf32, #tpu.memory_space<vmem>>, vector<1x16xf32>,
      %swap3A_315 = arith.index_cast %while3A_290 : i32 to index
      %swap3A_316 = arith.constant 80 : index
      %swap3A_317 = tpu.vector_load %arg6[%swap3A_315, %swap3A_316] {strides = array<i32>} : memref<256x128xf32, #tpu.memory_space<vmem>>, vector<1x16xf32>,
      %swap3A_318 = vector.shape_cast %swap3A_317 : vector<1x16xf32> to vector<16xf32>
      %swap3A_319 = vector.shape_cast %broadcast_in_dim3A_3 : vector<16xf32> to vector<1x16xf32>
      tpu.vector_store %arg6[%swap3A_315, %swap3A_316], %swap3A_319 {strides = array<i32>} : memref<256x128xf32, #tpu.memory_space<vmem>>, vector<1x16xf32>,
      %swap3A_320 = arith.index_cast %while3A_290 : i32 to index
      %swap3A_321 = arith.constant 96 : index
      %swap3A_322 = tpu.vector_load %arg6[%swap3A_320, %swap3A_321] {strides = array<i32>} : memref<256x128xf32, #tpu.memory_space<vmem>>, vector<1x16xf32>,
      %swap3A_323 = vector.shape_cast %swap3A_322 : vector<1x16xf32> to vector<16xf32>
      %swap3A_324 = vector.shape_cast %broadcast_in_dim3A_3 : vector<16xf32> to vector<1x16xf32>
      tpu.vector_store %arg6[%swap3A_320, %swap3A_321], %swap3A_324 {strides = array<i32>} : memref<256x128xf32, #tpu.memory_space<vmem>>, vector<1x16xf32>,
      %swap3A_325 = arith.index_cast %while3A_290 : i32 to index
      %swap3A_326 = arith.constant 112 : index
      %swap3A_327 = tpu.vector_load %arg6[%swap3A_325, %swap3A_326] {strides = array<i32>} : memref<256x128xf32, #tpu.memory_space<vmem>>, vector<1x16xf32>,
      %swap3A_328 = vector.shape_cast %swap3A_327 : vector<1x16xf32> to vector<16xf32>
      %swap3A_329 = vector.shape_cast %broadcast_in_dim3A_3 : vector<16xf32> to vector<1x16xf32>
      tpu.vector_store %arg6[%swap3A_325, %swap3A_326], %swap3A_329 {strides = array<i32>} : memref<256x128xf32, #tpu.memory_space<vmem>>, vector<1x16xf32>,
    }
    %sub3A_69 = arith.constant 256 : i32
    %sub3A_70 = arith.subi %squeeze3A_19, %sub3A_69 : i32
    %max3A_71 = arith.constant 0 : i32
    %max3A_72 = arith.maxsi %sub3A_70, %max3A_71 : i32
    %sub3A_73 = arith.constant 256 : i32
    %sub3A_74 = arith.subi %squeeze3A_21, %sub3A_73 : i32
    %min3A_75 = arith.constant 256 : i32
    %min3A_76 = arith.minsi %sub3A_74, %min3A_75 : i32
    %while3A_77 = arith.constant 0 : i32
    %while3A_78 = arith.subi %min3A_76, %max3A_72 : i32
    %while3A_79 = arith.addi %max3A_72, %while3A_78 : i32
    %while3A_80 = arith.constant 1 : i32
    %while3A_81 = arith.divsi %while3A_78, %while3A_80 : i32
    %while3A_82 = arith.muli %while3A_81, %while3A_80 : i32
    %while3A_83 = arith.addi %max3A_72, %while3A_82 : i32
    %while3A_84 = arith.constant 1 : i32
    scf.for %while3A_290 = %max3A_72 to %while3A_83 step %while3A_84  : i32 {
      %swap3A = arith.index_cast %while3A_290 : i32 to index
      %swap3A_291 = arith.constant 0 : index
      %swap3A_292 = tpu.vector_load %arg6[%swap3A, %swap3A_291] {strides = array<i32>} : memref<256x128xf32, #tpu.memory_space<vmem>>, vector<1x16xf32>,
      %swap3A_293 = vector.shape_cast %swap3A_292 : vector<1x16xf32> to vector<16xf32>
      %swap3A_294 = vector.shape_cast %broadcast_in_dim3A_3 : vector<16xf32> to vector<1x16xf32>
      tpu.vector_store %arg6[%swap3A, %swap3A_291], %swap3A_294 {strides = array<i32>} : memref<256x128xf32, #tpu.memory_space<vmem>>, vector<1x16xf32>,
      %swap3A_295 = arith.index_cast %while3A_290 : i32 to index
      %swap3A_296 = arith.constant 16 : index
      %swap3A_297 = tpu.vector_load %arg6[%swap3A_295, %swap3A_296] {strides = array<i32>} : memref<256x128xf32, #tpu.memory_space<vmem>>, vector<1x16xf32>,
      %swap3A_298 = vector.shape_cast %swap3A_297 : vector<1x16xf32> to vector<16xf32>
      %swap3A_299 = vector.shape_cast %broadcast_in_dim3A_3 : vector<16xf32> to vector<1x16xf32>
      tpu.vector_store %arg6[%swap3A_295, %swap3A_296], %swap3A_299 {strides = array<i32>} : memref<256x128xf32, #tpu.memory_space<vmem>>, vector<1x16xf32>,
      %swap3A_300 = arith.index_cast %while3A_290 : i32 to index
      %swap3A_301 = arith.constant 32 : index
      %swap3A_302 = tpu.vector_load %arg6[%swap3A_300, %swap3A_301] {strides = array<i32>} : memref<256x128xf32, #tpu.memory_space<vmem>>, vector<1x16xf32>,
      %swap3A_303 = vector.shape_cast %swap3A_302 : vector<1x16xf32> to vector<16xf32>
      %swap3A_304 = vector.shape_cast %broadcast_in_dim3A_3 : vector<16xf32> to vector<1x16xf32>
      tpu.vector_store %arg6[%swap3A_300, %swap3A_301], %swap3A_304 {strides = array<i32>} : memref<256x128xf32, #tpu.memory_space<vmem>>, vector<1x16xf32>,
      %swap3A_305 = arith.index_cast %while3A_290 : i32 to index
      %swap3A_306 = arith.constant 48 : index
      %swap3A_307 = tpu.vector_load %arg6[%swap3A_305, %swap3A_306] {strides = array<i32>} : memref<256x128xf32, #tpu.memory_space<vmem>>, vector<1x16xf32>,
      %swap3A_308 = vector.shape_cast %swap3A_307 : vector<1x16xf32> to vector<16xf32>
      %swap3A_309 = vector.shape_cast %broadcast_in_dim3A_3 : vector<16xf32> to vector<1x16xf32>
      tpu.vector_store %arg6[%swap3A_305, %swap3A_306], %swap3A_309 {strides = array<i32>} : memref<256x128xf32, #tpu.memory_space<vmem>>, vector<1x16xf32>,
      %swap3A_310 = arith.index_cast %while3A_290 : i32 to index
      %swap3A_311 = arith.constant 64 : index
      %swap3A_312 = tpu.vector_load %arg6[%swap3A_310, %swap3A_311] {strides = array<i32>} : memref<256x128xf32, #tpu.memory_space<vmem>>, vector<1x16xf32>,
      %swap3A_313 = vector.shape_cast %swap3A_312 : vector<1x16xf32> to vector<16xf32>
      %swap3A_314 = vector.shape_cast %broadcast_in_dim3A_3 : vector<16xf32> to vector<1x16xf32>
      tpu.vector_store %arg6[%swap3A_310, %swap3A_311], %swap3A_314 {strides = array<i32>} : memref<256x128xf32, #tpu.memory_space<vmem>>, vector<1x16xf32>,
      %swap3A_315 = arith.index_cast %while3A_290 : i32 to index
      %swap3A_316 = arith.constant 80 : index
      %swap3A_317 = tpu.vector_load %arg6[%swap3A_315, %swap3A_316] {strides = array<i32>} : memref<256x128xf32, #tpu.memory_space<vmem>>, vector<1x16xf32>,
      %swap3A_318 = vector.shape_cast %swap3A_317 : vector<1x16xf32> to vector<16xf32>
      %swap3A_319 = vector.shape_cast %broadcast_in_dim3A_3 : vector<16xf32> to vector<1x16xf32>
      tpu.vector_store %arg6[%swap3A_315, %swap3A_316], %swap3A_319 {strides = array<i32>} : memref<256x128xf32, #tpu.memory_space<vmem>>, vector<1x16xf32>,
      %swap3A_320 = arith.index_cast %while3A_290 : i32 to index
      %swap3A_321 = arith.constant 96 : index
      %swap3A_322 = tpu.vector_load %arg6[%swap3A_320, %swap3A_321] {strides = array<i32>} : memref<256x128xf32, #tpu.memory_space<vmem>>, vector<1x16xf32>,
      %swap3A_323 = vector.shape_cast %swap3A_322 : vector<1x16xf32> to vector<16xf32>
      %swap3A_324 = vector.shape_cast %broadcast_in_dim3A_3 : vector<16xf32> to vector<1x16xf32>
      tpu.vector_store %arg6[%swap3A_320, %swap3A_321], %swap3A_324 {strides = array<i32>} : memref<256x128xf32, #tpu.memory_space<vmem>>, vector<1x16xf32>,
      %swap3A_325 = arith.index_cast %while3A_290 : i32 to index
      %swap3A_326 = arith.constant 112 : index
      %swap3A_327 = tpu.vector_load %arg6[%swap3A_325, %swap3A_326] {strides = array<i32>} : memref<256x128xf32, #tpu.memory_space<vmem>>, vector<1x16xf32>,
      %swap3A_328 = vector.shape_cast %swap3A_327 : vector<1x16xf32> to vector<16xf32>
      %swap3A_329 = vector.shape_cast %broadcast_in_dim3A_3 : vector<16xf32> to vector<1x16xf32>
      tpu.vector_store %arg6[%swap3A_325, %swap3A_326], %swap3A_329 {strides = array<i32>} : memref<256x128xf32, #tpu.memory_space<vmem>>, vector<1x16xf32>,
    }
    %while3A_85 = arith.constant 1 : i32
    scf.for %while3A_290 = %while3A_83 to %while3A_79 step %while3A_85  : i32 {
      %swap3A = arith.index_cast %while3A_290 : i32 to index
      %swap3A_291 = arith.constant 0 : index
      %swap3A_292 = tpu.vector_load %arg6[%swap3A, %swap3A_291] {strides = array<i32>} : memref<256x128xf32, #tpu.memory_space<vmem>>, vector<1x16xf32>,
      %swap3A_293 = vector.shape_cast %swap3A_292 : vector<1x16xf32> to vector<16xf32>
      %swap3A_294 = vector.shape_cast %broadcast_in_dim3A_3 : vector<16xf32> to vector<1x16xf32>
      tpu.vector_store %arg6[%swap3A, %swap3A_291], %swap3A_294 {strides = array<i32>} : memref<256x128xf32, #tpu.memory_space<vmem>>, vector<1x16xf32>,
      %swap3A_295 = arith.index_cast %while3A_290 : i32 to index
      %swap3A_296 = arith.constant 16 : index
      %swap3A_297 = tpu.vector_load %arg6[%swap3A_295, %swap3A_296] {strides = array<i32>} : memref<256x128xf32, #tpu.memory_space<vmem>>, vector<1x16xf32>,
      %swap3A_298 = vector.shape_cast %swap3A_297 : vector<1x16xf32> to vector<16xf32>
      %swap3A_299 = vector.shape_cast %broadcast_in_dim3A_3 : vector<16xf32> to vector<1x16xf32>
      tpu.vector_store %arg6[%swap3A_295, %swap3A_296], %swap3A_299 {strides = array<i32>} : memref<256x128xf32, #tpu.memory_space<vmem>>, vector<1x16xf32>,
      %swap3A_300 = arith.index_cast %while3A_290 : i32 to index
      %swap3A_301 = arith.constant 32 : index
      %swap3A_302 = tpu.vector_load %arg6[%swap3A_300, %swap3A_301] {strides = array<i32>} : memref<256x128xf32, #tpu.memory_space<vmem>>, vector<1x16xf32>,
      %swap3A_303 = vector.shape_cast %swap3A_302 : vector<1x16xf32> to vector<16xf32>
      %swap3A_304 = vector.shape_cast %broadcast_in_dim3A_3 : vector<16xf32> to vector<1x16xf32>
      tpu.vector_store %arg6[%swap3A_300, %swap3A_301], %swap3A_304 {strides = array<i32>} : memref<256x128xf32, #tpu.memory_space<vmem>>, vector<1x16xf32>,
      %swap3A_305 = arith.index_cast %while3A_290 : i32 to index
      %swap3A_306 = arith.constant 48 : index
      %swap3A_307 = tpu.vector_load %arg6[%swap3A_305, %swap3A_306] {strides = array<i32>} : memref<256x128xf32, #tpu.memory_space<vmem>>, vector<1x16xf32>,
      %swap3A_308 = vector.shape_cast %swap3A_307 : vector<1x16xf32> to vector<16xf32>
      %swap3A_309 = vector.shape_cast %broadcast_in_dim3A_3 : vector<16xf32> to vector<1x16xf32>
      tpu.vector_store %arg6[%swap3A_305, %swap3A_306], %swap3A_309 {strides = array<i32>} : memref<256x128xf32, #tpu.memory_space<vmem>>, vector<1x16xf32>,
      %swap3A_310 = arith.index_cast %while3A_290 : i32 to index
      %swap3A_311 = arith.constant 64 : index
      %swap3A_312 = tpu.vector_load %arg6[%swap3A_310, %swap3A_311] {strides = array<i32>} : memref<256x128xf32, #tpu.memory_space<vmem>>, vector<1x16xf32>,
      %swap3A_313 = vector.shape_cast %swap3A_312 : vector<1x16xf32> to vector<16xf32>
      %swap3A_314 = vector.shape_cast %broadcast_in_dim3A_3 : vector<16xf32> to vector<1x16xf32>
      tpu.vector_store %arg6[%swap3A_310, %swap3A_311], %swap3A_314 {strides = array<i32>} : memref<256x128xf32, #tpu.memory_space<vmem>>, vector<1x16xf32>,
      %swap3A_315 = arith.index_cast %while3A_290 : i32 to index
      %swap3A_316 = arith.constant 80 : index
      %swap3A_317 = tpu.vector_load %arg6[%swap3A_315, %swap3A_316] {strides = array<i32>} : memref<256x128xf32, #tpu.memory_space<vmem>>, vector<1x16xf32>,
      %swap3A_318 = vector.shape_cast %swap3A_317 : vector<1x16xf32> to vector<16xf32>
      %swap3A_319 = vector.shape_cast %broadcast_in_dim3A_3 : vector<16xf32> to vector<1x16xf32>
      tpu.vector_store %arg6[%swap3A_315, %swap3A_316], %swap3A_319 {strides = array<i32>} : memref<256x128xf32, #tpu.memory_space<vmem>>, vector<1x16xf32>,
      %swap3A_320 = arith.index_cast %while3A_290 : i32 to index
      %swap3A_321 = arith.constant 96 : index
      %swap3A_322 = tpu.vector_load %arg6[%swap3A_320, %swap3A_321] {strides = array<i32>} : memref<256x128xf32, #tpu.memory_space<vmem>>, vector<1x16xf32>,
      %swap3A_323 = vector.shape_cast %swap3A_322 : vector<1x16xf32> to vector<16xf32>
      %swap3A_324 = vector.shape_cast %broadcast_in_dim3A_3 : vector<16xf32> to vector<1x16xf32>
      tpu.vector_store %arg6[%swap3A_320, %swap3A_321], %swap3A_324 {strides = array<i32>} : memref<256x128xf32, #tpu.memory_space<vmem>>, vector<1x16xf32>,
      %swap3A_325 = arith.index_cast %while3A_290 : i32 to index
      %swap3A_326 = arith.constant 112 : index
      %swap3A_327 = tpu.vector_load %arg6[%swap3A_325, %swap3A_326] {strides = array<i32>} : memref<256x128xf32, #tpu.memory_space<vmem>>, vector<1x16xf32>,
      %swap3A_328 = vector.shape_cast %swap3A_327 : vector<1x16xf32> to vector<16xf32>
      %swap3A_329 = vector.shape_cast %broadcast_in_dim3A_3 : vector<16xf32> to vector<1x16xf32>
      tpu.vector_store %arg6[%swap3A_325, %swap3A_326], %swap3A_329 {strides = array<i32>} : memref<256x128xf32, #tpu.memory_space<vmem>>, vector<1x16xf32>,
    }
    "tpu.region"() ({
      %run_scoped3A = tpu.sem_alloc : memref<!tpu.dma_semaphore, #tpu.memory_space<semaphore_mem>>
      %dma_start3A = arith.constant 256 : i32
      %dma_start3A_290 = arith.constant 0 : i32
      %dma_start3A_291 = tpu.memref_slice %arg4[%add3A_15, %dma_start3A, %dma_start3A_290] : memref<32x2048x128xf32, #tpu.memory_space<hbm>> -> memref<1x256x128xf32, #tpu.memory_space<hbm>>
      %dma_start3A_292 = tpu.memref_squeeze %dma_start3A_291 : memref<1x256x128xf32, #tpu.memory_space<hbm>> -> memref<256x128xf32, #tpu.memory_space<hbm>>
      %dma_start3A_293 = arith.constant 256 : i32
      %dma_start3A_294 = arith.constant 0 : i32
      %dma_start3A_295 = tpu.memref_slice %arg4[%add3A_15, %dma_start3A_293, %dma_start3A_294] : memref<32x2048x128xf32, #tpu.memory_space<hbm>> -> memref<1x256x128xf32, #tpu.memory_space<hbm>>
      %dma_start3A_296 = tpu.memref_squeeze %dma_start3A_295 : memref<1x256x128xf32, #tpu.memory_space<hbm>> -> memref<256x128xf32, #tpu.memory_space<hbm>>
      tpu.enqueue_dma source(%arg6 : memref<256x128xf32, #tpu.memory_space<vmem>>) target(%dma_start3A_296 : memref<256x128xf32, #tpu.memory_space<hbm>>) target_semaphore(%run_scoped3A : memref<!tpu.dma_semaphore, #tpu.memory_space<semaphore_mem>>)
      %dma_wait3A = arith.constant 256 : i32
      %dma_wait3A_297 = arith.constant 0 : i32
      %dma_wait3A_298 = tpu.memref_slice %arg4[%add3A_15, %dma_wait3A, %dma_wait3A_297] : memref<32x2048x128xf32, #tpu.memory_space<hbm>> -> memref<1x256x128xf32, #tpu.memory_space<hbm>>
      %dma_wait3A_299 = tpu.memref_squeeze %dma_wait3A_298 : memref<1x256x128xf32, #tpu.memory_space<hbm>> -> memref<256x128xf32, #tpu.memory_space<hbm>>
      %dma_wait3A_300 = arith.constant 256 : i32
      %dma_wait3A_301 = arith.constant 0 : i32
      %dma_wait3A_302 = tpu.memref_slice %arg4[%add3A_15, %dma_wait3A_300, %dma_wait3A_301] : memref<32x2048x128xf32, #tpu.memory_space<hbm>> -> memref<1x256x128xf32, #tpu.memory_space<hbm>>
      %dma_wait3A_303 = tpu.memref_squeeze %dma_wait3A_302 : memref<1x256x128xf32, #tpu.memory_space<hbm>> -> memref<256x128xf32, #tpu.memory_space<hbm>>
      tpu.wait_dma2 semaphore(%run_scoped3A : memref<!tpu.dma_semaphore, #tpu.memory_space<semaphore_mem>>) src(%arg6 : memref<256x128xf32, #tpu.memory_space<vmem>>) dst(%dma_wait3A_303 : memref<256x128xf32, #tpu.memory_space<hbm>>)
      tpu.yield
    }) : () -> ()
    "tpu.region"() ({
      %run_scoped3A = tpu.sem_alloc : memref<!tpu.dma_semaphore, #tpu.memory_space<semaphore_mem>>
      %dma_start3A = arith.constant 512 : i32
      %dma_start3A_290 = arith.constant 0 : i32
      %dma_start3A_291 = tpu.memref_slice %arg3[%add3A_11, %dma_start3A, %dma_start3A_290] : memref<128x2048x128xf32, #tpu.memory_space<hbm>> -> memref<1x256x128xf32, #tpu.memory_space<hbm>>
      %dma_start3A_292 = tpu.memref_squeeze %dma_start3A_291 : memref<1x256x128xf32, #tpu.memory_space<hbm>> -> memref<256x128xf32, #tpu.memory_space<hbm>>
      %dma_start3A_293 = arith.constant 512 : i32
      %dma_start3A_294 = arith.constant 0 : i32
      %dma_start3A_295 = tpu.memref_slice %arg3[%add3A_11, %dma_start3A_293, %dma_start3A_294] : memref<128x2048x128xf32, #tpu.memory_space<hbm>> -> memref<1x256x128xf32, #tpu.memory_space<hbm>>
      %dma_start3A_296 = tpu.memref_squeeze %dma_start3A_295 : memref<1x256x128xf32, #tpu.memory_space<hbm>> -> memref<256x128xf32, #tpu.memory_space<hbm>>
      tpu.enqueue_dma source(%dma_start3A_296 : memref<256x128xf32, #tpu.memory_space<hbm>>) target(%arg6 : memref<256x128xf32, #tpu.memory_space<vmem>>) target_semaphore(%run_scoped3A : memref<!tpu.dma_semaphore, #tpu.memory_space<semaphore_mem>>)
      %dma_wait3A = arith.constant 512 : i32
      %dma_wait3A_297 = arith.constant 0 : i32
      %dma_wait3A_298 = tpu.memref_slice %arg3[%add3A_11, %dma_wait3A, %dma_wait3A_297] : memref<128x2048x128xf32, #tpu.memory_space<hbm>> -> memref<1x256x128xf32, #tpu.memory_space<hbm>>
      %dma_wait3A_299 = tpu.memref_squeeze %dma_wait3A_298 : memref<1x256x128xf32, #tpu.memory_space<hbm>> -> memref<256x128xf32, #tpu.memory_space<hbm>>
      %dma_wait3A_300 = arith.constant 512 : i32
      %dma_wait3A_301 = arith.constant 0 : i32
      %dma_wait3A_302 = tpu.memref_slice %arg3[%add3A_11, %dma_wait3A_300, %dma_wait3A_301] : memref<128x2048x128xf32, #tpu.memory_space<hbm>> -> memref<1x256x128xf32, #tpu.memory_space<hbm>>
      %dma_wait3A_303 = tpu.memref_squeeze %dma_wait3A_302 : memref<1x256x128xf32, #tpu.memory_space<hbm>> -> memref<256x128xf32, #tpu.memory_space<hbm>>
      tpu.wait_dma2 semaphore(%run_scoped3A : memref<!tpu.dma_semaphore, #tpu.memory_space<semaphore_mem>>) src(%dma_wait3A_303 : memref<256x128xf32, #tpu.memory_space<hbm>>) dst(%arg6 : memref<256x128xf32, #tpu.memory_space<vmem>>)
      tpu.yield
    }) : () -> ()
    %sub3A_86 = arith.constant 512 : i32
    %sub3A_87 = arith.subi %squeeze3A, %sub3A_86 : i32
    %max3A_88 = arith.constant 0 : i32
    %max3A_89 = arith.maxsi %sub3A_87, %max3A_88 : i32
    %sub3A_90 = arith.constant 512 : i32
    %sub3A_91 = arith.subi %squeeze3A_17, %sub3A_90 : i32
    %min3A_92 = arith.constant 256 : i32
    %min3A_93 = arith.minsi %sub3A_91, %min3A_92 : i32
    %while3A_94 = arith.constant 0 : i32
    %while3A_95 = arith.subi %min3A_93, %max3A_89 : i32
    %while3A_96 = arith.addi %max3A_89, %while3A_95 : i32
    %while3A_97 = arith.constant 1 : i32
    %while3A_98 = arith.divsi %while3A_95, %while3A_97 : i32
    %while3A_99 = arith.muli %while3A_98, %while3A_97 : i32
    %while3A_100 = arith.addi %max3A_89, %while3A_99 : i32
    %while3A_101 = arith.constant 1 : i32
    scf.for %while3A_290 = %max3A_89 to %while3A_100 step %while3A_101  : i32 {
      %swap3A = arith.index_cast %while3A_290 : i32 to index
      %swap3A_291 = arith.constant 0 : index
      %swap3A_292 = tpu.vector_load %arg6[%swap3A, %swap3A_291] {strides = array<i32>} : memref<256x128xf32, #tpu.memory_space<vmem>>, vector<1x16xf32>,
      %swap3A_293 = vector.shape_cast %swap3A_292 : vector<1x16xf32> to vector<16xf32>
      %swap3A_294 = vector.shape_cast %broadcast_in_dim3A_3 : vector<16xf32> to vector<1x16xf32>
      tpu.vector_store %arg6[%swap3A, %swap3A_291], %swap3A_294 {strides = array<i32>} : memref<256x128xf32, #tpu.memory_space<vmem>>, vector<1x16xf32>,
      %swap3A_295 = arith.index_cast %while3A_290 : i32 to index
      %swap3A_296 = arith.constant 16 : index
      %swap3A_297 = tpu.vector_load %arg6[%swap3A_295, %swap3A_296] {strides = array<i32>} : memref<256x128xf32, #tpu.memory_space<vmem>>, vector<1x16xf32>,
      %swap3A_298 = vector.shape_cast %swap3A_297 : vector<1x16xf32> to vector<16xf32>
      %swap3A_299 = vector.shape_cast %broadcast_in_dim3A_3 : vector<16xf32> to vector<1x16xf32>
      tpu.vector_store %arg6[%swap3A_295, %swap3A_296], %swap3A_299 {strides = array<i32>} : memref<256x128xf32, #tpu.memory_space<vmem>>, vector<1x16xf32>,
      %swap3A_300 = arith.index_cast %while3A_290 : i32 to index
      %swap3A_301 = arith.constant 32 : index
      %swap3A_302 = tpu.vector_load %arg6[%swap3A_300, %swap3A_301] {strides = array<i32>} : memref<256x128xf32, #tpu.memory_space<vmem>>, vector<1x16xf32>,
      %swap3A_303 = vector.shape_cast %swap3A_302 : vector<1x16xf32> to vector<16xf32>
      %swap3A_304 = vector.shape_cast %broadcast_in_dim3A_3 : vector<16xf32> to vector<1x16xf32>
      tpu.vector_store %arg6[%swap3A_300, %swap3A_301], %swap3A_304 {strides = array<i32>} : memref<256x128xf32, #tpu.memory_space<vmem>>, vector<1x16xf32>,
      %swap3A_305 = arith.index_cast %while3A_290 : i32 to index
      %swap3A_306 = arith.constant 48 : index
      %swap3A_307 = tpu.vector_load %arg6[%swap3A_305, %swap3A_306] {strides = array<i32>} : memref<256x128xf32, #tpu.memory_space<vmem>>, vector<1x16xf32>,
      %swap3A_308 = vector.shape_cast %swap3A_307 : vector<1x16xf32> to vector<16xf32>
      %swap3A_309 = vector.shape_cast %broadcast_in_dim3A_3 : vector<16xf32> to vector<1x16xf32>
      tpu.vector_store %arg6[%swap3A_305, %swap3A_306], %swap3A_309 {strides = array<i32>} : memref<256x128xf32, #tpu.memory_space<vmem>>, vector<1x16xf32>,
      %swap3A_310 = arith.index_cast %while3A_290 : i32 to index
      %swap3A_311 = arith.constant 64 : index
      %swap3A_312 = tpu.vector_load %arg6[%swap3A_310, %swap3A_311] {strides = array<i32>} : memref<256x128xf32, #tpu.memory_space<vmem>>, vector<1x16xf32>,
      %swap3A_313 = vector.shape_cast %swap3A_312 : vector<1x16xf32> to vector<16xf32>
      %swap3A_314 = vector.shape_cast %broadcast_in_dim3A_3 : vector<16xf32> to vector<1x16xf32>
      tpu.vector_store %arg6[%swap3A_310, %swap3A_311], %swap3A_314 {strides = array<i32>} : memref<256x128xf32, #tpu.memory_space<vmem>>, vector<1x16xf32>,
      %swap3A_315 = arith.index_cast %while3A_290 : i32 to index
      %swap3A_316 = arith.constant 80 : index
      %swap3A_317 = tpu.vector_load %arg6[%swap3A_315, %swap3A_316] {strides = array<i32>} : memref<256x128xf32, #tpu.memory_space<vmem>>, vector<1x16xf32>,
      %swap3A_318 = vector.shape_cast %swap3A_317 : vector<1x16xf32> to vector<16xf32>
      %swap3A_319 = vector.shape_cast %broadcast_in_dim3A_3 : vector<16xf32> to vector<1x16xf32>
      tpu.vector_store %arg6[%swap3A_315, %swap3A_316], %swap3A_319 {strides = array<i32>} : memref<256x128xf32, #tpu.memory_space<vmem>>, vector<1x16xf32>,
      %swap3A_320 = arith.index_cast %while3A_290 : i32 to index
      %swap3A_321 = arith.constant 96 : index
      %swap3A_322 = tpu.vector_load %arg6[%swap3A_320, %swap3A_321] {strides = array<i32>} : memref<256x128xf32, #tpu.memory_space<vmem>>, vector<1x16xf32>,
      %swap3A_323 = vector.shape_cast %swap3A_322 : vector<1x16xf32> to vector<16xf32>
      %swap3A_324 = vector.shape_cast %broadcast_in_dim3A_3 : vector<16xf32> to vector<1x16xf32>
      tpu.vector_store %arg6[%swap3A_320, %swap3A_321], %swap3A_324 {strides = array<i32>} : memref<256x128xf32, #tpu.memory_space<vmem>>, vector<1x16xf32>,
      %swap3A_325 = arith.index_cast %while3A_290 : i32 to index
      %swap3A_326 = arith.constant 112 : index
      %swap3A_327 = tpu.vector_load %arg6[%swap3A_325, %swap3A_326] {strides = array<i32>} : memref<256x128xf32, #tpu.memory_space<vmem>>, vector<1x16xf32>,
      %swap3A_328 = vector.shape_cast %swap3A_327 : vector<1x16xf32> to vector<16xf32>
      %swap3A_329 = vector.shape_cast %broadcast_in_dim3A_3 : vector<16xf32> to vector<1x16xf32>
      tpu.vector_store %arg6[%swap3A_325, %swap3A_326], %swap3A_329 {strides = array<i32>} : memref<256x128xf32, #tpu.memory_space<vmem>>, vector<1x16xf32>,
    }
    %while3A_102 = arith.constant 1 : i32
    scf.for %while3A_290 = %while3A_100 to %while3A_96 step %while3A_102  : i32 {
      %swap3A = arith.index_cast %while3A_290 : i32 to index
      %swap3A_291 = arith.constant 0 : index
      %swap3A_292 = tpu.vector_load %arg6[%swap3A, %swap3A_291] {strides = array<i32>} : memref<256x128xf32, #tpu.memory_space<vmem>>, vector<1x16xf32>,
      %swap3A_293 = vector.shape_cast %swap3A_292 : vector<1x16xf32> to vector<16xf32>
      %swap3A_294 = vector.shape_cast %broadcast_in_dim3A_3 : vector<16xf32> to vector<1x16xf32>
      tpu.vector_store %arg6[%swap3A, %swap3A_291], %swap3A_294 {strides = array<i32>} : memref<256x128xf32, #tpu.memory_space<vmem>>, vector<1x16xf32>,
      %swap3A_295 = arith.index_cast %while3A_290 : i32 to index
      %swap3A_296 = arith.constant 16 : index
      %swap3A_297 = tpu.vector_load %arg6[%swap3A_295, %swap3A_296] {strides = array<i32>} : memref<256x128xf32, #tpu.memory_space<vmem>>, vector<1x16xf32>,
      %swap3A_298 = vector.shape_cast %swap3A_297 : vector<1x16xf32> to vector<16xf32>
      %swap3A_299 = vector.shape_cast %broadcast_in_dim3A_3 : vector<16xf32> to vector<1x16xf32>
      tpu.vector_store %arg6[%swap3A_295, %swap3A_296], %swap3A_299 {strides = array<i32>} : memref<256x128xf32, #tpu.memory_space<vmem>>, vector<1x16xf32>,
      %swap3A_300 = arith.index_cast %while3A_290 : i32 to index
      %swap3A_301 = arith.constant 32 : index
      %swap3A_302 = tpu.vector_load %arg6[%swap3A_300, %swap3A_301] {strides = array<i32>} : memref<256x128xf32, #tpu.memory_space<vmem>>, vector<1x16xf32>,
      %swap3A_303 = vector.shape_cast %swap3A_302 : vector<1x16xf32> to vector<16xf32>
      %swap3A_304 = vector.shape_cast %broadcast_in_dim3A_3 : vector<16xf32> to vector<1x16xf32>
      tpu.vector_store %arg6[%swap3A_300, %swap3A_301], %swap3A_304 {strides = array<i32>} : memref<256x128xf32, #tpu.memory_space<vmem>>, vector<1x16xf32>,
      %swap3A_305 = arith.index_cast %while3A_290 : i32 to index
      %swap3A_306 = arith.constant 48 : index
      %swap3A_307 = tpu.vector_load %arg6[%swap3A_305, %swap3A_306] {strides = array<i32>} : memref<256x128xf32, #tpu.memory_space<vmem>>, vector<1x16xf32>,
      %swap3A_308 = vector.shape_cast %swap3A_307 : vector<1x16xf32> to vector<16xf32>
      %swap3A_309 = vector.shape_cast %broadcast_in_dim3A_3 : vector<16xf32> to vector<1x16xf32>
      tpu.vector_store %arg6[%swap3A_305, %swap3A_306], %swap3A_309 {strides = array<i32>} : memref<256x128xf32, #tpu.memory_space<vmem>>, vector<1x16xf32>,
      %swap3A_310 = arith.index_cast %while3A_290 : i32 to index
      %swap3A_311 = arith.constant 64 : index
      %swap3A_312 = tpu.vector_load %arg6[%swap3A_310, %swap3A_311] {strides = array<i32>} : memref<256x128xf32, #tpu.memory_space<vmem>>, vector<1x16xf32>,
      %swap3A_313 = vector.shape_cast %swap3A_312 : vector<1x16xf32> to vector<16xf32>
      %swap3A_314 = vector.shape_cast %broadcast_in_dim3A_3 : vector<16xf32> to vector<1x16xf32>
      tpu.vector_store %arg6[%swap3A_310, %swap3A_311], %swap3A_314 {strides = array<i32>} : memref<256x128xf32, #tpu.memory_space<vmem>>, vector<1x16xf32>,
      %swap3A_315 = arith.index_cast %while3A_290 : i32 to index
      %swap3A_316 = arith.constant 80 : index
      %swap3A_317 = tpu.vector_load %arg6[%swap3A_315, %swap3A_316] {strides = array<i32>} : memref<256x128xf32, #tpu.memory_space<vmem>>, vector<1x16xf32>,
      %swap3A_318 = vector.shape_cast %swap3A_317 : vector<1x16xf32> to vector<16xf32>
      %swap3A_319 = vector.shape_cast %broadcast_in_dim3A_3 : vector<16xf32> to vector<1x16xf32>
      tpu.vector_store %arg6[%swap3A_315, %swap3A_316], %swap3A_319 {strides = array<i32>} : memref<256x128xf32, #tpu.memory_space<vmem>>, vector<1x16xf32>,
      %swap3A_320 = arith.index_cast %while3A_290 : i32 to index
      %swap3A_321 = arith.constant 96 : index
      %swap3A_322 = tpu.vector_load %arg6[%swap3A_320, %swap3A_321] {strides = array<i32>} : memref<256x128xf32, #tpu.memory_space<vmem>>, vector<1x16xf32>,
      %swap3A_323 = vector.shape_cast %swap3A_322 : vector<1x16xf32> to vector<16xf32>
      %swap3A_324 = vector.shape_cast %broadcast_in_dim3A_3 : vector<16xf32> to vector<1x16xf32>
      tpu.vector_store %arg6[%swap3A_320, %swap3A_321], %swap3A_324 {strides = array<i32>} : memref<256x128xf32, #tpu.memory_space<vmem>>, vector<1x16xf32>,
      %swap3A_325 = arith.index_cast %while3A_290 : i32 to index
      %swap3A_326 = arith.constant 112 : index
      %swap3A_327 = tpu.vector_load %arg6[%swap3A_325, %swap3A_326] {strides = array<i32>} : memref<256x128xf32, #tpu.memory_space<vmem>>, vector<1x16xf32>,
      %swap3A_328 = vector.shape_cast %swap3A_327 : vector<1x16xf32> to vector<16xf32>
      %swap3A_329 = vector.shape_cast %broadcast_in_dim3A_3 : vector<16xf32> to vector<1x16xf32>
      tpu.vector_store %arg6[%swap3A_325, %swap3A_326], %swap3A_329 {strides = array<i32>} : memref<256x128xf32, #tpu.memory_space<vmem>>, vector<1x16xf32>,
    }
    %sub3A_103 = arith.constant 512 : i32
    %sub3A_104 = arith.subi %squeeze3A_19, %sub3A_103 : i32
    %max3A_105 = arith.constant 0 : i32
    %max3A_106 = arith.maxsi %sub3A_104, %max3A_105 : i32
    %sub3A_107 = arith.constant 512 : i32
    %sub3A_108 = arith.subi %squeeze3A_21, %sub3A_107 : i32
    %min3A_109 = arith.constant 256 : i32
    %min3A_110 = arith.minsi %sub3A_108, %min3A_109 : i32
    %while3A_111 = arith.constant 0 : i32
    %while3A_112 = arith.subi %min3A_110, %max3A_106 : i32
    %while3A_113 = arith.addi %max3A_106, %while3A_112 : i32
    %while3A_114 = arith.constant 1 : i32
    %while3A_115 = arith.divsi %while3A_112, %while3A_114 : i32
    %while3A_116 = arith.muli %while3A_115, %while3A_114 : i32
    %while3A_117 = arith.addi %max3A_106, %while3A_116 : i32
    %while3A_118 = arith.constant 1 : i32
    scf.for %while3A_290 = %max3A_106 to %while3A_117 step %while3A_118  : i32 {
      %swap3A = arith.index_cast %while3A_290 : i32 to index
      %swap3A_291 = arith.constant 0 : index
      %swap3A_292 = tpu.vector_load %arg6[%swap3A, %swap3A_291] {strides = array<i32>} : memref<256x128xf32, #tpu.memory_space<vmem>>, vector<1x16xf32>,
      %swap3A_293 = vector.shape_cast %swap3A_292 : vector<1x16xf32> to vector<16xf32>
      %swap3A_294 = vector.shape_cast %broadcast_in_dim3A_3 : vector<16xf32> to vector<1x16xf32>
      tpu.vector_store %arg6[%swap3A, %swap3A_291], %swap3A_294 {strides = array<i32>} : memref<256x128xf32, #tpu.memory_space<vmem>>, vector<1x16xf32>,
      %swap3A_295 = arith.index_cast %while3A_290 : i32 to index
      %swap3A_296 = arith.constant 16 : index
      %swap3A_297 = tpu.vector_load %arg6[%swap3A_295, %swap3A_296] {strides = array<i32>} : memref<256x128xf32, #tpu.memory_space<vmem>>, vector<1x16xf32>,
      %swap3A_298 = vector.shape_cast %swap3A_297 : vector<1x16xf32> to vector<16xf32>
      %swap3A_299 = vector.shape_cast %broadcast_in_dim3A_3 : vector<16xf32> to vector<1x16xf32>
      tpu.vector_store %arg6[%swap3A_295, %swap3A_296], %swap3A_299 {strides = array<i32>} : memref<256x128xf32, #tpu.memory_space<vmem>>, vector<1x16xf32>,
      %swap3A_300 = arith.index_cast %while3A_290 : i32 to index
      %swap3A_301 = arith.constant 32 : index
      %swap3A_302 = tpu.vector_load %arg6[%swap3A_300, %swap3A_301] {strides = array<i32>} : memref<256x128xf32, #tpu.memory_space<vmem>>, vector<1x16xf32>,
      %swap3A_303 = vector.shape_cast %swap3A_302 : vector<1x16xf32> to vector<16xf32>
      %swap3A_304 = vector.shape_cast %broadcast_in_dim3A_3 : vector<16xf32> to vector<1x16xf32>
      tpu.vector_store %arg6[%swap3A_300, %swap3A_301], %swap3A_304 {strides = array<i32>} : memref<256x128xf32, #tpu.memory_space<vmem>>, vector<1x16xf32>,
      %swap3A_305 = arith.index_cast %while3A_290 : i32 to index
      %swap3A_306 = arith.constant 48 : index
      %swap3A_307 = tpu.vector_load %arg6[%swap3A_305, %swap3A_306] {strides = array<i32>} : memref<256x128xf32, #tpu.memory_space<vmem>>, vector<1x16xf32>,
      %swap3A_308 = vector.shape_cast %swap3A_307 : vector<1x16xf32> to vector<16xf32>
      %swap3A_309 = vector.shape_cast %broadcast_in_dim3A_3 : vector<16xf32> to vector<1x16xf32>
      tpu.vector_store %arg6[%swap3A_305, %swap3A_306], %swap3A_309 {strides = array<i32>} : memref<256x128xf32, #tpu.memory_space<vmem>>, vector<1x16xf32>,
      %swap3A_310 = arith.index_cast %while3A_290 : i32 to index
      %swap3A_311 = arith.constant 64 : index
      %swap3A_312 = tpu.vector_load %arg6[%swap3A_310, %swap3A_311] {strides = array<i32>} : memref<256x128xf32, #tpu.memory_space<vmem>>, vector<1x16xf32>,
      %swap3A_313 = vector.shape_cast %swap3A_312 : vector<1x16xf32> to vector<16xf32>
      %swap3A_314 = vector.shape_cast %broadcast_in_dim3A_3 : vector<16xf32> to vector<1x16xf32>
      tpu.vector_store %arg6[%swap3A_310, %swap3A_311], %swap3A_314 {strides = array<i32>} : memref<256x128xf32, #tpu.memory_space<vmem>>, vector<1x16xf32>,
      %swap3A_315 = arith.index_cast %while3A_290 : i32 to index
      %swap3A_316 = arith.constant 80 : index
      %swap3A_317 = tpu.vector_load %arg6[%swap3A_315, %swap3A_316] {strides = array<i32>} : memref<256x128xf32, #tpu.memory_space<vmem>>, vector<1x16xf32>,
      %swap3A_318 = vector.shape_cast %swap3A_317 : vector<1x16xf32> to vector<16xf32>
      %swap3A_319 = vector.shape_cast %broadcast_in_dim3A_3 : vector<16xf32> to vector<1x16xf32>
      tpu.vector_store %arg6[%swap3A_315, %swap3A_316], %swap3A_319 {strides = array<i32>} : memref<256x128xf32, #tpu.memory_space<vmem>>, vector<1x16xf32>,
      %swap3A_320 = arith.index_cast %while3A_290 : i32 to index
      %swap3A_321 = arith.constant 96 : index
      %swap3A_322 = tpu.vector_load %arg6[%swap3A_320, %swap3A_321] {strides = array<i32>} : memref<256x128xf32, #tpu.memory_space<vmem>>, vector<1x16xf32>,
      %swap3A_323 = vector.shape_cast %swap3A_322 : vector<1x16xf32> to vector<16xf32>
      %swap3A_324 = vector.shape_cast %broadcast_in_dim3A_3 : vector<16xf32> to vector<1x16xf32>
      tpu.vector_store %arg6[%swap3A_320, %swap3A_321], %swap3A_324 {strides = array<i32>} : memref<256x128xf32, #tpu.memory_space<vmem>>, vector<1x16xf32>,
      %swap3A_325 = arith.index_cast %while3A_290 : i32 to index
      %swap3A_326 = arith.constant 112 : index
      %swap3A_327 = tpu.vector_load %arg6[%swap3A_325, %swap3A_326] {strides = array<i32>} : memref<256x128xf32, #tpu.memory_space<vmem>>, vector<1x16xf32>,
      %swap3A_328 = vector.shape_cast %swap3A_327 : vector<1x16xf32> to vector<16xf32>
      %swap3A_329 = vector.shape_cast %broadcast_in_dim3A_3 : vector<16xf32> to vector<1x16xf32>
      tpu.vector_store %arg6[%swap3A_325, %swap3A_326], %swap3A_329 {strides = array<i32>} : memref<256x128xf32, #tpu.memory_space<vmem>>, vector<1x16xf32>,
    }
    %while3A_119 = arith.constant 1 : i32
    scf.for %while3A_290 = %while3A_117 to %while3A_113 step %while3A_119  : i32 {
      %swap3A = arith.index_cast %while3A_290 : i32 to index
      %swap3A_291 = arith.constant 0 : index
      %swap3A_292 = tpu.vector_load %arg6[%swap3A, %swap3A_291] {strides = array<i32>} : memref<256x128xf32, #tpu.memory_space<vmem>>, vector<1x16xf32>,
      %swap3A_293 = vector.shape_cast %swap3A_292 : vector<1x16xf32> to vector<16xf32>
      %swap3A_294 = vector.shape_cast %broadcast_in_dim3A_3 : vector<16xf32> to vector<1x16xf32>
      tpu.vector_store %arg6[%swap3A, %swap3A_291], %swap3A_294 {strides = array<i32>} : memref<256x128xf32, #tpu.memory_space<vmem>>, vector<1x16xf32>,
      %swap3A_295 = arith.index_cast %while3A_290 : i32 to index
      %swap3A_296 = arith.constant 16 : index
      %swap3A_297 = tpu.vector_load %arg6[%swap3A_295, %swap3A_296] {strides = array<i32>} : memref<256x128xf32, #tpu.memory_space<vmem>>, vector<1x16xf32>,
      %swap3A_298 = vector.shape_cast %swap3A_297 : vector<1x16xf32> to vector<16xf32>
      %swap3A_299 = vector.shape_cast %broadcast_in_dim3A_3 : vector<16xf32> to vector<1x16xf32>
      tpu.vector_store %arg6[%swap3A_295, %swap3A_296], %swap3A_299 {strides = array<i32>} : memref<256x128xf32, #tpu.memory_space<vmem>>, vector<1x16xf32>,
      %swap3A_300 = arith.index_cast %while3A_290 : i32 to index
      %swap3A_301 = arith.constant 32 : index
      %swap3A_302 = tpu.vector_load %arg6[%swap3A_300, %swap3A_301] {strides = array<i32>} : memref<256x128xf32, #tpu.memory_space<vmem>>, vector<1x16xf32>,
      %swap3A_303 = vector.shape_cast %swap3A_302 : vector<1x16xf32> to vector<16xf32>
      %swap3A_304 = vector.shape_cast %broadcast_in_dim3A_3 : vector<16xf32> to vector<1x16xf32>
      tpu.vector_store %arg6[%swap3A_300, %swap3A_301], %swap3A_304 {strides = array<i32>} : memref<256x128xf32, #tpu.memory_space<vmem>>, vector<1x16xf32>,
      %swap3A_305 = arith.index_cast %while3A_290 : i32 to index
      %swap3A_306 = arith.constant 48 : index
      %swap3A_307 = tpu.vector_load %arg6[%swap3A_305, %swap3A_306] {strides = array<i32>} : memref<256x128xf32, #tpu.memory_space<vmem>>, vector<1x16xf32>,
      %swap3A_308 = vector.shape_cast %swap3A_307 : vector<1x16xf32> to vector<16xf32>
      %swap3A_309 = vector.shape_cast %broadcast_in_dim3A_3 : vector<16xf32> to vector<1x16xf32>
      tpu.vector_store %arg6[%swap3A_305, %swap3A_306], %swap3A_309 {strides = array<i32>} : memref<256x128xf32, #tpu.memory_space<vmem>>, vector<1x16xf32>,
      %swap3A_310 = arith.index_cast %while3A_290 : i32 to index
      %swap3A_311 = arith.constant 64 : index
      %swap3A_312 = tpu.vector_load %arg6[%swap3A_310, %swap3A_311] {strides = array<i32>} : memref<256x128xf32, #tpu.memory_space<vmem>>, vector<1x16xf32>,
      %swap3A_313 = vector.shape_cast %swap3A_312 : vector<1x16xf32> to vector<16xf32>
      %swap3A_314 = vector.shape_cast %broadcast_in_dim3A_3 : vector<16xf32> to vector<1x16xf32>
      tpu.vector_store %arg6[%swap3A_310, %swap3A_311], %swap3A_314 {strides = array<i32>} : memref<256x128xf32, #tpu.memory_space<vmem>>, vector<1x16xf32>,
      %swap3A_315 = arith.index_cast %while3A_290 : i32 to index
      %swap3A_316 = arith.constant 80 : index
      %swap3A_317 = tpu.vector_load %arg6[%swap3A_315, %swap3A_316] {strides = array<i32>} : memref<256x128xf32, #tpu.memory_space<vmem>>, vector<1x16xf32>,
      %swap3A_318 = vector.shape_cast %swap3A_317 : vector<1x16xf32> to vector<16xf32>
      %swap3A_319 = vector.shape_cast %broadcast_in_dim3A_3 : vector<16xf32> to vector<1x16xf32>
      tpu.vector_store %arg6[%swap3A_315, %swap3A_316], %swap3A_319 {strides = array<i32>} : memref<256x128xf32, #tpu.memory_space<vmem>>, vector<1x16xf32>,
      %swap3A_320 = arith.index_cast %while3A_290 : i32 to index
      %swap3A_321 = arith.constant 96 : index
      %swap3A_322 = tpu.vector_load %arg6[%swap3A_320, %swap3A_321] {strides = array<i32>} : memref<256x128xf32, #tpu.memory_space<vmem>>, vector<1x16xf32>,
      %swap3A_323 = vector.shape_cast %swap3A_322 : vector<1x16xf32> to vector<16xf32>
      %swap3A_324 = vector.shape_cast %broadcast_in_dim3A_3 : vector<16xf32> to vector<1x16xf32>
      tpu.vector_store %arg6[%swap3A_320, %swap3A_321], %swap3A_324 {strides = array<i32>} : memref<256x128xf32, #tpu.memory_space<vmem>>, vector<1x16xf32>,
      %swap3A_325 = arith.index_cast %while3A_290 : i32 to index
      %swap3A_326 = arith.constant 112 : index
      %swap3A_327 = tpu.vector_load %arg6[%swap3A_325, %swap3A_326] {strides = array<i32>} : memref<256x128xf32, #tpu.memory_space<vmem>>, vector<1x16xf32>,
      %swap3A_328 = vector.shape_cast %swap3A_327 : vector<1x16xf32> to vector<16xf32>
      %swap3A_329 = vector.shape_cast %broadcast_in_dim3A_3 : vector<16xf32> to vector<1x16xf32>
      tpu.vector_store %arg6[%swap3A_325, %swap3A_326], %swap3A_329 {strides = array<i32>} : memref<256x128xf32, #tpu.memory_space<vmem>>, vector<1x16xf32>,
    }
    "tpu.region"() ({
      %run_scoped3A = tpu.sem_alloc : memref<!tpu.dma_semaphore, #tpu.memory_space<semaphore_mem>>
      %dma_start3A = arith.constant 512 : i32
      %dma_start3A_290 = arith.constant 0 : i32
      %dma_start3A_291 = tpu.memref_slice %arg4[%add3A_15, %dma_start3A, %dma_start3A_290] : memref<32x2048x128xf32, #tpu.memory_space<hbm>> -> memref<1x256x128xf32, #tpu.memory_space<hbm>>
      %dma_start3A_292 = tpu.memref_squeeze %dma_start3A_291 : memref<1x256x128xf32, #tpu.memory_space<hbm>> -> memref<256x128xf32, #tpu.memory_space<hbm>>
      %dma_start3A_293 = arith.constant 512 : i32
      %dma_start3A_294 = arith.constant 0 : i32
      %dma_start3A_295 = tpu.memref_slice %arg4[%add3A_15, %dma_start3A_293, %dma_start3A_294] : memref<32x2048x128xf32, #tpu.memory_space<hbm>> -> memref<1x256x128xf32, #tpu.memory_space<hbm>>
      %dma_start3A_296 = tpu.memref_squeeze %dma_start3A_295 : memref<1x256x128xf32, #tpu.memory_space<hbm>> -> memref<256x128xf32, #tpu.memory_space<hbm>>
      tpu.enqueue_dma source(%arg6 : memref<256x128xf32, #tpu.memory_space<vmem>>) target(%dma_start3A_296 : memref<256x128xf32, #tpu.memory_space<hbm>>) target_semaphore(%run_scoped3A : memref<!tpu.dma_semaphore, #tpu.memory_space<semaphore_mem>>)
      %dma_wait3A = arith.constant 512 : i32
      %dma_wait3A_297 = arith.constant 0 : i32
      %dma_wait3A_298 = tpu.memref_slice %arg4[%add3A_15, %dma_wait3A, %dma_wait3A_297] : memref<32x2048x128xf32, #tpu.memory_space<hbm>> -> memref<1x256x128xf32, #tpu.memory_space<hbm>>
      %dma_wait3A_299 = tpu.memref_squeeze %dma_wait3A_298 : memref<1x256x128xf32, #tpu.memory_space<hbm>> -> memref<256x128xf32, #tpu.memory_space<hbm>>
      %dma_wait3A_300 = arith.constant 512 : i32
      %dma_wait3A_301 = arith.constant 0 : i32
      %dma_wait3A_302 = tpu.memref_slice %arg4[%add3A_15, %dma_wait3A_300, %dma_wait3A_301] : memref<32x2048x128xf32, #tpu.memory_space<hbm>> -> memref<1x256x128xf32, #tpu.memory_space<hbm>>
      %dma_wait3A_303 = tpu.memref_squeeze %dma_wait3A_302 : memref<1x256x128xf32, #tpu.memory_space<hbm>> -> memref<256x128xf32, #tpu.memory_space<hbm>>
      tpu.wait_dma2 semaphore(%run_scoped3A : memref<!tpu.dma_semaphore, #tpu.memory_space<semaphore_mem>>) src(%arg6 : memref<256x128xf32, #tpu.memory_space<vmem>>) dst(%dma_wait3A_303 : memref<256x128xf32, #tpu.memory_space<hbm>>)
      tpu.yield
    }) : () -> ()
    "tpu.region"() ({
      %run_scoped3A = tpu.sem_alloc : memref<!tpu.dma_semaphore, #tpu.memory_space<semaphore_mem>>
      %dma_start3A = arith.constant 768 : i32
      %dma_start3A_290 = arith.constant 0 : i32
      %dma_start3A_291 = tpu.memref_slice %arg3[%add3A_11, %dma_start3A, %dma_start3A_290] : memref<128x2048x128xf32, #tpu.memory_space<hbm>> -> memref<1x256x128xf32, #tpu.memory_space<hbm>>
      %dma_start3A_292 = tpu.memref_squeeze %dma_start3A_291 : memref<1x256x128xf32, #tpu.memory_space<hbm>> -> memref<256x128xf32, #tpu.memory_space<hbm>>
      %dma_start3A_293 = arith.constant 768 : i32
      %dma_start3A_294 = arith.constant 0 : i32
      %dma_start3A_295 = tpu.memref_slice %arg3[%add3A_11, %dma_start3A_293, %dma_start3A_294] : memref<128x2048x128xf32, #tpu.memory_space<hbm>> -> memref<1x256x128xf32, #tpu.memory_space<hbm>>
      %dma_start3A_296 = tpu.memref_squeeze %dma_start3A_295 : memref<1x256x128xf32, #tpu.memory_space<hbm>> -> memref<256x128xf32, #tpu.memory_space<hbm>>
      tpu.enqueue_dma source(%dma_start3A_296 : memref<256x128xf32, #tpu.memory_space<hbm>>) target(%arg6 : memref<256x128xf32, #tpu.memory_space<vmem>>) target_semaphore(%run_scoped3A : memref<!tpu.dma_semaphore, #tpu.memory_space<semaphore_mem>>)
      %dma_wait3A = arith.constant 768 : i32
      %dma_wait3A_297 = arith.constant 0 : i32
      %dma_wait3A_298 = tpu.memref_slice %arg3[%add3A_11, %dma_wait3A, %dma_wait3A_297] : memref<128x2048x128xf32, #tpu.memory_space<hbm>> -> memref<1x256x128xf32, #tpu.memory_space<hbm>>
      %dma_wait3A_299 = tpu.memref_squeeze %dma_wait3A_298 : memref<1x256x128xf32, #tpu.memory_space<hbm>> -> memref<256x128xf32, #tpu.memory_space<hbm>>
      %dma_wait3A_300 = arith.constant 768 : i32
      %dma_wait3A_301 = arith.constant 0 : i32
      %dma_wait3A_302 = tpu.memref_slice %arg3[%add3A_11, %dma_wait3A_300, %dma_wait3A_301] : memref<128x2048x128xf32, #tpu.memory_space<hbm>> -> memref<1x256x128xf32, #tpu.memory_space<hbm>>
      %dma_wait3A_303 = tpu.memref_squeeze %dma_wait3A_302 : memref<1x256x128xf32, #tpu.memory_space<hbm>> -> memref<256x128xf32, #tpu.memory_space<hbm>>
      tpu.wait_dma2 semaphore(%run_scoped3A : memref<!tpu.dma_semaphore, #tpu.memory_space<semaphore_mem>>) src(%dma_wait3A_303 : memref<256x128xf32, #tpu.memory_space<hbm>>) dst(%arg6 : memref<256x128xf32, #tpu.memory_space<vmem>>)
      tpu.yield
    }) : () -> ()
    %sub3A_120 = arith.constant 768 : i32
    %sub3A_121 = arith.subi %squeeze3A, %sub3A_120 : i32
    %max3A_122 = arith.constant 0 : i32
    %max3A_123 = arith.maxsi %sub3A_121, %max3A_122 : i32
    %sub3A_124 = arith.constant 768 : i32
    %sub3A_125 = arith.subi %squeeze3A_17, %sub3A_124 : i32
    %min3A_126 = arith.constant 256 : i32
    %min3A_127 = arith.minsi %sub3A_125, %min3A_126 : i32
    %while3A_128 = arith.constant 0 : i32
    %while3A_129 = arith.subi %min3A_127, %max3A_123 : i32
    %while3A_130 = arith.addi %max3A_123, %while3A_129 : i32
    %while3A_131 = arith.constant 1 : i32
    %while3A_132 = arith.divsi %while3A_129, %while3A_131 : i32
    %while3A_133 = arith.muli %while3A_132, %while3A_131 : i32
    %while3A_134 = arith.addi %max3A_123, %while3A_133 : i32
    %while3A_135 = arith.constant 1 : i32
    scf.for %while3A_290 = %max3A_123 to %while3A_134 step %while3A_135  : i32 {
      %swap3A = arith.index_cast %while3A_290 : i32 to index
      %swap3A_291 = arith.constant 0 : index
      %swap3A_292 = tpu.vector_load %arg6[%swap3A, %swap3A_291] {strides = array<i32>} : memref<256x128xf32, #tpu.memory_space<vmem>>, vector<1x16xf32>,
      %swap3A_293 = vector.shape_cast %swap3A_292 : vector<1x16xf32> to vector<16xf32>
      %swap3A_294 = vector.shape_cast %broadcast_in_dim3A_3 : vector<16xf32> to vector<1x16xf32>
      tpu.vector_store %arg6[%swap3A, %swap3A_291], %swap3A_294 {strides = array<i32>} : memref<256x128xf32, #tpu.memory_space<vmem>>, vector<1x16xf32>,
      %swap3A_295 = arith.index_cast %while3A_290 : i32 to index
      %swap3A_296 = arith.constant 16 : index
      %swap3A_297 = tpu.vector_load %arg6[%swap3A_295, %swap3A_296] {strides = array<i32>} : memref<256x128xf32, #tpu.memory_space<vmem>>, vector<1x16xf32>,
      %swap3A_298 = vector.shape_cast %swap3A_297 : vector<1x16xf32> to vector<16xf32>
      %swap3A_299 = vector.shape_cast %broadcast_in_dim3A_3 : vector<16xf32> to vector<1x16xf32>
      tpu.vector_store %arg6[%swap3A_295, %swap3A_296], %swap3A_299 {strides = array<i32>} : memref<256x128xf32, #tpu.memory_space<vmem>>, vector<1x16xf32>,
      %swap3A_300 = arith.index_cast %while3A_290 : i32 to index
      %swap3A_301 = arith.constant 32 : index
      %swap3A_302 = tpu.vector_load %arg6[%swap3A_300, %swap3A_301] {strides = array<i32>} : memref<256x128xf32, #tpu.memory_space<vmem>>, vector<1x16xf32>,
      %swap3A_303 = vector.shape_cast %swap3A_302 : vector<1x16xf32> to vector<16xf32>
      %swap3A_304 = vector.shape_cast %broadcast_in_dim3A_3 : vector<16xf32> to vector<1x16xf32>
      tpu.vector_store %arg6[%swap3A_300, %swap3A_301], %swap3A_304 {strides = array<i32>} : memref<256x128xf32, #tpu.memory_space<vmem>>, vector<1x16xf32>,
      %swap3A_305 = arith.index_cast %while3A_290 : i32 to index
      %swap3A_306 = arith.constant 48 : index
      %swap3A_307 = tpu.vector_load %arg6[%swap3A_305, %swap3A_306] {strides = array<i32>} : memref<256x128xf32, #tpu.memory_space<vmem>>, vector<1x16xf32>,
      %swap3A_308 = vector.shape_cast %swap3A_307 : vector<1x16xf32> to vector<16xf32>
      %swap3A_309 = vector.shape_cast %broadcast_in_dim3A_3 : vector<16xf32> to vector<1x16xf32>
      tpu.vector_store %arg6[%swap3A_305, %swap3A_306], %swap3A_309 {strides = array<i32>} : memref<256x128xf32, #tpu.memory_space<vmem>>, vector<1x16xf32>,
      %swap3A_310 = arith.index_cast %while3A_290 : i32 to index
      %swap3A_311 = arith.constant 64 : index
      %swap3A_312 = tpu.vector_load %arg6[%swap3A_310, %swap3A_311] {strides = array<i32>} : memref<256x128xf32, #tpu.memory_space<vmem>>, vector<1x16xf32>,
      %swap3A_313 = vector.shape_cast %swap3A_312 : vector<1x16xf32> to vector<16xf32>
      %swap3A_314 = vector.shape_cast %broadcast_in_dim3A_3 : vector<16xf32> to vector<1x16xf32>
      tpu.vector_store %arg6[%swap3A_310, %swap3A_311], %swap3A_314 {strides = array<i32>} : memref<256x128xf32, #tpu.memory_space<vmem>>, vector<1x16xf32>,
      %swap3A_315 = arith.index_cast %while3A_290 : i32 to index
      %swap3A_316 = arith.constant 80 : index
      %swap3A_317 = tpu.vector_load %arg6[%swap3A_315, %swap3A_316] {strides = array<i32>} : memref<256x128xf32, #tpu.memory_space<vmem>>, vector<1x16xf32>,
      %swap3A_318 = vector.shape_cast %swap3A_317 : vector<1x16xf32> to vector<16xf32>
      %swap3A_319 = vector.shape_cast %broadcast_in_dim3A_3 : vector<16xf32> to vector<1x16xf32>
      tpu.vector_store %arg6[%swap3A_315, %swap3A_316], %swap3A_319 {strides = array<i32>} : memref<256x128xf32, #tpu.memory_space<vmem>>, vector<1x16xf32>,
      %swap3A_320 = arith.index_cast %while3A_290 : i32 to index
      %swap3A_321 = arith.constant 96 : index
      %swap3A_322 = tpu.vector_load %arg6[%swap3A_320, %swap3A_321] {strides = array<i32>} : memref<256x128xf32, #tpu.memory_space<vmem>>, vector<1x16xf32>,
      %swap3A_323 = vector.shape_cast %swap3A_322 : vector<1x16xf32> to vector<16xf32>
      %swap3A_324 = vector.shape_cast %broadcast_in_dim3A_3 : vector<16xf32> to vector<1x16xf32>
      tpu.vector_store %arg6[%swap3A_320, %swap3A_321], %swap3A_324 {strides = array<i32>} : memref<256x128xf32, #tpu.memory_space<vmem>>, vector<1x16xf32>,
      %swap3A_325 = arith.index_cast %while3A_290 : i32 to index
      %swap3A_326 = arith.constant 112 : index
      %swap3A_327 = tpu.vector_load %arg6[%swap3A_325, %swap3A_326] {strides = array<i32>} : memref<256x128xf32, #tpu.memory_space<vmem>>, vector<1x16xf32>,
      %swap3A_328 = vector.shape_cast %swap3A_327 : vector<1x16xf32> to vector<16xf32>
      %swap3A_329 = vector.shape_cast %broadcast_in_dim3A_3 : vector<16xf32> to vector<1x16xf32>
      tpu.vector_store %arg6[%swap3A_325, %swap3A_326], %swap3A_329 {strides = array<i32>} : memref<256x128xf32, #tpu.memory_space<vmem>>, vector<1x16xf32>,
    }
    %while3A_136 = arith.constant 1 : i32
    scf.for %while3A_290 = %while3A_134 to %while3A_130 step %while3A_136  : i32 {
      %swap3A = arith.index_cast %while3A_290 : i32 to index
      %swap3A_291 = arith.constant 0 : index
      %swap3A_292 = tpu.vector_load %arg6[%swap3A, %swap3A_291] {strides = array<i32>} : memref<256x128xf32, #tpu.memory_space<vmem>>, vector<1x16xf32>,
      %swap3A_293 = vector.shape_cast %swap3A_292 : vector<1x16xf32> to vector<16xf32>
      %swap3A_294 = vector.shape_cast %broadcast_in_dim3A_3 : vector<16xf32> to vector<1x16xf32>
      tpu.vector_store %arg6[%swap3A, %swap3A_291], %swap3A_294 {strides = array<i32>} : memref<256x128xf32, #tpu.memory_space<vmem>>, vector<1x16xf32>,
      %swap3A_295 = arith.index_cast %while3A_290 : i32 to index
      %swap3A_296 = arith.constant 16 : index
      %swap3A_297 = tpu.vector_load %arg6[%swap3A_295, %swap3A_296] {strides = array<i32>} : memref<256x128xf32, #tpu.memory_space<vmem>>, vector<1x16xf32>,
      %swap3A_298 = vector.shape_cast %swap3A_297 : vector<1x16xf32> to vector<16xf32>
      %swap3A_299 = vector.shape_cast %broadcast_in_dim3A_3 : vector<16xf32> to vector<1x16xf32>
      tpu.vector_store %arg6[%swap3A_295, %swap3A_296], %swap3A_299 {strides = array<i32>} : memref<256x128xf32, #tpu.memory_space<vmem>>, vector<1x16xf32>,
      %swap3A_300 = arith.index_cast %while3A_290 : i32 to index
      %swap3A_301 = arith.constant 32 : index
      %swap3A_302 = tpu.vector_load %arg6[%swap3A_300, %swap3A_301] {strides = array<i32>} : memref<256x128xf32, #tpu.memory_space<vmem>>, vector<1x16xf32>,
      %swap3A_303 = vector.shape_cast %swap3A_302 : vector<1x16xf32> to vector<16xf32>
      %swap3A_304 = vector.shape_cast %broadcast_in_dim3A_3 : vector<16xf32> to vector<1x16xf32>
      tpu.vector_store %arg6[%swap3A_300, %swap3A_301], %swap3A_304 {strides = array<i32>} : memref<256x128xf32, #tpu.memory_space<vmem>>, vector<1x16xf32>,
      %swap3A_305 = arith.index_cast %while3A_290 : i32 to index
      %swap3A_306 = arith.constant 48 : index
      %swap3A_307 = tpu.vector_load %arg6[%swap3A_305, %swap3A_306] {strides = array<i32>} : memref<256x128xf32, #tpu.memory_space<vmem>>, vector<1x16xf32>,
      %swap3A_308 = vector.shape_cast %swap3A_307 : vector<1x16xf32> to vector<16xf32>
      %swap3A_309 = vector.shape_cast %broadcast_in_dim3A_3 : vector<16xf32> to vector<1x16xf32>
      tpu.vector_store %arg6[%swap3A_305, %swap3A_306], %swap3A_309 {strides = array<i32>} : memref<256x128xf32, #tpu.memory_space<vmem>>, vector<1x16xf32>,
      %swap3A_310 = arith.index_cast %while3A_290 : i32 to index
      %swap3A_311 = arith.constant 64 : index
      %swap3A_312 = tpu.vector_load %arg6[%swap3A_310, %swap3A_311] {strides = array<i32>} : memref<256x128xf32, #tpu.memory_space<vmem>>, vector<1x16xf32>,
      %swap3A_313 = vector.shape_cast %swap3A_312 : vector<1x16xf32> to vector<16xf32>
      %swap3A_314 = vector.shape_cast %broadcast_in_dim3A_3 : vector<16xf32> to vector<1x16xf32>
      tpu.vector_store %arg6[%swap3A_310, %swap3A_311], %swap3A_314 {strides = array<i32>} : memref<256x128xf32, #tpu.memory_space<vmem>>, vector<1x16xf32>,
      %swap3A_315 = arith.index_cast %while3A_290 : i32 to index
      %swap3A_316 = arith.constant 80 : index
      %swap3A_317 = tpu.vector_load %arg6[%swap3A_315, %swap3A_316] {strides = array<i32>} : memref<256x128xf32, #tpu.memory_space<vmem>>, vector<1x16xf32>,
      %swap3A_318 = vector.shape_cast %swap3A_317 : vector<1x16xf32> to vector<16xf32>
      %swap3A_319 = vector.shape_cast %broadcast_in_dim3A_3 : vector<16xf32> to vector<1x16xf32>
      tpu.vector_store %arg6[%swap3A_315, %swap3A_316], %swap3A_319 {strides = array<i32>} : memref<256x128xf32, #tpu.memory_space<vmem>>, vector<1x16xf32>,
      %swap3A_320 = arith.index_cast %while3A_290 : i32 to index
      %swap3A_321 = arith.constant 96 : index
      %swap3A_322 = tpu.vector_load %arg6[%swap3A_320, %swap3A_321] {strides = array<i32>} : memref<256x128xf32, #tpu.memory_space<vmem>>, vector<1x16xf32>,
      %swap3A_323 = vector.shape_cast %swap3A_322 : vector<1x16xf32> to vector<16xf32>
      %swap3A_324 = vector.shape_cast %broadcast_in_dim3A_3 : vector<16xf32> to vector<1x16xf32>
      tpu.vector_store %arg6[%swap3A_320, %swap3A_321], %swap3A_324 {strides = array<i32>} : memref<256x128xf32, #tpu.memory_space<vmem>>, vector<1x16xf32>,
      %swap3A_325 = arith.index_cast %while3A_290 : i32 to index
      %swap3A_326 = arith.constant 112 : index
      %swap3A_327 = tpu.vector_load %arg6[%swap3A_325, %swap3A_326] {strides = array<i32>} : memref<256x128xf32, #tpu.memory_space<vmem>>, vector<1x16xf32>,
      %swap3A_328 = vector.shape_cast %swap3A_327 : vector<1x16xf32> to vector<16xf32>
      %swap3A_329 = vector.shape_cast %broadcast_in_dim3A_3 : vector<16xf32> to vector<1x16xf32>
      tpu.vector_store %arg6[%swap3A_325, %swap3A_326], %swap3A_329 {strides = array<i32>} : memref<256x128xf32, #tpu.memory_space<vmem>>, vector<1x16xf32>,
    }
    %sub3A_137 = arith.constant 768 : i32
    %sub3A_138 = arith.subi %squeeze3A_19, %sub3A_137 : i32
    %max3A_139 = arith.constant 0 : i32
    %max3A_140 = arith.maxsi %sub3A_138, %max3A_139 : i32
    %sub3A_141 = arith.constant 768 : i32
    %sub3A_142 = arith.subi %squeeze3A_21, %sub3A_141 : i32
    %min3A_143 = arith.constant 256 : i32
    %min3A_144 = arith.minsi %sub3A_142, %min3A_143 : i32
    %while3A_145 = arith.constant 0 : i32
    %while3A_146 = arith.subi %min3A_144, %max3A_140 : i32
    %while3A_147 = arith.addi %max3A_140, %while3A_146 : i32
    %while3A_148 = arith.constant 1 : i32
    %while3A_149 = arith.divsi %while3A_146, %while3A_148 : i32
    %while3A_150 = arith.muli %while3A_149, %while3A_148 : i32
    %while3A_151 = arith.addi %max3A_140, %while3A_150 : i32
    %while3A_152 = arith.constant 1 : i32
    scf.for %while3A_290 = %max3A_140 to %while3A_151 step %while3A_152  : i32 {
      %swap3A = arith.index_cast %while3A_290 : i32 to index
      %swap3A_291 = arith.constant 0 : index
      %swap3A_292 = tpu.vector_load %arg6[%swap3A, %swap3A_291] {strides = array<i32>} : memref<256x128xf32, #tpu.memory_space<vmem>>, vector<1x16xf32>,
      %swap3A_293 = vector.shape_cast %swap3A_292 : vector<1x16xf32> to vector<16xf32>
      %swap3A_294 = vector.shape_cast %broadcast_in_dim3A_3 : vector<16xf32> to vector<1x16xf32>
      tpu.vector_store %arg6[%swap3A, %swap3A_291], %swap3A_294 {strides = array<i32>} : memref<256x128xf32, #tpu.memory_space<vmem>>, vector<1x16xf32>,
      %swap3A_295 = arith.index_cast %while3A_290 : i32 to index
      %swap3A_296 = arith.constant 16 : index
      %swap3A_297 = tpu.vector_load %arg6[%swap3A_295, %swap3A_296] {strides = array<i32>} : memref<256x128xf32, #tpu.memory_space<vmem>>, vector<1x16xf32>,
      %swap3A_298 = vector.shape_cast %swap3A_297 : vector<1x16xf32> to vector<16xf32>
      %swap3A_299 = vector.shape_cast %broadcast_in_dim3A_3 : vector<16xf32> to vector<1x16xf32>
      tpu.vector_store %arg6[%swap3A_295, %swap3A_296], %swap3A_299 {strides = array<i32>} : memref<256x128xf32, #tpu.memory_space<vmem>>, vector<1x16xf32>,
      %swap3A_300 = arith.index_cast %while3A_290 : i32 to index
      %swap3A_301 = arith.constant 32 : index
      %swap3A_302 = tpu.vector_load %arg6[%swap3A_300, %swap3A_301] {strides = array<i32>} : memref<256x128xf32, #tpu.memory_space<vmem>>, vector<1x16xf32>,
      %swap3A_303 = vector.shape_cast %swap3A_302 : vector<1x16xf32> to vector<16xf32>
      %swap3A_304 = vector.shape_cast %broadcast_in_dim3A_3 : vector<16xf32> to vector<1x16xf32>
      tpu.vector_store %arg6[%swap3A_300, %swap3A_301], %swap3A_304 {strides = array<i32>} : memref<256x128xf32, #tpu.memory_space<vmem>>, vector<1x16xf32>,
      %swap3A_305 = arith.index_cast %while3A_290 : i32 to index
      %swap3A_306 = arith.constant 48 : index
      %swap3A_307 = tpu.vector_load %arg6[%swap3A_305, %swap3A_306] {strides = array<i32>} : memref<256x128xf32, #tpu.memory_space<vmem>>, vector<1x16xf32>,
      %swap3A_308 = vector.shape_cast %swap3A_307 : vector<1x16xf32> to vector<16xf32>
      %swap3A_309 = vector.shape_cast %broadcast_in_dim3A_3 : vector<16xf32> to vector<1x16xf32>
      tpu.vector_store %arg6[%swap3A_305, %swap3A_306], %swap3A_309 {strides = array<i32>} : memref<256x128xf32, #tpu.memory_space<vmem>>, vector<1x16xf32>,
      %swap3A_310 = arith.index_cast %while3A_290 : i32 to index
      %swap3A_311 = arith.constant 64 : index
      %swap3A_312 = tpu.vector_load %arg6[%swap3A_310, %swap3A_311] {strides = array<i32>} : memref<256x128xf32, #tpu.memory_space<vmem>>, vector<1x16xf32>,
      %swap3A_313 = vector.shape_cast %swap3A_312 : vector<1x16xf32> to vector<16xf32>
      %swap3A_314 = vector.shape_cast %broadcast_in_dim3A_3 : vector<16xf32> to vector<1x16xf32>
      tpu.vector_store %arg6[%swap3A_310, %swap3A_311], %swap3A_314 {strides = array<i32>} : memref<256x128xf32, #tpu.memory_space<vmem>>, vector<1x16xf32>,
      %swap3A_315 = arith.index_cast %while3A_290 : i32 to index
      %swap3A_316 = arith.constant 80 : index
      %swap3A_317 = tpu.vector_load %arg6[%swap3A_315, %swap3A_316] {strides = array<i32>} : memref<256x128xf32, #tpu.memory_space<vmem>>, vector<1x16xf32>,
      %swap3A_318 = vector.shape_cast %swap3A_317 : vector<1x16xf32> to vector<16xf32>
      %swap3A_319 = vector.shape_cast %broadcast_in_dim3A_3 : vector<16xf32> to vector<1x16xf32>
      tpu.vector_store %arg6[%swap3A_315, %swap3A_316], %swap3A_319 {strides = array<i32>} : memref<256x128xf32, #tpu.memory_space<vmem>>, vector<1x16xf32>,
      %swap3A_320 = arith.index_cast %while3A_290 : i32 to index
      %swap3A_321 = arith.constant 96 : index
      %swap3A_322 = tpu.vector_load %arg6[%swap3A_320, %swap3A_321] {strides = array<i32>} : memref<256x128xf32, #tpu.memory_space<vmem>>, vector<1x16xf32>,
      %swap3A_323 = vector.shape_cast %swap3A_322 : vector<1x16xf32> to vector<16xf32>
      %swap3A_324 = vector.shape_cast %broadcast_in_dim3A_3 : vector<16xf32> to vector<1x16xf32>
      tpu.vector_store %arg6[%swap3A_320, %swap3A_321], %swap3A_324 {strides = array<i32>} : memref<256x128xf32, #tpu.memory_space<vmem>>, vector<1x16xf32>,
      %swap3A_325 = arith.index_cast %while3A_290 : i32 to index
      %swap3A_326 = arith.constant 112 : index
      %swap3A_327 = tpu.vector_load %arg6[%swap3A_325, %swap3A_326] {strides = array<i32>} : memref<256x128xf32, #tpu.memory_space<vmem>>, vector<1x16xf32>,
      %swap3A_328 = vector.shape_cast %swap3A_327 : vector<1x16xf32> to vector<16xf32>
      %swap3A_329 = vector.shape_cast %broadcast_in_dim3A_3 : vector<16xf32> to vector<1x16xf32>
      tpu.vector_store %arg6[%swap3A_325, %swap3A_326], %swap3A_329 {strides = array<i32>} : memref<256x128xf32, #tpu.memory_space<vmem>>, vector<1x16xf32>,
    }
    %while3A_153 = arith.constant 1 : i32
    scf.for %while3A_290 = %while3A_151 to %while3A_147 step %while3A_153  : i32 {
      %swap3A = arith.index_cast %while3A_290 : i32 to index
      %swap3A_291 = arith.constant 0 : index
      %swap3A_292 = tpu.vector_load %arg6[%swap3A, %swap3A_291] {strides = array<i32>} : memref<256x128xf32, #tpu.memory_space<vmem>>, vector<1x16xf32>,
      %swap3A_293 = vector.shape_cast %swap3A_292 : vector<1x16xf32> to vector<16xf32>
      %swap3A_294 = vector.shape_cast %broadcast_in_dim3A_3 : vector<16xf32> to vector<1x16xf32>
      tpu.vector_store %arg6[%swap3A, %swap3A_291], %swap3A_294 {strides = array<i32>} : memref<256x128xf32, #tpu.memory_space<vmem>>, vector<1x16xf32>,
      %swap3A_295 = arith.index_cast %while3A_290 : i32 to index
      %swap3A_296 = arith.constant 16 : index
      %swap3A_297 = tpu.vector_load %arg6[%swap3A_295, %swap3A_296] {strides = array<i32>} : memref<256x128xf32, #tpu.memory_space<vmem>>, vector<1x16xf32>,
      %swap3A_298 = vector.shape_cast %swap3A_297 : vector<1x16xf32> to vector<16xf32>
      %swap3A_299 = vector.shape_cast %broadcast_in_dim3A_3 : vector<16xf32> to vector<1x16xf32>
      tpu.vector_store %arg6[%swap3A_295, %swap3A_296], %swap3A_299 {strides = array<i32>} : memref<256x128xf32, #tpu.memory_space<vmem>>, vector<1x16xf32>,
      %swap3A_300 = arith.index_cast %while3A_290 : i32 to index
      %swap3A_301 = arith.constant 32 : index
      %swap3A_302 = tpu.vector_load %arg6[%swap3A_300, %swap3A_301] {strides = array<i32>} : memref<256x128xf32, #tpu.memory_space<vmem>>, vector<1x16xf32>,
      %swap3A_303 = vector.shape_cast %swap3A_302 : vector<1x16xf32> to vector<16xf32>
      %swap3A_304 = vector.shape_cast %broadcast_in_dim3A_3 : vector<16xf32> to vector<1x16xf32>
      tpu.vector_store %arg6[%swap3A_300, %swap3A_301], %swap3A_304 {strides = array<i32>} : memref<256x128xf32, #tpu.memory_space<vmem>>, vector<1x16xf32>,
      %swap3A_305 = arith.index_cast %while3A_290 : i32 to index
      %swap3A_306 = arith.constant 48 : index
      %swap3A_307 = tpu.vector_load %arg6[%swap3A_305, %swap3A_306] {strides = array<i32>} : memref<256x128xf32, #tpu.memory_space<vmem>>, vector<1x16xf32>,
      %swap3A_308 = vector.shape_cast %swap3A_307 : vector<1x16xf32> to vector<16xf32>
      %swap3A_309 = vector.shape_cast %broadcast_in_dim3A_3 : vector<16xf32> to vector<1x16xf32>
      tpu.vector_store %arg6[%swap3A_305, %swap3A_306], %swap3A_309 {strides = array<i32>} : memref<256x128xf32, #tpu.memory_space<vmem>>, vector<1x16xf32>,
      %swap3A_310 = arith.index_cast %while3A_290 : i32 to index
      %swap3A_311 = arith.constant 64 : index
      %swap3A_312 = tpu.vector_load %arg6[%swap3A_310, %swap3A_311] {strides = array<i32>} : memref<256x128xf32, #tpu.memory_space<vmem>>, vector<1x16xf32>,
      %swap3A_313 = vector.shape_cast %swap3A_312 : vector<1x16xf32> to vector<16xf32>
      %swap3A_314 = vector.shape_cast %broadcast_in_dim3A_3 : vector<16xf32> to vector<1x16xf32>
      tpu.vector_store %arg6[%swap3A_310, %swap3A_311], %swap3A_314 {strides = array<i32>} : memref<256x128xf32, #tpu.memory_space<vmem>>, vector<1x16xf32>,
      %swap3A_315 = arith.index_cast %while3A_290 : i32 to index
      %swap3A_316 = arith.constant 80 : index
      %swap3A_317 = tpu.vector_load %arg6[%swap3A_315, %swap3A_316] {strides = array<i32>} : memref<256x128xf32, #tpu.memory_space<vmem>>, vector<1x16xf32>,
      %swap3A_318 = vector.shape_cast %swap3A_317 : vector<1x16xf32> to vector<16xf32>
      %swap3A_319 = vector.shape_cast %broadcast_in_dim3A_3 : vector<16xf32> to vector<1x16xf32>
      tpu.vector_store %arg6[%swap3A_315, %swap3A_316], %swap3A_319 {strides = array<i32>} : memref<256x128xf32, #tpu.memory_space<vmem>>, vector<1x16xf32>,
      %swap3A_320 = arith.index_cast %while3A_290 : i32 to index
      %swap3A_321 = arith.constant 96 : index
      %swap3A_322 = tpu.vector_load %arg6[%swap3A_320, %swap3A_321] {strides = array<i32>} : memref<256x128xf32, #tpu.memory_space<vmem>>, vector<1x16xf32>,
      %swap3A_323 = vector.shape_cast %swap3A_322 : vector<1x16xf32> to vector<16xf32>
      %swap3A_324 = vector.shape_cast %broadcast_in_dim3A_3 : vector<16xf32> to vector<1x16xf32>
      tpu.vector_store %arg6[%swap3A_320, %swap3A_321], %swap3A_324 {strides = array<i32>} : memref<256x128xf32, #tpu.memory_space<vmem>>, vector<1x16xf32>,
      %swap3A_325 = arith.index_cast %while3A_290 : i32 to index
      %swap3A_326 = arith.constant 112 : index
      %swap3A_327 = tpu.vector_load %arg6[%swap3A_325, %swap3A_326] {strides = array<i32>} : memref<256x128xf32, #tpu.memory_space<vmem>>, vector<1x16xf32>,
      %swap3A_328 = vector.shape_cast %swap3A_327 : vector<1x16xf32> to vector<16xf32>
      %swap3A_329 = vector.shape_cast %broadcast_in_dim3A_3 : vector<16xf32> to vector<1x16xf32>
      tpu.vector_store %arg6[%swap3A_325, %swap3A_326], %swap3A_329 {strides = array<i32>} : memref<256x128xf32, #tpu.memory_space<vmem>>, vector<1x16xf32>,
    }
    "tpu.region"() ({
      %run_scoped3A = tpu.sem_alloc : memref<!tpu.dma_semaphore, #tpu.memory_space<semaphore_mem>>
      %dma_start3A = arith.constant 768 : i32
      %dma_start3A_290 = arith.constant 0 : i32
      %dma_start3A_291 = tpu.memref_slice %arg4[%add3A_15, %dma_start3A, %dma_start3A_290] : memref<32x2048x128xf32, #tpu.memory_space<hbm>> -> memref<1x256x128xf32, #tpu.memory_space<hbm>>
      %dma_start3A_292 = tpu.memref_squeeze %dma_start3A_291 : memref<1x256x128xf32, #tpu.memory_space<hbm>> -> memref<256x128xf32, #tpu.memory_space<hbm>>
      %dma_start3A_293 = arith.constant 768 : i32
      %dma_start3A_294 = arith.constant 0 : i32
      %dma_start3A_295 = tpu.memref_slice %arg4[%add3A_15, %dma_start3A_293, %dma_start3A_294] : memref<32x2048x128xf32, #tpu.memory_space<hbm>> -> memref<1x256x128xf32, #tpu.memory_space<hbm>>
      %dma_start3A_296 = tpu.memref_squeeze %dma_start3A_295 : memref<1x256x128xf32, #tpu.memory_space<hbm>> -> memref<256x128xf32, #tpu.memory_space<hbm>>
      tpu.enqueue_dma source(%arg6 : memref<256x128xf32, #tpu.memory_space<vmem>>) target(%dma_start3A_296 : memref<256x128xf32, #tpu.memory_space<hbm>>) target_semaphore(%run_scoped3A : memref<!tpu.dma_semaphore, #tpu.memory_space<semaphore_mem>>)
      %dma_wait3A = arith.constant 768 : i32
      %dma_wait3A_297 = arith.constant 0 : i32
      %dma_wait3A_298 = tpu.memref_slice %arg4[%add3A_15, %dma_wait3A, %dma_wait3A_297] : memref<32x2048x128xf32, #tpu.memory_space<hbm>> -> memref<1x256x128xf32, #tpu.memory_space<hbm>>
      %dma_wait3A_299 = tpu.memref_squeeze %dma_wait3A_298 : memref<1x256x128xf32, #tpu.memory_space<hbm>> -> memref<256x128xf32, #tpu.memory_space<hbm>>
      %dma_wait3A_300 = arith.constant 768 : i32
      %dma_wait3A_301 = arith.constant 0 : i32
      %dma_wait3A_302 = tpu.memref_slice %arg4[%add3A_15, %dma_wait3A_300, %dma_wait3A_301] : memref<32x2048x128xf32, #tpu.memory_space<hbm>> -> memref<1x256x128xf32, #tpu.memory_space<hbm>>
      %dma_wait3A_303 = tpu.memref_squeeze %dma_wait3A_302 : memref<1x256x128xf32, #tpu.memory_space<hbm>> -> memref<256x128xf32, #tpu.memory_space<hbm>>
      tpu.wait_dma2 semaphore(%run_scoped3A : memref<!tpu.dma_semaphore, #tpu.memory_space<semaphore_mem>>) src(%arg6 : memref<256x128xf32, #tpu.memory_space<vmem>>) dst(%dma_wait3A_303 : memref<256x128xf32, #tpu.memory_space<hbm>>)
      tpu.yield
    }) : () -> ()
    "tpu.region"() ({
      %run_scoped3A = tpu.sem_alloc : memref<!tpu.dma_semaphore, #tpu.memory_space<semaphore_mem>>
      %dma_start3A = arith.constant 1024 : i32
      %dma_start3A_290 = arith.constant 0 : i32
      %dma_start3A_291 = tpu.memref_slice %arg3[%add3A_11, %dma_start3A, %dma_start3A_290] : memref<128x2048x128xf32, #tpu.memory_space<hbm>> -> memref<1x256x128xf32, #tpu.memory_space<hbm>>
      %dma_start3A_292 = tpu.memref_squeeze %dma_start3A_291 : memref<1x256x128xf32, #tpu.memory_space<hbm>> -> memref<256x128xf32, #tpu.memory_space<hbm>>
      %dma_start3A_293 = arith.constant 1024 : i32
      %dma_start3A_294 = arith.constant 0 : i32
      %dma_start3A_295 = tpu.memref_slice %arg3[%add3A_11, %dma_start3A_293, %dma_start3A_294] : memref<128x2048x128xf32, #tpu.memory_space<hbm>> -> memref<1x256x128xf32, #tpu.memory_space<hbm>>
      %dma_start3A_296 = tpu.memref_squeeze %dma_start3A_295 : memref<1x256x128xf32, #tpu.memory_space<hbm>> -> memref<256x128xf32, #tpu.memory_space<hbm>>
      tpu.enqueue_dma source(%dma_start3A_296 : memref<256x128xf32, #tpu.memory_space<hbm>>) target(%arg6 : memref<256x128xf32, #tpu.memory_space<vmem>>) target_semaphore(%run_scoped3A : memref<!tpu.dma_semaphore, #tpu.memory_space<semaphore_mem>>)
      %dma_wait3A = arith.constant 1024 : i32
      %dma_wait3A_297 = arith.constant 0 : i32
      %dma_wait3A_298 = tpu.memref_slice %arg3[%add3A_11, %dma_wait3A, %dma_wait3A_297] : memref<128x2048x128xf32, #tpu.memory_space<hbm>> -> memref<1x256x128xf32, #tpu.memory_space<hbm>>
      %dma_wait3A_299 = tpu.memref_squeeze %dma_wait3A_298 : memref<1x256x128xf32, #tpu.memory_space<hbm>> -> memref<256x128xf32, #tpu.memory_space<hbm>>
      %dma_wait3A_300 = arith.constant 1024 : i32
      %dma_wait3A_301 = arith.constant 0 : i32
      %dma_wait3A_302 = tpu.memref_slice %arg3[%add3A_11, %dma_wait3A_300, %dma_wait3A_301] : memref<128x2048x128xf32, #tpu.memory_space<hbm>> -> memref<1x256x128xf32, #tpu.memory_space<hbm>>
      %dma_wait3A_303 = tpu.memref_squeeze %dma_wait3A_302 : memref<1x256x128xf32, #tpu.memory_space<hbm>> -> memref<256x128xf32, #tpu.memory_space<hbm>>
      tpu.wait_dma2 semaphore(%run_scoped3A : memref<!tpu.dma_semaphore, #tpu.memory_space<semaphore_mem>>) src(%dma_wait3A_303 : memref<256x128xf32, #tpu.memory_space<hbm>>) dst(%arg6 : memref<256x128xf32, #tpu.memory_space<vmem>>)
      tpu.yield
    }) : () -> ()
    %sub3A_154 = arith.constant 1024 : i32
    %sub3A_155 = arith.subi %squeeze3A, %sub3A_154 : i32
    %max3A_156 = arith.constant 0 : i32
    %max3A_157 = arith.maxsi %sub3A_155, %max3A_156 : i32
    %sub3A_158 = arith.constant 1024 : i32
    %sub3A_159 = arith.subi %squeeze3A_17, %sub3A_158 : i32
    %min3A_160 = arith.constant 256 : i32
    %min3A_161 = arith.minsi %sub3A_159, %min3A_160 : i32
    %while3A_162 = arith.constant 0 : i32
    %while3A_163 = arith.subi %min3A_161, %max3A_157 : i32
    %while3A_164 = arith.addi %max3A_157, %while3A_163 : i32
    %while3A_165 = arith.constant 1 : i32
    %while3A_166 = arith.divsi %while3A_163, %while3A_165 : i32
    %while3A_167 = arith.muli %while3A_166, %while3A_165 : i32
    %while3A_168 = arith.addi %max3A_157, %while3A_167 : i32
    %while3A_169 = arith.constant 1 : i32
    scf.for %while3A_290 = %max3A_157 to %while3A_168 step %while3A_169  : i32 {
      %swap3A = arith.index_cast %while3A_290 : i32 to index
      %swap3A_291 = arith.constant 0 : index
      %swap3A_292 = tpu.vector_load %arg6[%swap3A, %swap3A_291] {strides = array<i32>} : memref<256x128xf32, #tpu.memory_space<vmem>>, vector<1x16xf32>,
      %swap3A_293 = vector.shape_cast %swap3A_292 : vector<1x16xf32> to vector<16xf32>
      %swap3A_294 = vector.shape_cast %broadcast_in_dim3A_3 : vector<16xf32> to vector<1x16xf32>
      tpu.vector_store %arg6[%swap3A, %swap3A_291], %swap3A_294 {strides = array<i32>} : memref<256x128xf32, #tpu.memory_space<vmem>>, vector<1x16xf32>,
      %swap3A_295 = arith.index_cast %while3A_290 : i32 to index
      %swap3A_296 = arith.constant 16 : index
      %swap3A_297 = tpu.vector_load %arg6[%swap3A_295, %swap3A_296] {strides = array<i32>} : memref<256x128xf32, #tpu.memory_space<vmem>>, vector<1x16xf32>,
      %swap3A_298 = vector.shape_cast %swap3A_297 : vector<1x16xf32> to vector<16xf32>
      %swap3A_299 = vector.shape_cast %broadcast_in_dim3A_3 : vector<16xf32> to vector<1x16xf32>
      tpu.vector_store %arg6[%swap3A_295, %swap3A_296], %swap3A_299 {strides = array<i32>} : memref<256x128xf32, #tpu.memory_space<vmem>>, vector<1x16xf32>,
      %swap3A_300 = arith.index_cast %while3A_290 : i32 to index
      %swap3A_301 = arith.constant 32 : index
      %swap3A_302 = tpu.vector_load %arg6[%swap3A_300, %swap3A_301] {strides = array<i32>} : memref<256x128xf32, #tpu.memory_space<vmem>>, vector<1x16xf32>,
      %swap3A_303 = vector.shape_cast %swap3A_302 : vector<1x16xf32> to vector<16xf32>
      %swap3A_304 = vector.shape_cast %broadcast_in_dim3A_3 : vector<16xf32> to vector<1x16xf32>
      tpu.vector_store %arg6[%swap3A_300, %swap3A_301], %swap3A_304 {strides = array<i32>} : memref<256x128xf32, #tpu.memory_space<vmem>>, vector<1x16xf32>,
      %swap3A_305 = arith.index_cast %while3A_290 : i32 to index
      %swap3A_306 = arith.constant 48 : index
      %swap3A_307 = tpu.vector_load %arg6[%swap3A_305, %swap3A_306] {strides = array<i32>} : memref<256x128xf32, #tpu.memory_space<vmem>>, vector<1x16xf32>,
      %swap3A_308 = vector.shape_cast %swap3A_307 : vector<1x16xf32> to vector<16xf32>
      %swap3A_309 = vector.shape_cast %broadcast_in_dim3A_3 : vector<16xf32> to vector<1x16xf32>
      tpu.vector_store %arg6[%swap3A_305, %swap3A_306], %swap3A_309 {strides = array<i32>} : memref<256x128xf32, #tpu.memory_space<vmem>>, vector<1x16xf32>,
      %swap3A_310 = arith.index_cast %while3A_290 : i32 to index
      %swap3A_311 = arith.constant 64 : index
      %swap3A_312 = tpu.vector_load %arg6[%swap3A_310, %swap3A_311] {strides = array<i32>} : memref<256x128xf32, #tpu.memory_space<vmem>>, vector<1x16xf32>,
      %swap3A_313 = vector.shape_cast %swap3A_312 : vector<1x16xf32> to vector<16xf32>
      %swap3A_314 = vector.shape_cast %broadcast_in_dim3A_3 : vector<16xf32> to vector<1x16xf32>
      tpu.vector_store %arg6[%swap3A_310, %swap3A_311], %swap3A_314 {strides = array<i32>} : memref<256x128xf32, #tpu.memory_space<vmem>>, vector<1x16xf32>,
      %swap3A_315 = arith.index_cast %while3A_290 : i32 to index
      %swap3A_316 = arith.constant 80 : index
      %swap3A_317 = tpu.vector_load %arg6[%swap3A_315, %swap3A_316] {strides = array<i32>} : memref<256x128xf32, #tpu.memory_space<vmem>>, vector<1x16xf32>,
      %swap3A_318 = vector.shape_cast %swap3A_317 : vector<1x16xf32> to vector<16xf32>
      %swap3A_319 = vector.shape_cast %broadcast_in_dim3A_3 : vector<16xf32> to vector<1x16xf32>
      tpu.vector_store %arg6[%swap3A_315, %swap3A_316], %swap3A_319 {strides = array<i32>} : memref<256x128xf32, #tpu.memory_space<vmem>>, vector<1x16xf32>,
      %swap3A_320 = arith.index_cast %while3A_290 : i32 to index
      %swap3A_321 = arith.constant 96 : index
      %swap3A_322 = tpu.vector_load %arg6[%swap3A_320, %swap3A_321] {strides = array<i32>} : memref<256x128xf32, #tpu.memory_space<vmem>>, vector<1x16xf32>,
      %swap3A_323 = vector.shape_cast %swap3A_322 : vector<1x16xf32> to vector<16xf32>
      %swap3A_324 = vector.shape_cast %broadcast_in_dim3A_3 : vector<16xf32> to vector<1x16xf32>
      tpu.vector_store %arg6[%swap3A_320, %swap3A_321], %swap3A_324 {strides = array<i32>} : memref<256x128xf32, #tpu.memory_space<vmem>>, vector<1x16xf32>,
      %swap3A_325 = arith.index_cast %while3A_290 : i32 to index
      %swap3A_326 = arith.constant 112 : index
      %swap3A_327 = tpu.vector_load %arg6[%swap3A_325, %swap3A_326] {strides = array<i32>} : memref<256x128xf32, #tpu.memory_space<vmem>>, vector<1x16xf32>,
      %swap3A_328 = vector.shape_cast %swap3A_327 : vector<1x16xf32> to vector<16xf32>
      %swap3A_329 = vector.shape_cast %broadcast_in_dim3A_3 : vector<16xf32> to vector<1x16xf32>
      tpu.vector_store %arg6[%swap3A_325, %swap3A_326], %swap3A_329 {strides = array<i32>} : memref<256x128xf32, #tpu.memory_space<vmem>>, vector<1x16xf32>,
    }
    %while3A_170 = arith.constant 1 : i32
    scf.for %while3A_290 = %while3A_168 to %while3A_164 step %while3A_170  : i32 {
      %swap3A = arith.index_cast %while3A_290 : i32 to index
      %swap3A_291 = arith.constant 0 : index
      %swap3A_292 = tpu.vector_load %arg6[%swap3A, %swap3A_291] {strides = array<i32>} : memref<256x128xf32, #tpu.memory_space<vmem>>, vector<1x16xf32>,
      %swap3A_293 = vector.shape_cast %swap3A_292 : vector<1x16xf32> to vector<16xf32>
      %swap3A_294 = vector.shape_cast %broadcast_in_dim3A_3 : vector<16xf32> to vector<1x16xf32>
      tpu.vector_store %arg6[%swap3A, %swap3A_291], %swap3A_294 {strides = array<i32>} : memref<256x128xf32, #tpu.memory_space<vmem>>, vector<1x16xf32>,
      %swap3A_295 = arith.index_cast %while3A_290 : i32 to index
      %swap3A_296 = arith.constant 16 : index
      %swap3A_297 = tpu.vector_load %arg6[%swap3A_295, %swap3A_296] {strides = array<i32>} : memref<256x128xf32, #tpu.memory_space<vmem>>, vector<1x16xf32>,
      %swap3A_298 = vector.shape_cast %swap3A_297 : vector<1x16xf32> to vector<16xf32>
      %swap3A_299 = vector.shape_cast %broadcast_in_dim3A_3 : vector<16xf32> to vector<1x16xf32>
      tpu.vector_store %arg6[%swap3A_295, %swap3A_296], %swap3A_299 {strides = array<i32>} : memref<256x128xf32, #tpu.memory_space<vmem>>, vector<1x16xf32>,
      %swap3A_300 = arith.index_cast %while3A_290 : i32 to index
      %swap3A_301 = arith.constant 32 : index
      %swap3A_302 = tpu.vector_load %arg6[%swap3A_300, %swap3A_301] {strides = array<i32>} : memref<256x128xf32, #tpu.memory_space<vmem>>, vector<1x16xf32>,
      %swap3A_303 = vector.shape_cast %swap3A_302 : vector<1x16xf32> to vector<16xf32>
      %swap3A_304 = vector.shape_cast %broadcast_in_dim3A_3 : vector<16xf32> to vector<1x16xf32>
      tpu.vector_store %arg6[%swap3A_300, %swap3A_301], %swap3A_304 {strides = array<i32>} : memref<256x128xf32, #tpu.memory_space<vmem>>, vector<1x16xf32>,
      %swap3A_305 = arith.index_cast %while3A_290 : i32 to index
      %swap3A_306 = arith.constant 48 : index
      %swap3A_307 = tpu.vector_load %arg6[%swap3A_305, %swap3A_306] {strides = array<i32>} : memref<256x128xf32, #tpu.memory_space<vmem>>, vector<1x16xf32>,
      %swap3A_308 = vector.shape_cast %swap3A_307 : vector<1x16xf32> to vector<16xf32>
      %swap3A_309 = vector.shape_cast %broadcast_in_dim3A_3 : vector<16xf32> to vector<1x16xf32>
      tpu.vector_store %arg6[%swap3A_305, %swap3A_306], %swap3A_309 {strides = array<i32>} : memref<256x128xf32, #tpu.memory_space<vmem>>, vector<1x16xf32>,
      %swap3A_310 = arith.index_cast %while3A_290 : i32 to index
      %swap3A_311 = arith.constant 64 : index
      %swap3A_312 = tpu.vector_load %arg6[%swap3A_310, %swap3A_311] {strides = array<i32>} : memref<256x128xf32, #tpu.memory_space<vmem>>, vector<1x16xf32>,
      %swap3A_313 = vector.shape_cast %swap3A_312 : vector<1x16xf32> to vector<16xf32>
      %swap3A_314 = vector.shape_cast %broadcast_in_dim3A_3 : vector<16xf32> to vector<1x16xf32>
      tpu.vector_store %arg6[%swap3A_310, %swap3A_311], %swap3A_314 {strides = array<i32>} : memref<256x128xf32, #tpu.memory_space<vmem>>, vector<1x16xf32>,
      %swap3A_315 = arith.index_cast %while3A_290 : i32 to index
      %swap3A_316 = arith.constant 80 : index
      %swap3A_317 = tpu.vector_load %arg6[%swap3A_315, %swap3A_316] {strides = array<i32>} : memref<256x128xf32, #tpu.memory_space<vmem>>, vector<1x16xf32>,
      %swap3A_318 = vector.shape_cast %swap3A_317 : vector<1x16xf32> to vector<16xf32>
      %swap3A_319 = vector.shape_cast %broadcast_in_dim3A_3 : vector<16xf32> to vector<1x16xf32>
      tpu.vector_store %arg6[%swap3A_315, %swap3A_316], %swap3A_319 {strides = array<i32>} : memref<256x128xf32, #tpu.memory_space<vmem>>, vector<1x16xf32>,
      %swap3A_320 = arith.index_cast %while3A_290 : i32 to index
      %swap3A_321 = arith.constant 96 : index
      %swap3A_322 = tpu.vector_load %arg6[%swap3A_320, %swap3A_321] {strides = array<i32>} : memref<256x128xf32, #tpu.memory_space<vmem>>, vector<1x16xf32>,
      %swap3A_323 = vector.shape_cast %swap3A_322 : vector<1x16xf32> to vector<16xf32>
      %swap3A_324 = vector.shape_cast %broadcast_in_dim3A_3 : vector<16xf32> to vector<1x16xf32>
      tpu.vector_store %arg6[%swap3A_320, %swap3A_321], %swap3A_324 {strides = array<i32>} : memref<256x128xf32, #tpu.memory_space<vmem>>, vector<1x16xf32>,
      %swap3A_325 = arith.index_cast %while3A_290 : i32 to index
      %swap3A_326 = arith.constant 112 : index
      %swap3A_327 = tpu.vector_load %arg6[%swap3A_325, %swap3A_326] {strides = array<i32>} : memref<256x128xf32, #tpu.memory_space<vmem>>, vector<1x16xf32>,
      %swap3A_328 = vector.shape_cast %swap3A_327 : vector<1x16xf32> to vector<16xf32>
      %swap3A_329 = vector.shape_cast %broadcast_in_dim3A_3 : vector<16xf32> to vector<1x16xf32>
      tpu.vector_store %arg6[%swap3A_325, %swap3A_326], %swap3A_329 {strides = array<i32>} : memref<256x128xf32, #tpu.memory_space<vmem>>, vector<1x16xf32>,
    }
    %sub3A_171 = arith.constant 1024 : i32
    %sub3A_172 = arith.subi %squeeze3A_19, %sub3A_171 : i32
    %max3A_173 = arith.constant 0 : i32
    %max3A_174 = arith.maxsi %sub3A_172, %max3A_173 : i32
    %sub3A_175 = arith.constant 1024 : i32
    %sub3A_176 = arith.subi %squeeze3A_21, %sub3A_175 : i32
    %min3A_177 = arith.constant 256 : i32
    %min3A_178 = arith.minsi %sub3A_176, %min3A_177 : i32
    %while3A_179 = arith.constant 0 : i32
    %while3A_180 = arith.subi %min3A_178, %max3A_174 : i32
    %while3A_181 = arith.addi %max3A_174, %while3A_180 : i32
    %while3A_182 = arith.constant 1 : i32
    %while3A_183 = arith.divsi %while3A_180, %while3A_182 : i32
    %while3A_184 = arith.muli %while3A_183, %while3A_182 : i32
    %while3A_185 = arith.addi %max3A_174, %while3A_184 : i32
    %while3A_186 = arith.constant 1 : i32
    scf.for %while3A_290 = %max3A_174 to %while3A_185 step %while3A_186  : i32 {
      %swap3A = arith.index_cast %while3A_290 : i32 to index
      %swap3A_291 = arith.constant 0 : index
      %swap3A_292 = tpu.vector_load %arg6[%swap3A, %swap3A_291] {strides = array<i32>} : memref<256x128xf32, #tpu.memory_space<vmem>>, vector<1x16xf32>,
      %swap3A_293 = vector.shape_cast %swap3A_292 : vector<1x16xf32> to vector<16xf32>
      %swap3A_294 = vector.shape_cast %broadcast_in_dim3A_3 : vector<16xf32> to vector<1x16xf32>
      tpu.vector_store %arg6[%swap3A, %swap3A_291], %swap3A_294 {strides = array<i32>} : memref<256x128xf32, #tpu.memory_space<vmem>>, vector<1x16xf32>,
      %swap3A_295 = arith.index_cast %while3A_290 : i32 to index
      %swap3A_296 = arith.constant 16 : index
      %swap3A_297 = tpu.vector_load %arg6[%swap3A_295, %swap3A_296] {strides = array<i32>} : memref<256x128xf32, #tpu.memory_space<vmem>>, vector<1x16xf32>,
      %swap3A_298 = vector.shape_cast %swap3A_297 : vector<1x16xf32> to vector<16xf32>
      %swap3A_299 = vector.shape_cast %broadcast_in_dim3A_3 : vector<16xf32> to vector<1x16xf32>
      tpu.vector_store %arg6[%swap3A_295, %swap3A_296], %swap3A_299 {strides = array<i32>} : memref<256x128xf32, #tpu.memory_space<vmem>>, vector<1x16xf32>,
      %swap3A_300 = arith.index_cast %while3A_290 : i32 to index
      %swap3A_301 = arith.constant 32 : index
      %swap3A_302 = tpu.vector_load %arg6[%swap3A_300, %swap3A_301] {strides = array<i32>} : memref<256x128xf32, #tpu.memory_space<vmem>>, vector<1x16xf32>,
      %swap3A_303 = vector.shape_cast %swap3A_302 : vector<1x16xf32> to vector<16xf32>
      %swap3A_304 = vector.shape_cast %broadcast_in_dim3A_3 : vector<16xf32> to vector<1x16xf32>
      tpu.vector_store %arg6[%swap3A_300, %swap3A_301], %swap3A_304 {strides = array<i32>} : memref<256x128xf32, #tpu.memory_space<vmem>>, vector<1x16xf32>,
      %swap3A_305 = arith.index_cast %while3A_290 : i32 to index
      %swap3A_306 = arith.constant 48 : index
      %swap3A_307 = tpu.vector_load %arg6[%swap3A_305, %swap3A_306] {strides = array<i32>} : memref<256x128xf32, #tpu.memory_space<vmem>>, vector<1x16xf32>,
      %swap3A_308 = vector.shape_cast %swap3A_307 : vector<1x16xf32> to vector<16xf32>
      %swap3A_309 = vector.shape_cast %broadcast_in_dim3A_3 : vector<16xf32> to vector<1x16xf32>
      tpu.vector_store %arg6[%swap3A_305, %swap3A_306], %swap3A_309 {strides = array<i32>} : memref<256x128xf32, #tpu.memory_space<vmem>>, vector<1x16xf32>,
      %swap3A_310 = arith.index_cast %while3A_290 : i32 to index
      %swap3A_311 = arith.constant 64 : index
      %swap3A_312 = tpu.vector_load %arg6[%swap3A_310, %swap3A_311] {strides = array<i32>} : memref<256x128xf32, #tpu.memory_space<vmem>>, vector<1x16xf32>,
      %swap3A_313 = vector.shape_cast %swap3A_312 : vector<1x16xf32> to vector<16xf32>
      %swap3A_314 = vector.shape_cast %broadcast_in_dim3A_3 : vector<16xf32> to vector<1x16xf32>
      tpu.vector_store %arg6[%swap3A_310, %swap3A_311], %swap3A_314 {strides = array<i32>} : memref<256x128xf32, #tpu.memory_space<vmem>>, vector<1x16xf32>,
      %swap3A_315 = arith.index_cast %while3A_290 : i32 to index
      %swap3A_316 = arith.constant 80 : index
      %swap3A_317 = tpu.vector_load %arg6[%swap3A_315, %swap3A_316] {strides = array<i32>} : memref<256x128xf32, #tpu.memory_space<vmem>>, vector<1x16xf32>,
      %swap3A_318 = vector.shape_cast %swap3A_317 : vector<1x16xf32> to vector<16xf32>
      %swap3A_319 = vector.shape_cast %broadcast_in_dim3A_3 : vector<16xf32> to vector<1x16xf32>
      tpu.vector_store %arg6[%swap3A_315, %swap3A_316], %swap3A_319 {strides = array<i32>} : memref<256x128xf32, #tpu.memory_space<vmem>>, vector<1x16xf32>,
      %swap3A_320 = arith.index_cast %while3A_290 : i32 to index
      %swap3A_321 = arith.constant 96 : index
      %swap3A_322 = tpu.vector_load %arg6[%swap3A_320, %swap3A_321] {strides = array<i32>} : memref<256x128xf32, #tpu.memory_space<vmem>>, vector<1x16xf32>,
      %swap3A_323 = vector.shape_cast %swap3A_322 : vector<1x16xf32> to vector<16xf32>
      %swap3A_324 = vector.shape_cast %broadcast_in_dim3A_3 : vector<16xf32> to vector<1x16xf32>
      tpu.vector_store %arg6[%swap3A_320, %swap3A_321], %swap3A_324 {strides = array<i32>} : memref<256x128xf32, #tpu.memory_space<vmem>>, vector<1x16xf32>,
      %swap3A_325 = arith.index_cast %while3A_290 : i32 to index
      %swap3A_326 = arith.constant 112 : index
      %swap3A_327 = tpu.vector_load %arg6[%swap3A_325, %swap3A_326] {strides = array<i32>} : memref<256x128xf32, #tpu.memory_space<vmem>>, vector<1x16xf32>,
      %swap3A_328 = vector.shape_cast %swap3A_327 : vector<1x16xf32> to vector<16xf32>
      %swap3A_329 = vector.shape_cast %broadcast_in_dim3A_3 : vector<16xf32> to vector<1x16xf32>
      tpu.vector_store %arg6[%swap3A_325, %swap3A_326], %swap3A_329 {strides = array<i32>} : memref<256x128xf32, #tpu.memory_space<vmem>>, vector<1x16xf32>,
    }
    %while3A_187 = arith.constant 1 : i32
    scf.for %while3A_290 = %while3A_185 to %while3A_181 step %while3A_187  : i32 {
      %swap3A = arith.index_cast %while3A_290 : i32 to index
      %swap3A_291 = arith.constant 0 : index
      %swap3A_292 = tpu.vector_load %arg6[%swap3A, %swap3A_291] {strides = array<i32>} : memref<256x128xf32, #tpu.memory_space<vmem>>, vector<1x16xf32>,
      %swap3A_293 = vector.shape_cast %swap3A_292 : vector<1x16xf32> to vector<16xf32>
      %swap3A_294 = vector.shape_cast %broadcast_in_dim3A_3 : vector<16xf32> to vector<1x16xf32>
      tpu.vector_store %arg6[%swap3A, %swap3A_291], %swap3A_294 {strides = array<i32>} : memref<256x128xf32, #tpu.memory_space<vmem>>, vector<1x16xf32>,
      %swap3A_295 = arith.index_cast %while3A_290 : i32 to index
      %swap3A_296 = arith.constant 16 : index
      %swap3A_297 = tpu.vector_load %arg6[%swap3A_295, %swap3A_296] {strides = array<i32>} : memref<256x128xf32, #tpu.memory_space<vmem>>, vector<1x16xf32>,
      %swap3A_298 = vector.shape_cast %swap3A_297 : vector<1x16xf32> to vector<16xf32>
      %swap3A_299 = vector.shape_cast %broadcast_in_dim3A_3 : vector<16xf32> to vector<1x16xf32>
      tpu.vector_store %arg6[%swap3A_295, %swap3A_296], %swap3A_299 {strides = array<i32>} : memref<256x128xf32, #tpu.memory_space<vmem>>, vector<1x16xf32>,
      %swap3A_300 = arith.index_cast %while3A_290 : i32 to index
      %swap3A_301 = arith.constant 32 : index
      %swap3A_302 = tpu.vector_load %arg6[%swap3A_300, %swap3A_301] {strides = array<i32>} : memref<256x128xf32, #tpu.memory_space<vmem>>, vector<1x16xf32>,
      %swap3A_303 = vector.shape_cast %swap3A_302 : vector<1x16xf32> to vector<16xf32>
      %swap3A_304 = vector.shape_cast %broadcast_in_dim3A_3 : vector<16xf32> to vector<1x16xf32>
      tpu.vector_store %arg6[%swap3A_300, %swap3A_301], %swap3A_304 {strides = array<i32>} : memref<256x128xf32, #tpu.memory_space<vmem>>, vector<1x16xf32>,
      %swap3A_305 = arith.index_cast %while3A_290 : i32 to index
      %swap3A_306 = arith.constant 48 : index
      %swap3A_307 = tpu.vector_load %arg6[%swap3A_305, %swap3A_306] {strides = array<i32>} : memref<256x128xf32, #tpu.memory_space<vmem>>, vector<1x16xf32>,
      %swap3A_308 = vector.shape_cast %swap3A_307 : vector<1x16xf32> to vector<16xf32>
      %swap3A_309 = vector.shape_cast %broadcast_in_dim3A_3 : vector<16xf32> to vector<1x16xf32>
      tpu.vector_store %arg6[%swap3A_305, %swap3A_306], %swap3A_309 {strides = array<i32>} : memref<256x128xf32, #tpu.memory_space<vmem>>, vector<1x16xf32>,
      %swap3A_310 = arith.index_cast %while3A_290 : i32 to index
      %swap3A_311 = arith.constant 64 : index
      %swap3A_312 = tpu.vector_load %arg6[%swap3A_310, %swap3A_311] {strides = array<i32>} : memref<256x128xf32, #tpu.memory_space<vmem>>, vector<1x16xf32>,
      %swap3A_313 = vector.shape_cast %swap3A_312 : vector<1x16xf32> to vector<16xf32>
      %swap3A_314 = vector.shape_cast %broadcast_in_dim3A_3 : vector<16xf32> to vector<1x16xf32>
      tpu.vector_store %arg6[%swap3A_310, %swap3A_311], %swap3A_314 {strides = array<i32>} : memref<256x128xf32, #tpu.memory_space<vmem>>, vector<1x16xf32>,
      %swap3A_315 = arith.index_cast %while3A_290 : i32 to index
      %swap3A_316 = arith.constant 80 : index
      %swap3A_317 = tpu.vector_load %arg6[%swap3A_315, %swap3A_316] {strides = array<i32>} : memref<256x128xf32, #tpu.memory_space<vmem>>, vector<1x16xf32>,
      %swap3A_318 = vector.shape_cast %swap3A_317 : vector<1x16xf32> to vector<16xf32>
      %swap3A_319 = vector.shape_cast %broadcast_in_dim3A_3 : vector<16xf32> to vector<1x16xf32>
      tpu.vector_store %arg6[%swap3A_315, %swap3A_316], %swap3A_319 {strides = array<i32>} : memref<256x128xf32, #tpu.memory_space<vmem>>, vector<1x16xf32>,
      %swap3A_320 = arith.index_cast %while3A_290 : i32 to index
      %swap3A_321 = arith.constant 96 : index
      %swap3A_322 = tpu.vector_load %arg6[%swap3A_320, %swap3A_321] {strides = array<i32>} : memref<256x128xf32, #tpu.memory_space<vmem>>, vector<1x16xf32>,
      %swap3A_323 = vector.shape_cast %swap3A_322 : vector<1x16xf32> to vector<16xf32>
      %swap3A_324 = vector.shape_cast %broadcast_in_dim3A_3 : vector<16xf32> to vector<1x16xf32>
      tpu.vector_store %arg6[%swap3A_320, %swap3A_321], %swap3A_324 {strides = array<i32>} : memref<256x128xf32, #tpu.memory_space<vmem>>, vector<1x16xf32>,
      %swap3A_325 = arith.index_cast %while3A_290 : i32 to index
      %swap3A_326 = arith.constant 112 : index
      %swap3A_327 = tpu.vector_load %arg6[%swap3A_325, %swap3A_326] {strides = array<i32>} : memref<256x128xf32, #tpu.memory_space<vmem>>, vector<1x16xf32>,
      %swap3A_328 = vector.shape_cast %swap3A_327 : vector<1x16xf32> to vector<16xf32>
      %swap3A_329 = vector.shape_cast %broadcast_in_dim3A_3 : vector<16xf32> to vector<1x16xf32>
      tpu.vector_store %arg6[%swap3A_325, %swap3A_326], %swap3A_329 {strides = array<i32>} : memref<256x128xf32, #tpu.memory_space<vmem>>, vector<1x16xf32>,
    }
    "tpu.region"() ({
      %run_scoped3A = tpu.sem_alloc : memref<!tpu.dma_semaphore, #tpu.memory_space<semaphore_mem>>
      %dma_start3A = arith.constant 1024 : i32
      %dma_start3A_290 = arith.constant 0 : i32
      %dma_start3A_291 = tpu.memref_slice %arg4[%add3A_15, %dma_start3A, %dma_start3A_290] : memref<32x2048x128xf32, #tpu.memory_space<hbm>> -> memref<1x256x128xf32, #tpu.memory_space<hbm>>
      %dma_start3A_292 = tpu.memref_squeeze %dma_start3A_291 : memref<1x256x128xf32, #tpu.memory_space<hbm>> -> memref<256x128xf32, #tpu.memory_space<hbm>>
      %dma_start3A_293 = arith.constant 1024 : i32
      %dma_start3A_294 = arith.constant 0 : i32
      %dma_start3A_295 = tpu.memref_slice %arg4[%add3A_15, %dma_start3A_293, %dma_start3A_294] : memref<32x2048x128xf32, #tpu.memory_space<hbm>> -> memref<1x256x128xf32, #tpu.memory_space<hbm>>
      %dma_start3A_296 = tpu.memref_squeeze %dma_start3A_295 : memref<1x256x128xf32, #tpu.memory_space<hbm>> -> memref<256x128xf32, #tpu.memory_space<hbm>>
      tpu.enqueue_dma source(%arg6 : memref<256x128xf32, #tpu.memory_space<vmem>>) target(%dma_start3A_296 : memref<256x128xf32, #tpu.memory_space<hbm>>) target_semaphore(%run_scoped3A : memref<!tpu.dma_semaphore, #tpu.memory_space<semaphore_mem>>)
      %dma_wait3A = arith.constant 1024 : i32
      %dma_wait3A_297 = arith.constant 0 : i32
      %dma_wait3A_298 = tpu.memref_slice %arg4[%add3A_15, %dma_wait3A, %dma_wait3A_297] : memref<32x2048x128xf32, #tpu.memory_space<hbm>> -> memref<1x256x128xf32, #tpu.memory_space<hbm>>
      %dma_wait3A_299 = tpu.memref_squeeze %dma_wait3A_298 : memref<1x256x128xf32, #tpu.memory_space<hbm>> -> memref<256x128xf32, #tpu.memory_space<hbm>>
      %dma_wait3A_300 = arith.constant 1024 : i32
      %dma_wait3A_301 = arith.constant 0 : i32
      %dma_wait3A_302 = tpu.memref_slice %arg4[%add3A_15, %dma_wait3A_300, %dma_wait3A_301] : memref<32x2048x128xf32, #tpu.memory_space<hbm>> -> memref<1x256x128xf32, #tpu.memory_space<hbm>>
      %dma_wait3A_303 = tpu.memref_squeeze %dma_wait3A_302 : memref<1x256x128xf32, #tpu.memory_space<hbm>> -> memref<256x128xf32, #tpu.memory_space<hbm>>
      tpu.wait_dma2 semaphore(%run_scoped3A : memref<!tpu.dma_semaphore, #tpu.memory_space<semaphore_mem>>) src(%arg6 : memref<256x128xf32, #tpu.memory_space<vmem>>) dst(%dma_wait3A_303 : memref<256x128xf32, #tpu.memory_space<hbm>>)
      tpu.yield
    }) : () -> ()
    "tpu.region"() ({
      %run_scoped3A = tpu.sem_alloc : memref<!tpu.dma_semaphore, #tpu.memory_space<semaphore_mem>>
      %dma_start3A = arith.constant 1280 : i32
      %dma_start3A_290 = arith.constant 0 : i32
      %dma_start3A_291 = tpu.memref_slice %arg3[%add3A_11, %dma_start3A, %dma_start3A_290] : memref<128x2048x128xf32, #tpu.memory_space<hbm>> -> memref<1x256x128xf32, #tpu.memory_space<hbm>>
      %dma_start3A_292 = tpu.memref_squeeze %dma_start3A_291 : memref<1x256x128xf32, #tpu.memory_space<hbm>> -> memref<256x128xf32, #tpu.memory_space<hbm>>
      %dma_start3A_293 = arith.constant 1280 : i32
      %dma_start3A_294 = arith.constant 0 : i32
      %dma_start3A_295 = tpu.memref_slice %arg3[%add3A_11, %dma_start3A_293, %dma_start3A_294] : memref<128x2048x128xf32, #tpu.memory_space<hbm>> -> memref<1x256x128xf32, #tpu.memory_space<hbm>>
      %dma_start3A_296 = tpu.memref_squeeze %dma_start3A_295 : memref<1x256x128xf32, #tpu.memory_space<hbm>> -> memref<256x128xf32, #tpu.memory_space<hbm>>
      tpu.enqueue_dma source(%dma_start3A_296 : memref<256x128xf32, #tpu.memory_space<hbm>>) target(%arg6 : memref<256x128xf32, #tpu.memory_space<vmem>>) target_semaphore(%run_scoped3A : memref<!tpu.dma_semaphore, #tpu.memory_space<semaphore_mem>>)
      %dma_wait3A = arith.constant 1280 : i32
      %dma_wait3A_297 = arith.constant 0 : i32
      %dma_wait3A_298 = tpu.memref_slice %arg3[%add3A_11, %dma_wait3A, %dma_wait3A_297] : memref<128x2048x128xf32, #tpu.memory_space<hbm>> -> memref<1x256x128xf32, #tpu.memory_space<hbm>>
      %dma_wait3A_299 = tpu.memref_squeeze %dma_wait3A_298 : memref<1x256x128xf32, #tpu.memory_space<hbm>> -> memref<256x128xf32, #tpu.memory_space<hbm>>
      %dma_wait3A_300 = arith.constant 1280 : i32
      %dma_wait3A_301 = arith.constant 0 : i32
      %dma_wait3A_302 = tpu.memref_slice %arg3[%add3A_11, %dma_wait3A_300, %dma_wait3A_301] : memref<128x2048x128xf32, #tpu.memory_space<hbm>> -> memref<1x256x128xf32, #tpu.memory_space<hbm>>
      %dma_wait3A_303 = tpu.memref_squeeze %dma_wait3A_302 : memref<1x256x128xf32, #tpu.memory_space<hbm>> -> memref<256x128xf32, #tpu.memory_space<hbm>>
      tpu.wait_dma2 semaphore(%run_scoped3A : memref<!tpu.dma_semaphore, #tpu.memory_space<semaphore_mem>>) src(%dma_wait3A_303 : memref<256x128xf32, #tpu.memory_space<hbm>>) dst(%arg6 : memref<256x128xf32, #tpu.memory_space<vmem>>)
      tpu.yield
    }) : () -> ()
    %sub3A_188 = arith.constant 1280 : i32
    %sub3A_189 = arith.subi %squeeze3A, %sub3A_188 : i32
    %max3A_190 = arith.constant 0 : i32
    %max3A_191 = arith.maxsi %sub3A_189, %max3A_190 : i32
    %sub3A_192 = arith.constant 1280 : i32
    %sub3A_193 = arith.subi %squeeze3A_17, %sub3A_192 : i32
    %min3A_194 = arith.constant 256 : i32
    %min3A_195 = arith.minsi %sub3A_193, %min3A_194 : i32
    %while3A_196 = arith.constant 0 : i32
    %while3A_197 = arith.subi %min3A_195, %max3A_191 : i32
    %while3A_198 = arith.addi %max3A_191, %while3A_197 : i32
    %while3A_199 = arith.constant 1 : i32
    %while3A_200 = arith.divsi %while3A_197, %while3A_199 : i32
    %while3A_201 = arith.muli %while3A_200, %while3A_199 : i32
    %while3A_202 = arith.addi %max3A_191, %while3A_201 : i32
    %while3A_203 = arith.constant 1 : i32
    scf.for %while3A_290 = %max3A_191 to %while3A_202 step %while3A_203  : i32 {
      %swap3A = arith.index_cast %while3A_290 : i32 to index
      %swap3A_291 = arith.constant 0 : index
      %swap3A_292 = tpu.vector_load %arg6[%swap3A, %swap3A_291] {strides = array<i32>} : memref<256x128xf32, #tpu.memory_space<vmem>>, vector<1x16xf32>,
      %swap3A_293 = vector.shape_cast %swap3A_292 : vector<1x16xf32> to vector<16xf32>
      %swap3A_294 = vector.shape_cast %broadcast_in_dim3A_3 : vector<16xf32> to vector<1x16xf32>
      tpu.vector_store %arg6[%swap3A, %swap3A_291], %swap3A_294 {strides = array<i32>} : memref<256x128xf32, #tpu.memory_space<vmem>>, vector<1x16xf32>,
      %swap3A_295 = arith.index_cast %while3A_290 : i32 to index
      %swap3A_296 = arith.constant 16 : index
      %swap3A_297 = tpu.vector_load %arg6[%swap3A_295, %swap3A_296] {strides = array<i32>} : memref<256x128xf32, #tpu.memory_space<vmem>>, vector<1x16xf32>,
      %swap3A_298 = vector.shape_cast %swap3A_297 : vector<1x16xf32> to vector<16xf32>
      %swap3A_299 = vector.shape_cast %broadcast_in_dim3A_3 : vector<16xf32> to vector<1x16xf32>
      tpu.vector_store %arg6[%swap3A_295, %swap3A_296], %swap3A_299 {strides = array<i32>} : memref<256x128xf32, #tpu.memory_space<vmem>>, vector<1x16xf32>,
      %swap3A_300 = arith.index_cast %while3A_290 : i32 to index
      %swap3A_301 = arith.constant 32 : index
      %swap3A_302 = tpu.vector_load %arg6[%swap3A_300, %swap3A_301] {strides = array<i32>} : memref<256x128xf32, #tpu.memory_space<vmem>>, vector<1x16xf32>,
      %swap3A_303 = vector.shape_cast %swap3A_302 : vector<1x16xf32> to vector<16xf32>
      %swap3A_304 = vector.shape_cast %broadcast_in_dim3A_3 : vector<16xf32> to vector<1x16xf32>
      tpu.vector_store %arg6[%swap3A_300, %swap3A_301], %swap3A_304 {strides = array<i32>} : memref<256x128xf32, #tpu.memory_space<vmem>>, vector<1x16xf32>,
      %swap3A_305 = arith.index_cast %while3A_290 : i32 to index
      %swap3A_306 = arith.constant 48 : index
      %swap3A_307 = tpu.vector_load %arg6[%swap3A_305, %swap3A_306] {strides = array<i32>} : memref<256x128xf32, #tpu.memory_space<vmem>>, vector<1x16xf32>,
      %swap3A_308 = vector.shape_cast %swap3A_307 : vector<1x16xf32> to vector<16xf32>
      %swap3A_309 = vector.shape_cast %broadcast_in_dim3A_3 : vector<16xf32> to vector<1x16xf32>
      tpu.vector_store %arg6[%swap3A_305, %swap3A_306], %swap3A_309 {strides = array<i32>} : memref<256x128xf32, #tpu.memory_space<vmem>>, vector<1x16xf32>,
      %swap3A_310 = arith.index_cast %while3A_290 : i32 to index
      %swap3A_311 = arith.constant 64 : index
      %swap3A_312 = tpu.vector_load %arg6[%swap3A_310, %swap3A_311] {strides = array<i32>} : memref<256x128xf32, #tpu.memory_space<vmem>>, vector<1x16xf32>,
      %swap3A_313 = vector.shape_cast %swap3A_312 : vector<1x16xf32> to vector<16xf32>
      %swap3A_314 = vector.shape_cast %broadcast_in_dim3A_3 : vector<16xf32> to vector<1x16xf32>
      tpu.vector_store %arg6[%swap3A_310, %swap3A_311], %swap3A_314 {strides = array<i32>} : memref<256x128xf32, #tpu.memory_space<vmem>>, vector<1x16xf32>,
      %swap3A_315 = arith.index_cast %while3A_290 : i32 to index
      %swap3A_316 = arith.constant 80 : index
      %swap3A_317 = tpu.vector_load %arg6[%swap3A_315, %swap3A_316] {strides = array<i32>} : memref<256x128xf32, #tpu.memory_space<vmem>>, vector<1x16xf32>,
      %swap3A_318 = vector.shape_cast %swap3A_317 : vector<1x16xf32> to vector<16xf32>
      %swap3A_319 = vector.shape_cast %broadcast_in_dim3A_3 : vector<16xf32> to vector<1x16xf32>
      tpu.vector_store %arg6[%swap3A_315, %swap3A_316], %swap3A_319 {strides = array<i32>} : memref<256x128xf32, #tpu.memory_space<vmem>>, vector<1x16xf32>,
      %swap3A_320 = arith.index_cast %while3A_290 : i32 to index
      %swap3A_321 = arith.constant 96 : index
      %swap3A_322 = tpu.vector_load %arg6[%swap3A_320, %swap3A_321] {strides = array<i32>} : memref<256x128xf32, #tpu.memory_space<vmem>>, vector<1x16xf32>,
      %swap3A_323 = vector.shape_cast %swap3A_322 : vector<1x16xf32> to vector<16xf32>
      %swap3A_324 = vector.shape_cast %broadcast_in_dim3A_3 : vector<16xf32> to vector<1x16xf32>
      tpu.vector_store %arg6[%swap3A_320, %swap3A_321], %swap3A_324 {strides = array<i32>} : memref<256x128xf32, #tpu.memory_space<vmem>>, vector<1x16xf32>,
      %swap3A_325 = arith.index_cast %while3A_290 : i32 to index
      %swap3A_326 = arith.constant 112 : index
      %swap3A_327 = tpu.vector_load %arg6[%swap3A_325, %swap3A_326] {strides = array<i32>} : memref<256x128xf32, #tpu.memory_space<vmem>>, vector<1x16xf32>,
      %swap3A_328 = vector.shape_cast %swap3A_327 : vector<1x16xf32> to vector<16xf32>
      %swap3A_329 = vector.shape_cast %broadcast_in_dim3A_3 : vector<16xf32> to vector<1x16xf32>
      tpu.vector_store %arg6[%swap3A_325, %swap3A_326], %swap3A_329 {strides = array<i32>} : memref<256x128xf32, #tpu.memory_space<vmem>>, vector<1x16xf32>,
    }
    %while3A_204 = arith.constant 1 : i32
    scf.for %while3A_290 = %while3A_202 to %while3A_198 step %while3A_204  : i32 {
      %swap3A = arith.index_cast %while3A_290 : i32 to index
      %swap3A_291 = arith.constant 0 : index
      %swap3A_292 = tpu.vector_load %arg6[%swap3A, %swap3A_291] {strides = array<i32>} : memref<256x128xf32, #tpu.memory_space<vmem>>, vector<1x16xf32>,
      %swap3A_293 = vector.shape_cast %swap3A_292 : vector<1x16xf32> to vector<16xf32>
      %swap3A_294 = vector.shape_cast %broadcast_in_dim3A_3 : vector<16xf32> to vector<1x16xf32>
      tpu.vector_store %arg6[%swap3A, %swap3A_291], %swap3A_294 {strides = array<i32>} : memref<256x128xf32, #tpu.memory_space<vmem>>, vector<1x16xf32>,
      %swap3A_295 = arith.index_cast %while3A_290 : i32 to index
      %swap3A_296 = arith.constant 16 : index
      %swap3A_297 = tpu.vector_load %arg6[%swap3A_295, %swap3A_296] {strides = array<i32>} : memref<256x128xf32, #tpu.memory_space<vmem>>, vector<1x16xf32>,
      %swap3A_298 = vector.shape_cast %swap3A_297 : vector<1x16xf32> to vector<16xf32>
      %swap3A_299 = vector.shape_cast %broadcast_in_dim3A_3 : vector<16xf32> to vector<1x16xf32>
      tpu.vector_store %arg6[%swap3A_295, %swap3A_296], %swap3A_299 {strides = array<i32>} : memref<256x128xf32, #tpu.memory_space<vmem>>, vector<1x16xf32>,
      %swap3A_300 = arith.index_cast %while3A_290 : i32 to index
      %swap3A_301 = arith.constant 32 : index
      %swap3A_302 = tpu.vector_load %arg6[%swap3A_300, %swap3A_301] {strides = array<i32>} : memref<256x128xf32, #tpu.memory_space<vmem>>, vector<1x16xf32>,
      %swap3A_303 = vector.shape_cast %swap3A_302 : vector<1x16xf32> to vector<16xf32>
      %swap3A_304 = vector.shape_cast %broadcast_in_dim3A_3 : vector<16xf32> to vector<1x16xf32>
      tpu.vector_store %arg6[%swap3A_300, %swap3A_301], %swap3A_304 {strides = array<i32>} : memref<256x128xf32, #tpu.memory_space<vmem>>, vector<1x16xf32>,
      %swap3A_305 = arith.index_cast %while3A_290 : i32 to index
      %swap3A_306 = arith.constant 48 : index
      %swap3A_307 = tpu.vector_load %arg6[%swap3A_305, %swap3A_306] {strides = array<i32>} : memref<256x128xf32, #tpu.memory_space<vmem>>, vector<1x16xf32>,
      %swap3A_308 = vector.shape_cast %swap3A_307 : vector<1x16xf32> to vector<16xf32>
      %swap3A_309 = vector.shape_cast %broadcast_in_dim3A_3 : vector<16xf32> to vector<1x16xf32>
      tpu.vector_store %arg6[%swap3A_305, %swap3A_306], %swap3A_309 {strides = array<i32>} : memref<256x128xf32, #tpu.memory_space<vmem>>, vector<1x16xf32>,
      %swap3A_310 = arith.index_cast %while3A_290 : i32 to index
      %swap3A_311 = arith.constant 64 : index
      %swap3A_312 = tpu.vector_load %arg6[%swap3A_310, %swap3A_311] {strides = array<i32>} : memref<256x128xf32, #tpu.memory_space<vmem>>, vector<1x16xf32>,
      %swap3A_313 = vector.shape_cast %swap3A_312 : vector<1x16xf32> to vector<16xf32>
      %swap3A_314 = vector.shape_cast %broadcast_in_dim3A_3 : vector<16xf32> to vector<1x16xf32>
      tpu.vector_store %arg6[%swap3A_310, %swap3A_311], %swap3A_314 {strides = array<i32>} : memref<256x128xf32, #tpu.memory_space<vmem>>, vector<1x16xf32>,
      %swap3A_315 = arith.index_cast %while3A_290 : i32 to index
      %swap3A_316 = arith.constant 80 : index
      %swap3A_317 = tpu.vector_load %arg6[%swap3A_315, %swap3A_316] {strides = array<i32>} : memref<256x128xf32, #tpu.memory_space<vmem>>, vector<1x16xf32>,
      %swap3A_318 = vector.shape_cast %swap3A_317 : vector<1x16xf32> to vector<16xf32>
      %swap3A_319 = vector.shape_cast %broadcast_in_dim3A_3 : vector<16xf32> to vector<1x16xf32>
      tpu.vector_store %arg6[%swap3A_315, %swap3A_316], %swap3A_319 {strides = array<i32>} : memref<256x128xf32, #tpu.memory_space<vmem>>, vector<1x16xf32>,
      %swap3A_320 = arith.index_cast %while3A_290 : i32 to index
      %swap3A_321 = arith.constant 96 : index
      %swap3A_322 = tpu.vector_load %arg6[%swap3A_320, %swap3A_321] {strides = array<i32>} : memref<256x128xf32, #tpu.memory_space<vmem>>, vector<1x16xf32>,
      %swap3A_323 = vector.shape_cast %swap3A_322 : vector<1x16xf32> to vector<16xf32>
      %swap3A_324 = vector.shape_cast %broadcast_in_dim3A_3 : vector<16xf32> to vector<1x16xf32>
      tpu.vector_store %arg6[%swap3A_320, %swap3A_321], %swap3A_324 {strides = array<i32>} : memref<256x128xf32, #tpu.memory_space<vmem>>, vector<1x16xf32>,
      %swap3A_325 = arith.index_cast %while3A_290 : i32 to index
      %swap3A_326 = arith.constant 112 : index
      %swap3A_327 = tpu.vector_load %arg6[%swap3A_325, %swap3A_326] {strides = array<i32>} : memref<256x128xf32, #tpu.memory_space<vmem>>, vector<1x16xf32>,
      %swap3A_328 = vector.shape_cast %swap3A_327 : vector<1x16xf32> to vector<16xf32>
      %swap3A_329 = vector.shape_cast %broadcast_in_dim3A_3 : vector<16xf32> to vector<1x16xf32>
      tpu.vector_store %arg6[%swap3A_325, %swap3A_326], %swap3A_329 {strides = array<i32>} : memref<256x128xf32, #tpu.memory_space<vmem>>, vector<1x16xf32>,
    }
    %sub3A_205 = arith.constant 1280 : i32
    %sub3A_206 = arith.subi %squeeze3A_19, %sub3A_205 : i32
    %max3A_207 = arith.constant 0 : i32
    %max3A_208 = arith.maxsi %sub3A_206, %max3A_207 : i32
    %sub3A_209 = arith.constant 1280 : i32
    %sub3A_210 = arith.subi %squeeze3A_21, %sub3A_209 : i32
    %min3A_211 = arith.constant 256 : i32
    %min3A_212 = arith.minsi %sub3A_210, %min3A_211 : i32
    %while3A_213 = arith.constant 0 : i32
    %while3A_214 = arith.subi %min3A_212, %max3A_208 : i32
    %while3A_215 = arith.addi %max3A_208, %while3A_214 : i32
    %while3A_216 = arith.constant 1 : i32
    %while3A_217 = arith.divsi %while3A_214, %while3A_216 : i32
    %while3A_218 = arith.muli %while3A_217, %while3A_216 : i32
    %while3A_219 = arith.addi %max3A_208, %while3A_218 : i32
    %while3A_220 = arith.constant 1 : i32
    scf.for %while3A_290 = %max3A_208 to %while3A_219 step %while3A_220  : i32 {
      %swap3A = arith.index_cast %while3A_290 : i32 to index
      %swap3A_291 = arith.constant 0 : index
      %swap3A_292 = tpu.vector_load %arg6[%swap3A, %swap3A_291] {strides = array<i32>} : memref<256x128xf32, #tpu.memory_space<vmem>>, vector<1x16xf32>,
      %swap3A_293 = vector.shape_cast %swap3A_292 : vector<1x16xf32> to vector<16xf32>
      %swap3A_294 = vector.shape_cast %broadcast_in_dim3A_3 : vector<16xf32> to vector<1x16xf32>
      tpu.vector_store %arg6[%swap3A, %swap3A_291], %swap3A_294 {strides = array<i32>} : memref<256x128xf32, #tpu.memory_space<vmem>>, vector<1x16xf32>,
      %swap3A_295 = arith.index_cast %while3A_290 : i32 to index
      %swap3A_296 = arith.constant 16 : index
      %swap3A_297 = tpu.vector_load %arg6[%swap3A_295, %swap3A_296] {strides = array<i32>} : memref<256x128xf32, #tpu.memory_space<vmem>>, vector<1x16xf32>,
      %swap3A_298 = vector.shape_cast %swap3A_297 : vector<1x16xf32> to vector<16xf32>
      %swap3A_299 = vector.shape_cast %broadcast_in_dim3A_3 : vector<16xf32> to vector<1x16xf32>
      tpu.vector_store %arg6[%swap3A_295, %swap3A_296], %swap3A_299 {strides = array<i32>} : memref<256x128xf32, #tpu.memory_space<vmem>>, vector<1x16xf32>,
      %swap3A_300 = arith.index_cast %while3A_290 : i32 to index
      %swap3A_301 = arith.constant 32 : index
      %swap3A_302 = tpu.vector_load %arg6[%swap3A_300, %swap3A_301] {strides = array<i32>} : memref<256x128xf32, #tpu.memory_space<vmem>>, vector<1x16xf32>,
      %swap3A_303 = vector.shape_cast %swap3A_302 : vector<1x16xf32> to vector<16xf32>
      %swap3A_304 = vector.shape_cast %broadcast_in_dim3A_3 : vector<16xf32> to vector<1x16xf32>
      tpu.vector_store %arg6[%swap3A_300, %swap3A_301], %swap3A_304 {strides = array<i32>} : memref<256x128xf32, #tpu.memory_space<vmem>>, vector<1x16xf32>,
      %swap3A_305 = arith.index_cast %while3A_290 : i32 to index
      %swap3A_306 = arith.constant 48 : index
      %swap3A_307 = tpu.vector_load %arg6[%swap3A_305, %swap3A_306] {strides = array<i32>} : memref<256x128xf32, #tpu.memory_space<vmem>>, vector<1x16xf32>,
      %swap3A_308 = vector.shape_cast %swap3A_307 : vector<1x16xf32> to vector<16xf32>
      %swap3A_309 = vector.shape_cast %broadcast_in_dim3A_3 : vector<16xf32> to vector<1x16xf32>
      tpu.vector_store %arg6[%swap3A_305, %swap3A_306], %swap3A_309 {strides = array<i32>} : memref<256x128xf32, #tpu.memory_space<vmem>>, vector<1x16xf32>,
      %swap3A_310 = arith.index_cast %while3A_290 : i32 to index
      %swap3A_311 = arith.constant 64 : index
      %swap3A_312 = tpu.vector_load %arg6[%swap3A_310, %swap3A_311] {strides = array<i32>} : memref<256x128xf32, #tpu.memory_space<vmem>>, vector<1x16xf32>,
      %swap3A_313 = vector.shape_cast %swap3A_312 : vector<1x16xf32> to vector<16xf32>
      %swap3A_314 = vector.shape_cast %broadcast_in_dim3A_3 : vector<16xf32> to vector<1x16xf32>
      tpu.vector_store %arg6[%swap3A_310, %swap3A_311], %swap3A_314 {strides = array<i32>} : memref<256x128xf32, #tpu.memory_space<vmem>>, vector<1x16xf32>,
      %swap3A_315 = arith.index_cast %while3A_290 : i32 to index
      %swap3A_316 = arith.constant 80 : index
      %swap3A_317 = tpu.vector_load %arg6[%swap3A_315, %swap3A_316] {strides = array<i32>} : memref<256x128xf32, #tpu.memory_space<vmem>>, vector<1x16xf32>,
      %swap3A_318 = vector.shape_cast %swap3A_317 : vector<1x16xf32> to vector<16xf32>
      %swap3A_319 = vector.shape_cast %broadcast_in_dim3A_3 : vector<16xf32> to vector<1x16xf32>
      tpu.vector_store %arg6[%swap3A_315, %swap3A_316], %swap3A_319 {strides = array<i32>} : memref<256x128xf32, #tpu.memory_space<vmem>>, vector<1x16xf32>,
      %swap3A_320 = arith.index_cast %while3A_290 : i32 to index
      %swap3A_321 = arith.constant 96 : index
      %swap3A_322 = tpu.vector_load %arg6[%swap3A_320, %swap3A_321] {strides = array<i32>} : memref<256x128xf32, #tpu.memory_space<vmem>>, vector<1x16xf32>,
      %swap3A_323 = vector.shape_cast %swap3A_322 : vector<1x16xf32> to vector<16xf32>
      %swap3A_324 = vector.shape_cast %broadcast_in_dim3A_3 : vector<16xf32> to vector<1x16xf32>
      tpu.vector_store %arg6[%swap3A_320, %swap3A_321], %swap3A_324 {strides = array<i32>} : memref<256x128xf32, #tpu.memory_space<vmem>>, vector<1x16xf32>,
      %swap3A_325 = arith.index_cast %while3A_290 : i32 to index
      %swap3A_326 = arith.constant 112 : index
      %swap3A_327 = tpu.vector_load %arg6[%swap3A_325, %swap3A_326] {strides = array<i32>} : memref<256x128xf32, #tpu.memory_space<vmem>>, vector<1x16xf32>,
      %swap3A_328 = vector.shape_cast %swap3A_327 : vector<1x16xf32> to vector<16xf32>
      %swap3A_329 = vector.shape_cast %broadcast_in_dim3A_3 : vector<16xf32> to vector<1x16xf32>
      tpu.vector_store %arg6[%swap3A_325, %swap3A_326], %swap3A_329 {strides = array<i32>} : memref<256x128xf32, #tpu.memory_space<vmem>>, vector<1x16xf32>,
    }
    %while3A_221 = arith.constant 1 : i32
    scf.for %while3A_290 = %while3A_219 to %while3A_215 step %while3A_221  : i32 {
      %swap3A = arith.index_cast %while3A_290 : i32 to index
      %swap3A_291 = arith.constant 0 : index
      %swap3A_292 = tpu.vector_load %arg6[%swap3A, %swap3A_291] {strides = array<i32>} : memref<256x128xf32, #tpu.memory_space<vmem>>, vector<1x16xf32>,
      %swap3A_293 = vector.shape_cast %swap3A_292 : vector<1x16xf32> to vector<16xf32>
      %swap3A_294 = vector.shape_cast %broadcast_in_dim3A_3 : vector<16xf32> to vector<1x16xf32>
      tpu.vector_store %arg6[%swap3A, %swap3A_291], %swap3A_294 {strides = array<i32>} : memref<256x128xf32, #tpu.memory_space<vmem>>, vector<1x16xf32>,
      %swap3A_295 = arith.index_cast %while3A_290 : i32 to index
      %swap3A_296 = arith.constant 16 : index
      %swap3A_297 = tpu.vector_load %arg6[%swap3A_295, %swap3A_296] {strides = array<i32>} : memref<256x128xf32, #tpu.memory_space<vmem>>, vector<1x16xf32>,
      %swap3A_298 = vector.shape_cast %swap3A_297 : vector<1x16xf32> to vector<16xf32>
      %swap3A_299 = vector.shape_cast %broadcast_in_dim3A_3 : vector<16xf32> to vector<1x16xf32>
      tpu.vector_store %arg6[%swap3A_295, %swap3A_296], %swap3A_299 {strides = array<i32>} : memref<256x128xf32, #tpu.memory_space<vmem>>, vector<1x16xf32>,
      %swap3A_300 = arith.index_cast %while3A_290 : i32 to index
      %swap3A_301 = arith.constant 32 : index
      %swap3A_302 = tpu.vector_load %arg6[%swap3A_300, %swap3A_301] {strides = array<i32>} : memref<256x128xf32, #tpu.memory_space<vmem>>, vector<1x16xf32>,
      %swap3A_303 = vector.shape_cast %swap3A_302 : vector<1x16xf32> to vector<16xf32>
      %swap3A_304 = vector.shape_cast %broadcast_in_dim3A_3 : vector<16xf32> to vector<1x16xf32>
      tpu.vector_store %arg6[%swap3A_300, %swap3A_301], %swap3A_304 {strides = array<i32>} : memref<256x128xf32, #tpu.memory_space<vmem>>, vector<1x16xf32>,
      %swap3A_305 = arith.index_cast %while3A_290 : i32 to index
      %swap3A_306 = arith.constant 48 : index
      %swap3A_307 = tpu.vector_load %arg6[%swap3A_305, %swap3A_306] {strides = array<i32>} : memref<256x128xf32, #tpu.memory_space<vmem>>, vector<1x16xf32>,
      %swap3A_308 = vector.shape_cast %swap3A_307 : vector<1x16xf32> to vector<16xf32>
      %swap3A_309 = vector.shape_cast %broadcast_in_dim3A_3 : vector<16xf32> to vector<1x16xf32>
      tpu.vector_store %arg6[%swap3A_305, %swap3A_306], %swap3A_309 {strides = array<i32>} : memref<256x128xf32, #tpu.memory_space<vmem>>, vector<1x16xf32>,
      %swap3A_310 = arith.index_cast %while3A_290 : i32 to index
      %swap3A_311 = arith.constant 64 : index
      %swap3A_312 = tpu.vector_load %arg6[%swap3A_310, %swap3A_311] {strides = array<i32>} : memref<256x128xf32, #tpu.memory_space<vmem>>, vector<1x16xf32>,
      %swap3A_313 = vector.shape_cast %swap3A_312 : vector<1x16xf32> to vector<16xf32>
      %swap3A_314 = vector.shape_cast %broadcast_in_dim3A_3 : vector<16xf32> to vector<1x16xf32>
      tpu.vector_store %arg6[%swap3A_310, %swap3A_311], %swap3A_314 {strides = array<i32>} : memref<256x128xf32, #tpu.memory_space<vmem>>, vector<1x16xf32>,
      %swap3A_315 = arith.index_cast %while3A_290 : i32 to index
      %swap3A_316 = arith.constant 80 : index
      %swap3A_317 = tpu.vector_load %arg6[%swap3A_315, %swap3A_316] {strides = array<i32>} : memref<256x128xf32, #tpu.memory_space<vmem>>, vector<1x16xf32>,
      %swap3A_318 = vector.shape_cast %swap3A_317 : vector<1x16xf32> to vector<16xf32>
      %swap3A_319 = vector.shape_cast %broadcast_in_dim3A_3 : vector<16xf32> to vector<1x16xf32>
      tpu.vector_store %arg6[%swap3A_315, %swap3A_316], %swap3A_319 {strides = array<i32>} : memref<256x128xf32, #tpu.memory_space<vmem>>, vector<1x16xf32>,
      %swap3A_320 = arith.index_cast %while3A_290 : i32 to index
      %swap3A_321 = arith.constant 96 : index
      %swap3A_322 = tpu.vector_load %arg6[%swap3A_320, %swap3A_321] {strides = array<i32>} : memref<256x128xf32, #tpu.memory_space<vmem>>, vector<1x16xf32>,
      %swap3A_323 = vector.shape_cast %swap3A_322 : vector<1x16xf32> to vector<16xf32>
      %swap3A_324 = vector.shape_cast %broadcast_in_dim3A_3 : vector<16xf32> to vector<1x16xf32>
      tpu.vector_store %arg6[%swap3A_320, %swap3A_321], %swap3A_324 {strides = array<i32>} : memref<256x128xf32, #tpu.memory_space<vmem>>, vector<1x16xf32>,
      %swap3A_325 = arith.index_cast %while3A_290 : i32 to index
      %swap3A_326 = arith.constant 112 : index
      %swap3A_327 = tpu.vector_load %arg6[%swap3A_325, %swap3A_326] {strides = array<i32>} : memref<256x128xf32, #tpu.memory_space<vmem>>, vector<1x16xf32>,
      %swap3A_328 = vector.shape_cast %swap3A_327 : vector<1x16xf32> to vector<16xf32>
      %swap3A_329 = vector.shape_cast %broadcast_in_dim3A_3 : vector<16xf32> to vector<1x16xf32>
      tpu.vector_store %arg6[%swap3A_325, %swap3A_326], %swap3A_329 {strides = array<i32>} : memref<256x128xf32, #tpu.memory_space<vmem>>, vector<1x16xf32>,
    }
    "tpu.region"() ({
      %run_scoped3A = tpu.sem_alloc : memref<!tpu.dma_semaphore, #tpu.memory_space<semaphore_mem>>
      %dma_start3A = arith.constant 1280 : i32
      %dma_start3A_290 = arith.constant 0 : i32
      %dma_start3A_291 = tpu.memref_slice %arg4[%add3A_15, %dma_start3A, %dma_start3A_290] : memref<32x2048x128xf32, #tpu.memory_space<hbm>> -> memref<1x256x128xf32, #tpu.memory_space<hbm>>
      %dma_start3A_292 = tpu.memref_squeeze %dma_start3A_291 : memref<1x256x128xf32, #tpu.memory_space<hbm>> -> memref<256x128xf32, #tpu.memory_space<hbm>>
      %dma_start3A_293 = arith.constant 1280 : i32
      %dma_start3A_294 = arith.constant 0 : i32
      %dma_start3A_295 = tpu.memref_slice %arg4[%add3A_15, %dma_start3A_293, %dma_start3A_294] : memref<32x2048x128xf32, #tpu.memory_space<hbm>> -> memref<1x256x128xf32, #tpu.memory_space<hbm>>
      %dma_start3A_296 = tpu.memref_squeeze %dma_start3A_295 : memref<1x256x128xf32, #tpu.memory_space<hbm>> -> memref<256x128xf32, #tpu.memory_space<hbm>>
      tpu.enqueue_dma source(%arg6 : memref<256x128xf32, #tpu.memory_space<vmem>>) target(%dma_start3A_296 : memref<256x128xf32, #tpu.memory_space<hbm>>) target_semaphore(%run_scoped3A : memref<!tpu.dma_semaphore, #tpu.memory_space<semaphore_mem>>)
      %dma_wait3A = arith.constant 1280 : i32
      %dma_wait3A_297 = arith.constant 0 : i32
      %dma_wait3A_298 = tpu.memref_slice %arg4[%add3A_15, %dma_wait3A, %dma_wait3A_297] : memref<32x2048x128xf32, #tpu.memory_space<hbm>> -> memref<1x256x128xf32, #tpu.memory_space<hbm>>
      %dma_wait3A_299 = tpu.memref_squeeze %dma_wait3A_298 : memref<1x256x128xf32, #tpu.memory_space<hbm>> -> memref<256x128xf32, #tpu.memory_space<hbm>>
      %dma_wait3A_300 = arith.constant 1280 : i32
      %dma_wait3A_301 = arith.constant 0 : i32
      %dma_wait3A_302 = tpu.memref_slice %arg4[%add3A_15, %dma_wait3A_300, %dma_wait3A_301] : memref<32x2048x128xf32, #tpu.memory_space<hbm>> -> memref<1x256x128xf32, #tpu.memory_space<hbm>>
      %dma_wait3A_303 = tpu.memref_squeeze %dma_wait3A_302 : memref<1x256x128xf32, #tpu.memory_space<hbm>> -> memref<256x128xf32, #tpu.memory_space<hbm>>
      tpu.wait_dma2 semaphore(%run_scoped3A : memref<!tpu.dma_semaphore, #tpu.memory_space<semaphore_mem>>) src(%arg6 : memref<256x128xf32, #tpu.memory_space<vmem>>) dst(%dma_wait3A_303 : memref<256x128xf32, #tpu.memory_space<hbm>>)
      tpu.yield
    }) : () -> ()
    "tpu.region"() ({
      %run_scoped3A = tpu.sem_alloc : memref<!tpu.dma_semaphore, #tpu.memory_space<semaphore_mem>>
      %dma_start3A = arith.constant 1536 : i32
      %dma_start3A_290 = arith.constant 0 : i32
      %dma_start3A_291 = tpu.memref_slice %arg3[%add3A_11, %dma_start3A, %dma_start3A_290] : memref<128x2048x128xf32, #tpu.memory_space<hbm>> -> memref<1x256x128xf32, #tpu.memory_space<hbm>>
      %dma_start3A_292 = tpu.memref_squeeze %dma_start3A_291 : memref<1x256x128xf32, #tpu.memory_space<hbm>> -> memref<256x128xf32, #tpu.memory_space<hbm>>
      %dma_start3A_293 = arith.constant 1536 : i32
      %dma_start3A_294 = arith.constant 0 : i32
      %dma_start3A_295 = tpu.memref_slice %arg3[%add3A_11, %dma_start3A_293, %dma_start3A_294] : memref<128x2048x128xf32, #tpu.memory_space<hbm>> -> memref<1x256x128xf32, #tpu.memory_space<hbm>>
      %dma_start3A_296 = tpu.memref_squeeze %dma_start3A_295 : memref<1x256x128xf32, #tpu.memory_space<hbm>> -> memref<256x128xf32, #tpu.memory_space<hbm>>
      tpu.enqueue_dma source(%dma_start3A_296 : memref<256x128xf32, #tpu.memory_space<hbm>>) target(%arg6 : memref<256x128xf32, #tpu.memory_space<vmem>>) target_semaphore(%run_scoped3A : memref<!tpu.dma_semaphore, #tpu.memory_space<semaphore_mem>>)
      %dma_wait3A = arith.constant 1536 : i32
      %dma_wait3A_297 = arith.constant 0 : i32
      %dma_wait3A_298 = tpu.memref_slice %arg3[%add3A_11, %dma_wait3A, %dma_wait3A_297] : memref<128x2048x128xf32, #tpu.memory_space<hbm>> -> memref<1x256x128xf32, #tpu.memory_space<hbm>>
      %dma_wait3A_299 = tpu.memref_squeeze %dma_wait3A_298 : memref<1x256x128xf32, #tpu.memory_space<hbm>> -> memref<256x128xf32, #tpu.memory_space<hbm>>
      %dma_wait3A_300 = arith.constant 1536 : i32
      %dma_wait3A_301 = arith.constant 0 : i32
      %dma_wait3A_302 = tpu.memref_slice %arg3[%add3A_11, %dma_wait3A_300, %dma_wait3A_301] : memref<128x2048x128xf32, #tpu.memory_space<hbm>> -> memref<1x256x128xf32, #tpu.memory_space<hbm>>
      %dma_wait3A_303 = tpu.memref_squeeze %dma_wait3A_302 : memref<1x256x128xf32, #tpu.memory_space<hbm>> -> memref<256x128xf32, #tpu.memory_space<hbm>>
      tpu.wait_dma2 semaphore(%run_scoped3A : memref<!tpu.dma_semaphore, #tpu.memory_space<semaphore_mem>>) src(%dma_wait3A_303 : memref<256x128xf32, #tpu.memory_space<hbm>>) dst(%arg6 : memref<256x128xf32, #tpu.memory_space<vmem>>)
      tpu.yield
    }) : () -> ()
    %sub3A_222 = arith.constant 1536 : i32
    %sub3A_223 = arith.subi %squeeze3A, %sub3A_222 : i32
    %max3A_224 = arith.constant 0 : i32
    %max3A_225 = arith.maxsi %sub3A_223, %max3A_224 : i32
    %sub3A_226 = arith.constant 1536 : i32
    %sub3A_227 = arith.subi %squeeze3A_17, %sub3A_226 : i32
    %min3A_228 = arith.constant 256 : i32
    %min3A_229 = arith.minsi %sub3A_227, %min3A_228 : i32
    %while3A_230 = arith.constant 0 : i32
    %while3A_231 = arith.subi %min3A_229, %max3A_225 : i32
    %while3A_232 = arith.addi %max3A_225, %while3A_231 : i32
    %while3A_233 = arith.constant 1 : i32
    %while3A_234 = arith.divsi %while3A_231, %while3A_233 : i32
    %while3A_235 = arith.muli %while3A_234, %while3A_233 : i32
    %while3A_236 = arith.addi %max3A_225, %while3A_235 : i32
    %while3A_237 = arith.constant 1 : i32
    scf.for %while3A_290 = %max3A_225 to %while3A_236 step %while3A_237  : i32 {
      %swap3A = arith.index_cast %while3A_290 : i32 to index
      %swap3A_291 = arith.constant 0 : index
      %swap3A_292 = tpu.vector_load %arg6[%swap3A, %swap3A_291] {strides = array<i32>} : memref<256x128xf32, #tpu.memory_space<vmem>>, vector<1x16xf32>,
      %swap3A_293 = vector.shape_cast %swap3A_292 : vector<1x16xf32> to vector<16xf32>
      %swap3A_294 = vector.shape_cast %broadcast_in_dim3A_3 : vector<16xf32> to vector<1x16xf32>
      tpu.vector_store %arg6[%swap3A, %swap3A_291], %swap3A_294 {strides = array<i32>} : memref<256x128xf32, #tpu.memory_space<vmem>>, vector<1x16xf32>,
      %swap3A_295 = arith.index_cast %while3A_290 : i32 to index
      %swap3A_296 = arith.constant 16 : index
      %swap3A_297 = tpu.vector_load %arg6[%swap3A_295, %swap3A_296] {strides = array<i32>} : memref<256x128xf32, #tpu.memory_space<vmem>>, vector<1x16xf32>,
      %swap3A_298 = vector.shape_cast %swap3A_297 : vector<1x16xf32> to vector<16xf32>
      %swap3A_299 = vector.shape_cast %broadcast_in_dim3A_3 : vector<16xf32> to vector<1x16xf32>
      tpu.vector_store %arg6[%swap3A_295, %swap3A_296], %swap3A_299 {strides = array<i32>} : memref<256x128xf32, #tpu.memory_space<vmem>>, vector<1x16xf32>,
      %swap3A_300 = arith.index_cast %while3A_290 : i32 to index
      %swap3A_301 = arith.constant 32 : index
      %swap3A_302 = tpu.vector_load %arg6[%swap3A_300, %swap3A_301] {strides = array<i32>} : memref<256x128xf32, #tpu.memory_space<vmem>>, vector<1x16xf32>,
      %swap3A_303 = vector.shape_cast %swap3A_302 : vector<1x16xf32> to vector<16xf32>
      %swap3A_304 = vector.shape_cast %broadcast_in_dim3A_3 : vector<16xf32> to vector<1x16xf32>
      tpu.vector_store %arg6[%swap3A_300, %swap3A_301], %swap3A_304 {strides = array<i32>} : memref<256x128xf32, #tpu.memory_space<vmem>>, vector<1x16xf32>,
      %swap3A_305 = arith.index_cast %while3A_290 : i32 to index
      %swap3A_306 = arith.constant 48 : index
      %swap3A_307 = tpu.vector_load %arg6[%swap3A_305, %swap3A_306] {strides = array<i32>} : memref<256x128xf32, #tpu.memory_space<vmem>>, vector<1x16xf32>,
      %swap3A_308 = vector.shape_cast %swap3A_307 : vector<1x16xf32> to vector<16xf32>
      %swap3A_309 = vector.shape_cast %broadcast_in_dim3A_3 : vector<16xf32> to vector<1x16xf32>
      tpu.vector_store %arg6[%swap3A_305, %swap3A_306], %swap3A_309 {strides = array<i32>} : memref<256x128xf32, #tpu.memory_space<vmem>>, vector<1x16xf32>,
      %swap3A_310 = arith.index_cast %while3A_290 : i32 to index
      %swap3A_311 = arith.constant 64 : index
      %swap3A_312 = tpu.vector_load %arg6[%swap3A_310, %swap3A_311] {strides = array<i32>} : memref<256x128xf32, #tpu.memory_space<vmem>>, vector<1x16xf32>,
      %swap3A_313 = vector.shape_cast %swap3A_312 : vector<1x16xf32> to vector<16xf32>
      %swap3A_314 = vector.shape_cast %broadcast_in_dim3A_3 : vector<16xf32> to vector<1x16xf32>
      tpu.vector_store %arg6[%swap3A_310, %swap3A_311], %swap3A_314 {strides = array<i32>} : memref<256x128xf32, #tpu.memory_space<vmem>>, vector<1x16xf32>,
      %swap3A_315 = arith.index_cast %while3A_290 : i32 to index
      %swap3A_316 = arith.constant 80 : index
      %swap3A_317 = tpu.vector_load %arg6[%swap3A_315, %swap3A_316] {strides = array<i32>} : memref<256x128xf32, #tpu.memory_space<vmem>>, vector<1x16xf32>,
      %swap3A_318 = vector.shape_cast %swap3A_317 : vector<1x16xf32> to vector<16xf32>
      %swap3A_319 = vector.shape_cast %broadcast_in_dim3A_3 : vector<16xf32> to vector<1x16xf32>
      tpu.vector_store %arg6[%swap3A_315, %swap3A_316], %swap3A_319 {strides = array<i32>} : memref<256x128xf32, #tpu.memory_space<vmem>>, vector<1x16xf32>,
      %swap3A_320 = arith.index_cast %while3A_290 : i32 to index
      %swap3A_321 = arith.constant 96 : index
      %swap3A_322 = tpu.vector_load %arg6[%swap3A_320, %swap3A_321] {strides = array<i32>} : memref<256x128xf32, #tpu.memory_space<vmem>>, vector<1x16xf32>,
      %swap3A_323 = vector.shape_cast %swap3A_322 : vector<1x16xf32> to vector<16xf32>
      %swap3A_324 = vector.shape_cast %broadcast_in_dim3A_3 : vector<16xf32> to vector<1x16xf32>
      tpu.vector_store %arg6[%swap3A_320, %swap3A_321], %swap3A_324 {strides = array<i32>} : memref<256x128xf32, #tpu.memory_space<vmem>>, vector<1x16xf32>,
      %swap3A_325 = arith.index_cast %while3A_290 : i32 to index
      %swap3A_326 = arith.constant 112 : index
      %swap3A_327 = tpu.vector_load %arg6[%swap3A_325, %swap3A_326] {strides = array<i32>} : memref<256x128xf32, #tpu.memory_space<vmem>>, vector<1x16xf32>,
      %swap3A_328 = vector.shape_cast %swap3A_327 : vector<1x16xf32> to vector<16xf32>
      %swap3A_329 = vector.shape_cast %broadcast_in_dim3A_3 : vector<16xf32> to vector<1x16xf32>
      tpu.vector_store %arg6[%swap3A_325, %swap3A_326], %swap3A_329 {strides = array<i32>} : memref<256x128xf32, #tpu.memory_space<vmem>>, vector<1x16xf32>,
    }
    %while3A_238 = arith.constant 1 : i32
    scf.for %while3A_290 = %while3A_236 to %while3A_232 step %while3A_238  : i32 {
      %swap3A = arith.index_cast %while3A_290 : i32 to index
      %swap3A_291 = arith.constant 0 : index
      %swap3A_292 = tpu.vector_load %arg6[%swap3A, %swap3A_291] {strides = array<i32>} : memref<256x128xf32, #tpu.memory_space<vmem>>, vector<1x16xf32>,
      %swap3A_293 = vector.shape_cast %swap3A_292 : vector<1x16xf32> to vector<16xf32>
      %swap3A_294 = vector.shape_cast %broadcast_in_dim3A_3 : vector<16xf32> to vector<1x16xf32>
      tpu.vector_store %arg6[%swap3A, %swap3A_291], %swap3A_294 {strides = array<i32>} : memref<256x128xf32, #tpu.memory_space<vmem>>, vector<1x16xf32>,
      %swap3A_295 = arith.index_cast %while3A_290 : i32 to index
      %swap3A_296 = arith.constant 16 : index
      %swap3A_297 = tpu.vector_load %arg6[%swap3A_295, %swap3A_296] {strides = array<i32>} : memref<256x128xf32, #tpu.memory_space<vmem>>, vector<1x16xf32>,
      %swap3A_298 = vector.shape_cast %swap3A_297 : vector<1x16xf32> to vector<16xf32>
      %swap3A_299 = vector.shape_cast %broadcast_in_dim3A_3 : vector<16xf32> to vector<1x16xf32>
      tpu.vector_store %arg6[%swap3A_295, %swap3A_296], %swap3A_299 {strides = array<i32>} : memref<256x128xf32, #tpu.memory_space<vmem>>, vector<1x16xf32>,
      %swap3A_300 = arith.index_cast %while3A_290 : i32 to index
      %swap3A_301 = arith.constant 32 : index
      %swap3A_302 = tpu.vector_load %arg6[%swap3A_300, %swap3A_301] {strides = array<i32>} : memref<256x128xf32, #tpu.memory_space<vmem>>, vector<1x16xf32>,
      %swap3A_303 = vector.shape_cast %swap3A_302 : vector<1x16xf32> to vector<16xf32>
      %swap3A_304 = vector.shape_cast %broadcast_in_dim3A_3 : vector<16xf32> to vector<1x16xf32>
      tpu.vector_store %arg6[%swap3A_300, %swap3A_301], %swap3A_304 {strides = array<i32>} : memref<256x128xf32, #tpu.memory_space<vmem>>, vector<1x16xf32>,
      %swap3A_305 = arith.index_cast %while3A_290 : i32 to index
      %swap3A_306 = arith.constant 48 : index
      %swap3A_307 = tpu.vector_load %arg6[%swap3A_305, %swap3A_306] {strides = array<i32>} : memref<256x128xf32, #tpu.memory_space<vmem>>, vector<1x16xf32>,
      %swap3A_308 = vector.shape_cast %swap3A_307 : vector<1x16xf32> to vector<16xf32>
      %swap3A_309 = vector.shape_cast %broadcast_in_dim3A_3 : vector<16xf32> to vector<1x16xf32>
      tpu.vector_store %arg6[%swap3A_305, %swap3A_306], %swap3A_309 {strides = array<i32>} : memref<256x128xf32, #tpu.memory_space<vmem>>, vector<1x16xf32>,
      %swap3A_310 = arith.index_cast %while3A_290 : i32 to index
      %swap3A_311 = arith.constant 64 : index
      %swap3A_312 = tpu.vector_load %arg6[%swap3A_310, %swap3A_311] {strides = array<i32>} : memref<256x128xf32, #tpu.memory_space<vmem>>, vector<1x16xf32>,
      %swap3A_313 = vector.shape_cast %swap3A_312 : vector<1x16xf32> to vector<16xf32>
      %swap3A_314 = vector.shape_cast %broadcast_in_dim3A_3 : vector<16xf32> to vector<1x16xf32>
      tpu.vector_store %arg6[%swap3A_310, %swap3A_311], %swap3A_314 {strides = array<i32>} : memref<256x128xf32, #tpu.memory_space<vmem>>, vector<1x16xf32>,
      %swap3A_315 = arith.index_cast %while3A_290 : i32 to index
      %swap3A_316 = arith.constant 80 : index
      %swap3A_317 = tpu.vector_load %arg6[%swap3A_315, %swap3A_316] {strides = array<i32>} : memref<256x128xf32, #tpu.memory_space<vmem>>, vector<1x16xf32>,
      %swap3A_318 = vector.shape_cast %swap3A_317 : vector<1x16xf32> to vector<16xf32>
      %swap3A_319 = vector.shape_cast %broadcast_in_dim3A_3 : vector<16xf32> to vector<1x16xf32>
      tpu.vector_store %arg6[%swap3A_315, %swap3A_316], %swap3A_319 {strides = array<i32>} : memref<256x128xf32, #tpu.memory_space<vmem>>, vector<1x16xf32>,
      %swap3A_320 = arith.index_cast %while3A_290 : i32 to index
      %swap3A_321 = arith.constant 96 : index
      %swap3A_322 = tpu.vector_load %arg6[%swap3A_320, %swap3A_321] {strides = array<i32>} : memref<256x128xf32, #tpu.memory_space<vmem>>, vector<1x16xf32>,
      %swap3A_323 = vector.shape_cast %swap3A_322 : vector<1x16xf32> to vector<16xf32>
      %swap3A_324 = vector.shape_cast %broadcast_in_dim3A_3 : vector<16xf32> to vector<1x16xf32>
      tpu.vector_store %arg6[%swap3A_320, %swap3A_321], %swap3A_324 {strides = array<i32>} : memref<256x128xf32, #tpu.memory_space<vmem>>, vector<1x16xf32>,
      %swap3A_325 = arith.index_cast %while3A_290 : i32 to index
      %swap3A_326 = arith.constant 112 : index
      %swap3A_327 = tpu.vector_load %arg6[%swap3A_325, %swap3A_326] {strides = array<i32>} : memref<256x128xf32, #tpu.memory_space<vmem>>, vector<1x16xf32>,
      %swap3A_328 = vector.shape_cast %swap3A_327 : vector<1x16xf32> to vector<16xf32>
      %swap3A_329 = vector.shape_cast %broadcast_in_dim3A_3 : vector<16xf32> to vector<1x16xf32>
      tpu.vector_store %arg6[%swap3A_325, %swap3A_326], %swap3A_329 {strides = array<i32>} : memref<256x128xf32, #tpu.memory_space<vmem>>, vector<1x16xf32>,
    }
    %sub3A_239 = arith.constant 1536 : i32
    %sub3A_240 = arith.subi %squeeze3A_19, %sub3A_239 : i32
    %max3A_241 = arith.constant 0 : i32
    %max3A_242 = arith.maxsi %sub3A_240, %max3A_241 : i32
    %sub3A_243 = arith.constant 1536 : i32
    %sub3A_244 = arith.subi %squeeze3A_21, %sub3A_243 : i32
    %min3A_245 = arith.constant 256 : i32
    %min3A_246 = arith.minsi %sub3A_244, %min3A_245 : i32
    %while3A_247 = arith.constant 0 : i32
    %while3A_248 = arith.subi %min3A_246, %max3A_242 : i32
    %while3A_249 = arith.addi %max3A_242, %while3A_248 : i32
    %while3A_250 = arith.constant 1 : i32
    %while3A_251 = arith.divsi %while3A_248, %while3A_250 : i32
    %while3A_252 = arith.muli %while3A_251, %while3A_250 : i32
    %while3A_253 = arith.addi %max3A_242, %while3A_252 : i32
    %while3A_254 = arith.constant 1 : i32
    scf.for %while3A_290 = %max3A_242 to %while3A_253 step %while3A_254  : i32 {
      %swap3A = arith.index_cast %while3A_290 : i32 to index
      %swap3A_291 = arith.constant 0 : index
      %swap3A_292 = tpu.vector_load %arg6[%swap3A, %swap3A_291] {strides = array<i32>} : memref<256x128xf32, #tpu.memory_space<vmem>>, vector<1x16xf32>,
      %swap3A_293 = vector.shape_cast %swap3A_292 : vector<1x16xf32> to vector<16xf32>
      %swap3A_294 = vector.shape_cast %broadcast_in_dim3A_3 : vector<16xf32> to vector<1x16xf32>
      tpu.vector_store %arg6[%swap3A, %swap3A_291], %swap3A_294 {strides = array<i32>} : memref<256x128xf32, #tpu.memory_space<vmem>>, vector<1x16xf32>,
      %swap3A_295 = arith.index_cast %while3A_290 : i32 to index
      %swap3A_296 = arith.constant 16 : index
      %swap3A_297 = tpu.vector_load %arg6[%swap3A_295, %swap3A_296] {strides = array<i32>} : memref<256x128xf32, #tpu.memory_space<vmem>>, vector<1x16xf32>,
      %swap3A_298 = vector.shape_cast %swap3A_297 : vector<1x16xf32> to vector<16xf32>
      %swap3A_299 = vector.shape_cast %broadcast_in_dim3A_3 : vector<16xf32> to vector<1x16xf32>
      tpu.vector_store %arg6[%swap3A_295, %swap3A_296], %swap3A_299 {strides = array<i32>} : memref<256x128xf32, #tpu.memory_space<vmem>>, vector<1x16xf32>,
      %swap3A_300 = arith.index_cast %while3A_290 : i32 to index
      %swap3A_301 = arith.constant 32 : index
      %swap3A_302 = tpu.vector_load %arg6[%swap3A_300, %swap3A_301] {strides = array<i32>} : memref<256x128xf32, #tpu.memory_space<vmem>>, vector<1x16xf32>,
      %swap3A_303 = vector.shape_cast %swap3A_302 : vector<1x16xf32> to vector<16xf32>
      %swap3A_304 = vector.shape_cast %broadcast_in_dim3A_3 : vector<16xf32> to vector<1x16xf32>
      tpu.vector_store %arg6[%swap3A_300, %swap3A_301], %swap3A_304 {strides = array<i32>} : memref<256x128xf32, #tpu.memory_space<vmem>>, vector<1x16xf32>,
      %swap3A_305 = arith.index_cast %while3A_290 : i32 to index
      %swap3A_306 = arith.constant 48 : index
      %swap3A_307 = tpu.vector_load %arg6[%swap3A_305, %swap3A_306] {strides = array<i32>} : memref<256x128xf32, #tpu.memory_space<vmem>>, vector<1x16xf32>,
      %swap3A_308 = vector.shape_cast %swap3A_307 : vector<1x16xf32> to vector<16xf32>
      %swap3A_309 = vector.shape_cast %broadcast_in_dim3A_3 : vector<16xf32> to vector<1x16xf32>
      tpu.vector_store %arg6[%swap3A_305, %swap3A_306], %swap3A_309 {strides = array<i32>} : memref<256x128xf32, #tpu.memory_space<vmem>>, vector<1x16xf32>,
      %swap3A_310 = arith.index_cast %while3A_290 : i32 to index
      %swap3A_311 = arith.constant 64 : index
      %swap3A_312 = tpu.vector_load %arg6[%swap3A_310, %swap3A_311] {strides = array<i32>} : memref<256x128xf32, #tpu.memory_space<vmem>>, vector<1x16xf32>,
      %swap3A_313 = vector.shape_cast %swap3A_312 : vector<1x16xf32> to vector<16xf32>
      %swap3A_314 = vector.shape_cast %broadcast_in_dim3A_3 : vector<16xf32> to vector<1x16xf32>
      tpu.vector_store %arg6[%swap3A_310, %swap3A_311], %swap3A_314 {strides = array<i32>} : memref<256x128xf32, #tpu.memory_space<vmem>>, vector<1x16xf32>,
      %swap3A_315 = arith.index_cast %while3A_290 : i32 to index
      %swap3A_316 = arith.constant 80 : index
      %swap3A_317 = tpu.vector_load %arg6[%swap3A_315, %swap3A_316] {strides = array<i32>} : memref<256x128xf32, #tpu.memory_space<vmem>>, vector<1x16xf32>,
      %swap3A_318 = vector.shape_cast %swap3A_317 : vector<1x16xf32> to vector<16xf32>
      %swap3A_319 = vector.shape_cast %broadcast_in_dim3A_3 : vector<16xf32> to vector<1x16xf32>
      tpu.vector_store %arg6[%swap3A_315, %swap3A_316], %swap3A_319 {strides = array<i32>} : memref<256x128xf32, #tpu.memory_space<vmem>>, vector<1x16xf32>,
      %swap3A_320 = arith.index_cast %while3A_290 : i32 to index
      %swap3A_321 = arith.constant 96 : index
      %swap3A_322 = tpu.vector_load %arg6[%swap3A_320, %swap3A_321] {strides = array<i32>} : memref<256x128xf32, #tpu.memory_space<vmem>>, vector<1x16xf32>,
      %swap3A_323 = vector.shape_cast %swap3A_322 : vector<1x16xf32> to vector<16xf32>
      %swap3A_324 = vector.shape_cast %broadcast_in_dim3A_3 : vector<16xf32> to vector<1x16xf32>
      tpu.vector_store %arg6[%swap3A_320, %swap3A_321], %swap3A_324 {strides = array<i32>} : memref<256x128xf32, #tpu.memory_space<vmem>>, vector<1x16xf32>,
      %swap3A_325 = arith.index_cast %while3A_290 : i32 to index
      %swap3A_326 = arith.constant 112 : index
      %swap3A_327 = tpu.vector_load %arg6[%swap3A_325, %swap3A_326] {strides = array<i32>} : memref<256x128xf32, #tpu.memory_space<vmem>>, vector<1x16xf32>,
      %swap3A_328 = vector.shape_cast %swap3A_327 : vector<1x16xf32> to vector<16xf32>
      %swap3A_329 = vector.shape_cast %broadcast_in_dim3A_3 : vector<16xf32> to vector<1x16xf32>
      tpu.vector_store %arg6[%swap3A_325, %swap3A_326], %swap3A_329 {strides = array<i32>} : memref<256x128xf32, #tpu.memory_space<vmem>>, vector<1x16xf32>,
    }
    %while3A_255 = arith.constant 1 : i32
    scf.for %while3A_290 = %while3A_253 to %while3A_249 step %while3A_255  : i32 {
      %swap3A = arith.index_cast %while3A_290 : i32 to index
      %swap3A_291 = arith.constant 0 : index
      %swap3A_292 = tpu.vector_load %arg6[%swap3A, %swap3A_291] {strides = array<i32>} : memref<256x128xf32, #tpu.memory_space<vmem>>, vector<1x16xf32>,
      %swap3A_293 = vector.shape_cast %swap3A_292 : vector<1x16xf32> to vector<16xf32>
      %swap3A_294 = vector.shape_cast %broadcast_in_dim3A_3 : vector<16xf32> to vector<1x16xf32>
      tpu.vector_store %arg6[%swap3A, %swap3A_291], %swap3A_294 {strides = array<i32>} : memref<256x128xf32, #tpu.memory_space<vmem>>, vector<1x16xf32>,
      %swap3A_295 = arith.index_cast %while3A_290 : i32 to index
      %swap3A_296 = arith.constant 16 : index
      %swap3A_297 = tpu.vector_load %arg6[%swap3A_295, %swap3A_296] {strides = array<i32>} : memref<256x128xf32, #tpu.memory_space<vmem>>, vector<1x16xf32>,
      %swap3A_298 = vector.shape_cast %swap3A_297 : vector<1x16xf32> to vector<16xf32>
      %swap3A_299 = vector.shape_cast %broadcast_in_dim3A_3 : vector<16xf32> to vector<1x16xf32>
      tpu.vector_store %arg6[%swap3A_295, %swap3A_296], %swap3A_299 {strides = array<i32>} : memref<256x128xf32, #tpu.memory_space<vmem>>, vector<1x16xf32>,
      %swap3A_300 = arith.index_cast %while3A_290 : i32 to index
      %swap3A_301 = arith.constant 32 : index
      %swap3A_302 = tpu.vector_load %arg6[%swap3A_300, %swap3A_301] {strides = array<i32>} : memref<256x128xf32, #tpu.memory_space<vmem>>, vector<1x16xf32>,
      %swap3A_303 = vector.shape_cast %swap3A_302 : vector<1x16xf32> to vector<16xf32>
      %swap3A_304 = vector.shape_cast %broadcast_in_dim3A_3 : vector<16xf32> to vector<1x16xf32>
      tpu.vector_store %arg6[%swap3A_300, %swap3A_301], %swap3A_304 {strides = array<i32>} : memref<256x128xf32, #tpu.memory_space<vmem>>, vector<1x16xf32>,
      %swap3A_305 = arith.index_cast %while3A_290 : i32 to index
      %swap3A_306 = arith.constant 48 : index
      %swap3A_307 = tpu.vector_load %arg6[%swap3A_305, %swap3A_306] {strides = array<i32>} : memref<256x128xf32, #tpu.memory_space<vmem>>, vector<1x16xf32>,
      %swap3A_308 = vector.shape_cast %swap3A_307 : vector<1x16xf32> to vector<16xf32>
      %swap3A_309 = vector.shape_cast %broadcast_in_dim3A_3 : vector<16xf32> to vector<1x16xf32>
      tpu.vector_store %arg6[%swap3A_305, %swap3A_306], %swap3A_309 {strides = array<i32>} : memref<256x128xf32, #tpu.memory_space<vmem>>, vector<1x16xf32>,
      %swap3A_310 = arith.index_cast %while3A_290 : i32 to index
      %swap3A_311 = arith.constant 64 : index
      %swap3A_312 = tpu.vector_load %arg6[%swap3A_310, %swap3A_311] {strides = array<i32>} : memref<256x128xf32, #tpu.memory_space<vmem>>, vector<1x16xf32>,
      %swap3A_313 = vector.shape_cast %swap3A_312 : vector<1x16xf32> to vector<16xf32>
      %swap3A_314 = vector.shape_cast %broadcast_in_dim3A_3 : vector<16xf32> to vector<1x16xf32>
      tpu.vector_store %arg6[%swap3A_310, %swap3A_311], %swap3A_314 {strides = array<i32>} : memref<256x128xf32, #tpu.memory_space<vmem>>, vector<1x16xf32>,
      %swap3A_315 = arith.index_cast %while3A_290 : i32 to index
      %swap3A_316 = arith.constant 80 : index
      %swap3A_317 = tpu.vector_load %arg6[%swap3A_315, %swap3A_316] {strides = array<i32>} : memref<256x128xf32, #tpu.memory_space<vmem>>, vector<1x16xf32>,
      %swap3A_318 = vector.shape_cast %swap3A_317 : vector<1x16xf32> to vector<16xf32>
      %swap3A_319 = vector.shape_cast %broadcast_in_dim3A_3 : vector<16xf32> to vector<1x16xf32>
      tpu.vector_store %arg6[%swap3A_315, %swap3A_316], %swap3A_319 {strides = array<i32>} : memref<256x128xf32, #tpu.memory_space<vmem>>, vector<1x16xf32>,
      %swap3A_320 = arith.index_cast %while3A_290 : i32 to index
      %swap3A_321 = arith.constant 96 : index
      %swap3A_322 = tpu.vector_load %arg6[%swap3A_320, %swap3A_321] {strides = array<i32>} : memref<256x128xf32, #tpu.memory_space<vmem>>, vector<1x16xf32>,
      %swap3A_323 = vector.shape_cast %swap3A_322 : vector<1x16xf32> to vector<16xf32>
      %swap3A_324 = vector.shape_cast %broadcast_in_dim3A_3 : vector<16xf32> to vector<1x16xf32>
      tpu.vector_store %arg6[%swap3A_320, %swap3A_321], %swap3A_324 {strides = array<i32>} : memref<256x128xf32, #tpu.memory_space<vmem>>, vector<1x16xf32>,
      %swap3A_325 = arith.index_cast %while3A_290 : i32 to index
      %swap3A_326 = arith.constant 112 : index
      %swap3A_327 = tpu.vector_load %arg6[%swap3A_325, %swap3A_326] {strides = array<i32>} : memref<256x128xf32, #tpu.memory_space<vmem>>, vector<1x16xf32>,
      %swap3A_328 = vector.shape_cast %swap3A_327 : vector<1x16xf32> to vector<16xf32>
      %swap3A_329 = vector.shape_cast %broadcast_in_dim3A_3 : vector<16xf32> to vector<1x16xf32>
      tpu.vector_store %arg6[%swap3A_325, %swap3A_326], %swap3A_329 {strides = array<i32>} : memref<256x128xf32, #tpu.memory_space<vmem>>, vector<1x16xf32>,
    }
    "tpu.region"() ({
      %run_scoped3A = tpu.sem_alloc : memref<!tpu.dma_semaphore, #tpu.memory_space<semaphore_mem>>
      %dma_start3A = arith.constant 1536 : i32
      %dma_start3A_290 = arith.constant 0 : i32
      %dma_start3A_291 = tpu.memref_slice %arg4[%add3A_15, %dma_start3A, %dma_start3A_290] : memref<32x2048x128xf32, #tpu.memory_space<hbm>> -> memref<1x256x128xf32, #tpu.memory_space<hbm>>
      %dma_start3A_292 = tpu.memref_squeeze %dma_start3A_291 : memref<1x256x128xf32, #tpu.memory_space<hbm>> -> memref<256x128xf32, #tpu.memory_space<hbm>>
      %dma_start3A_293 = arith.constant 1536 : i32
      %dma_start3A_294 = arith.constant 0 : i32
      %dma_start3A_295 = tpu.memref_slice %arg4[%add3A_15, %dma_start3A_293, %dma_start3A_294] : memref<32x2048x128xf32, #tpu.memory_space<hbm>> -> memref<1x256x128xf32, #tpu.memory_space<hbm>>
      %dma_start3A_296 = tpu.memref_squeeze %dma_start3A_295 : memref<1x256x128xf32, #tpu.memory_space<hbm>> -> memref<256x128xf32, #tpu.memory_space<hbm>>
      tpu.enqueue_dma source(%arg6 : memref<256x128xf32, #tpu.memory_space<vmem>>) target(%dma_start3A_296 : memref<256x128xf32, #tpu.memory_space<hbm>>) target_semaphore(%run_scoped3A : memref<!tpu.dma_semaphore, #tpu.memory_space<semaphore_mem>>)
      %dma_wait3A = arith.constant 1536 : i32
      %dma_wait3A_297 = arith.constant 0 : i32
      %dma_wait3A_298 = tpu.memref_slice %arg4[%add3A_15, %dma_wait3A, %dma_wait3A_297] : memref<32x2048x128xf32, #tpu.memory_space<hbm>> -> memref<1x256x128xf32, #tpu.memory_space<hbm>>
      %dma_wait3A_299 = tpu.memref_squeeze %dma_wait3A_298 : memref<1x256x128xf32, #tpu.memory_space<hbm>> -> memref<256x128xf32, #tpu.memory_space<hbm>>
      %dma_wait3A_300 = arith.constant 1536 : i32
      %dma_wait3A_301 = arith.constant 0 : i32
      %dma_wait3A_302 = tpu.memref_slice %arg4[%add3A_15, %dma_wait3A_300, %dma_wait3A_301] : memref<32x2048x128xf32, #tpu.memory_space<hbm>> -> memref<1x256x128xf32, #tpu.memory_space<hbm>>
      %dma_wait3A_303 = tpu.memref_squeeze %dma_wait3A_302 : memref<1x256x128xf32, #tpu.memory_space<hbm>> -> memref<256x128xf32, #tpu.memory_space<hbm>>
      tpu.wait_dma2 semaphore(%run_scoped3A : memref<!tpu.dma_semaphore, #tpu.memory_space<semaphore_mem>>) src(%arg6 : memref<256x128xf32, #tpu.memory_space<vmem>>) dst(%dma_wait3A_303 : memref<256x128xf32, #tpu.memory_space<hbm>>)
      tpu.yield
    }) : () -> ()
    "tpu.region"() ({
      %run_scoped3A = tpu.sem_alloc : memref<!tpu.dma_semaphore, #tpu.memory_space<semaphore_mem>>
      %dma_start3A = arith.constant 1792 : i32
      %dma_start3A_290 = arith.constant 0 : i32
      %dma_start3A_291 = tpu.memref_slice %arg3[%add3A_11, %dma_start3A, %dma_start3A_290] : memref<128x2048x128xf32, #tpu.memory_space<hbm>> -> memref<1x256x128xf32, #tpu.memory_space<hbm>>
      %dma_start3A_292 = tpu.memref_squeeze %dma_start3A_291 : memref<1x256x128xf32, #tpu.memory_space<hbm>> -> memref<256x128xf32, #tpu.memory_space<hbm>>
      %dma_start3A_293 = arith.constant 1792 : i32
      %dma_start3A_294 = arith.constant 0 : i32
      %dma_start3A_295 = tpu.memref_slice %arg3[%add3A_11, %dma_start3A_293, %dma_start3A_294] : memref<128x2048x128xf32, #tpu.memory_space<hbm>> -> memref<1x256x128xf32, #tpu.memory_space<hbm>>
      %dma_start3A_296 = tpu.memref_squeeze %dma_start3A_295 : memref<1x256x128xf32, #tpu.memory_space<hbm>> -> memref<256x128xf32, #tpu.memory_space<hbm>>
      tpu.enqueue_dma source(%dma_start3A_296 : memref<256x128xf32, #tpu.memory_space<hbm>>) target(%arg6 : memref<256x128xf32, #tpu.memory_space<vmem>>) target_semaphore(%run_scoped3A : memref<!tpu.dma_semaphore, #tpu.memory_space<semaphore_mem>>)
      %dma_wait3A = arith.constant 1792 : i32
      %dma_wait3A_297 = arith.constant 0 : i32
      %dma_wait3A_298 = tpu.memref_slice %arg3[%add3A_11, %dma_wait3A, %dma_wait3A_297] : memref<128x2048x128xf32, #tpu.memory_space<hbm>> -> memref<1x256x128xf32, #tpu.memory_space<hbm>>
      %dma_wait3A_299 = tpu.memref_squeeze %dma_wait3A_298 : memref<1x256x128xf32, #tpu.memory_space<hbm>> -> memref<256x128xf32, #tpu.memory_space<hbm>>
      %dma_wait3A_300 = arith.constant 1792 : i32
      %dma_wait3A_301 = arith.constant 0 : i32
      %dma_wait3A_302 = tpu.memref_slice %arg3[%add3A_11, %dma_wait3A_300, %dma_wait3A_301] : memref<128x2048x128xf32, #tpu.memory_space<hbm>> -> memref<1x256x128xf32, #tpu.memory_space<hbm>>
      %dma_wait3A_303 = tpu.memref_squeeze %dma_wait3A_302 : memref<1x256x128xf32, #tpu.memory_space<hbm>> -> memref<256x128xf32, #tpu.memory_space<hbm>>
      tpu.wait_dma2 semaphore(%run_scoped3A : memref<!tpu.dma_semaphore, #tpu.memory_space<semaphore_mem>>) src(%dma_wait3A_303 : memref<256x128xf32, #tpu.memory_space<hbm>>) dst(%arg6 : memref<256x128xf32, #tpu.memory_space<vmem>>)
      tpu.yield
    }) : () -> ()
    %sub3A_256 = arith.constant 1792 : i32
    %sub3A_257 = arith.subi %squeeze3A, %sub3A_256 : i32
    %max3A_258 = arith.constant 0 : i32
    %max3A_259 = arith.maxsi %sub3A_257, %max3A_258 : i32
    %sub3A_260 = arith.constant 1792 : i32
    %sub3A_261 = arith.subi %squeeze3A_17, %sub3A_260 : i32
    %min3A_262 = arith.constant 256 : i32
    %min3A_263 = arith.minsi %sub3A_261, %min3A_262 : i32
    %while3A_264 = arith.constant 0 : i32
    %while3A_265 = arith.subi %min3A_263, %max3A_259 : i32
    %while3A_266 = arith.addi %max3A_259, %while3A_265 : i32
    %while3A_267 = arith.constant 1 : i32
    %while3A_268 = arith.divsi %while3A_265, %while3A_267 : i32
    %while3A_269 = arith.muli %while3A_268, %while3A_267 : i32
    %while3A_270 = arith.addi %max3A_259, %while3A_269 : i32
    %while3A_271 = arith.constant 1 : i32
    scf.for %while3A_290 = %max3A_259 to %while3A_270 step %while3A_271  : i32 {
      %swap3A = arith.index_cast %while3A_290 : i32 to index
      %swap3A_291 = arith.constant 0 : index
      %swap3A_292 = tpu.vector_load %arg6[%swap3A, %swap3A_291] {strides = array<i32>} : memref<256x128xf32, #tpu.memory_space<vmem>>, vector<1x16xf32>,
      %swap3A_293 = vector.shape_cast %swap3A_292 : vector<1x16xf32> to vector<16xf32>
      %swap3A_294 = vector.shape_cast %broadcast_in_dim3A_3 : vector<16xf32> to vector<1x16xf32>
      tpu.vector_store %arg6[%swap3A, %swap3A_291], %swap3A_294 {strides = array<i32>} : memref<256x128xf32, #tpu.memory_space<vmem>>, vector<1x16xf32>,
      %swap3A_295 = arith.index_cast %while3A_290 : i32 to index
      %swap3A_296 = arith.constant 16 : index
      %swap3A_297 = tpu.vector_load %arg6[%swap3A_295, %swap3A_296] {strides = array<i32>} : memref<256x128xf32, #tpu.memory_space<vmem>>, vector<1x16xf32>,
      %swap3A_298 = vector.shape_cast %swap3A_297 : vector<1x16xf32> to vector<16xf32>
      %swap3A_299 = vector.shape_cast %broadcast_in_dim3A_3 : vector<16xf32> to vector<1x16xf32>
      tpu.vector_store %arg6[%swap3A_295, %swap3A_296], %swap3A_299 {strides = array<i32>} : memref<256x128xf32, #tpu.memory_space<vmem>>, vector<1x16xf32>,
      %swap3A_300 = arith.index_cast %while3A_290 : i32 to index
      %swap3A_301 = arith.constant 32 : index
      %swap3A_302 = tpu.vector_load %arg6[%swap3A_300, %swap3A_301] {strides = array<i32>} : memref<256x128xf32, #tpu.memory_space<vmem>>, vector<1x16xf32>,
      %swap3A_303 = vector.shape_cast %swap3A_302 : vector<1x16xf32> to vector<16xf32>
      %swap3A_304 = vector.shape_cast %broadcast_in_dim3A_3 : vector<16xf32> to vector<1x16xf32>
      tpu.vector_store %arg6[%swap3A_300, %swap3A_301], %swap3A_304 {strides = array<i32>} : memref<256x128xf32, #tpu.memory_space<vmem>>, vector<1x16xf32>,
      %swap3A_305 = arith.index_cast %while3A_290 : i32 to index
      %swap3A_306 = arith.constant 48 : index
      %swap3A_307 = tpu.vector_load %arg6[%swap3A_305, %swap3A_306] {strides = array<i32>} : memref<256x128xf32, #tpu.memory_space<vmem>>, vector<1x16xf32>,
      %swap3A_308 = vector.shape_cast %swap3A_307 : vector<1x16xf32> to vector<16xf32>
      %swap3A_309 = vector.shape_cast %broadcast_in_dim3A_3 : vector<16xf32> to vector<1x16xf32>
      tpu.vector_store %arg6[%swap3A_305, %swap3A_306], %swap3A_309 {strides = array<i32>} : memref<256x128xf32, #tpu.memory_space<vmem>>, vector<1x16xf32>,
      %swap3A_310 = arith.index_cast %while3A_290 : i32 to index
      %swap3A_311 = arith.constant 64 : index
      %swap3A_312 = tpu.vector_load %arg6[%swap3A_310, %swap3A_311] {strides = array<i32>} : memref<256x128xf32, #tpu.memory_space<vmem>>, vector<1x16xf32>,
      %swap3A_313 = vector.shape_cast %swap3A_312 : vector<1x16xf32> to vector<16xf32>
      %swap3A_314 = vector.shape_cast %broadcast_in_dim3A_3 : vector<16xf32> to vector<1x16xf32>
      tpu.vector_store %arg6[%swap3A_310, %swap3A_311], %swap3A_314 {strides = array<i32>} : memref<256x128xf32, #tpu.memory_space<vmem>>, vector<1x16xf32>,
      %swap3A_315 = arith.index_cast %while3A_290 : i32 to index
      %swap3A_316 = arith.constant 80 : index
      %swap3A_317 = tpu.vector_load %arg6[%swap3A_315, %swap3A_316] {strides = array<i32>} : memref<256x128xf32, #tpu.memory_space<vmem>>, vector<1x16xf32>,
      %swap3A_318 = vector.shape_cast %swap3A_317 : vector<1x16xf32> to vector<16xf32>
      %swap3A_319 = vector.shape_cast %broadcast_in_dim3A_3 : vector<16xf32> to vector<1x16xf32>
      tpu.vector_store %arg6[%swap3A_315, %swap3A_316], %swap3A_319 {strides = array<i32>} : memref<256x128xf32, #tpu.memory_space<vmem>>, vector<1x16xf32>,
      %swap3A_320 = arith.index_cast %while3A_290 : i32 to index
      %swap3A_321 = arith.constant 96 : index
      %swap3A_322 = tpu.vector_load %arg6[%swap3A_320, %swap3A_321] {strides = array<i32>} : memref<256x128xf32, #tpu.memory_space<vmem>>, vector<1x16xf32>,
      %swap3A_323 = vector.shape_cast %swap3A_322 : vector<1x16xf32> to vector<16xf32>
      %swap3A_324 = vector.shape_cast %broadcast_in_dim3A_3 : vector<16xf32> to vector<1x16xf32>
      tpu.vector_store %arg6[%swap3A_320, %swap3A_321], %swap3A_324 {strides = array<i32>} : memref<256x128xf32, #tpu.memory_space<vmem>>, vector<1x16xf32>,
      %swap3A_325 = arith.index_cast %while3A_290 : i32 to index
      %swap3A_326 = arith.constant 112 : index
      %swap3A_327 = tpu.vector_load %arg6[%swap3A_325, %swap3A_326] {strides = array<i32>} : memref<256x128xf32, #tpu.memory_space<vmem>>, vector<1x16xf32>,
      %swap3A_328 = vector.shape_cast %swap3A_327 : vector<1x16xf32> to vector<16xf32>
      %swap3A_329 = vector.shape_cast %broadcast_in_dim3A_3 : vector<16xf32> to vector<1x16xf32>
      tpu.vector_store %arg6[%swap3A_325, %swap3A_326], %swap3A_329 {strides = array<i32>} : memref<256x128xf32, #tpu.memory_space<vmem>>, vector<1x16xf32>,
    }
    %while3A_272 = arith.constant 1 : i32
    scf.for %while3A_290 = %while3A_270 to %while3A_266 step %while3A_272  : i32 {
      %swap3A = arith.index_cast %while3A_290 : i32 to index
      %swap3A_291 = arith.constant 0 : index
      %swap3A_292 = tpu.vector_load %arg6[%swap3A, %swap3A_291] {strides = array<i32>} : memref<256x128xf32, #tpu.memory_space<vmem>>, vector<1x16xf32>,
      %swap3A_293 = vector.shape_cast %swap3A_292 : vector<1x16xf32> to vector<16xf32>
      %swap3A_294 = vector.shape_cast %broadcast_in_dim3A_3 : vector<16xf32> to vector<1x16xf32>
      tpu.vector_store %arg6[%swap3A, %swap3A_291], %swap3A_294 {strides = array<i32>} : memref<256x128xf32, #tpu.memory_space<vmem>>, vector<1x16xf32>,
      %swap3A_295 = arith.index_cast %while3A_290 : i32 to index
      %swap3A_296 = arith.constant 16 : index
      %swap3A_297 = tpu.vector_load %arg6[%swap3A_295, %swap3A_296] {strides = array<i32>} : memref<256x128xf32, #tpu.memory_space<vmem>>, vector<1x16xf32>,
      %swap3A_298 = vector.shape_cast %swap3A_297 : vector<1x16xf32> to vector<16xf32>
      %swap3A_299 = vector.shape_cast %broadcast_in_dim3A_3 : vector<16xf32> to vector<1x16xf32>
      tpu.vector_store %arg6[%swap3A_295, %swap3A_296], %swap3A_299 {strides = array<i32>} : memref<256x128xf32, #tpu.memory_space<vmem>>, vector<1x16xf32>,
      %swap3A_300 = arith.index_cast %while3A_290 : i32 to index
      %swap3A_301 = arith.constant 32 : index
      %swap3A_302 = tpu.vector_load %arg6[%swap3A_300, %swap3A_301] {strides = array<i32>} : memref<256x128xf32, #tpu.memory_space<vmem>>, vector<1x16xf32>,
      %swap3A_303 = vector.shape_cast %swap3A_302 : vector<1x16xf32> to vector<16xf32>
      %swap3A_304 = vector.shape_cast %broadcast_in_dim3A_3 : vector<16xf32> to vector<1x16xf32>
      tpu.vector_store %arg6[%swap3A_300, %swap3A_301], %swap3A_304 {strides = array<i32>} : memref<256x128xf32, #tpu.memory_space<vmem>>, vector<1x16xf32>,
      %swap3A_305 = arith.index_cast %while3A_290 : i32 to index
      %swap3A_306 = arith.constant 48 : index
      %swap3A_307 = tpu.vector_load %arg6[%swap3A_305, %swap3A_306] {strides = array<i32>} : memref<256x128xf32, #tpu.memory_space<vmem>>, vector<1x16xf32>,
      %swap3A_308 = vector.shape_cast %swap3A_307 : vector<1x16xf32> to vector<16xf32>
      %swap3A_309 = vector.shape_cast %broadcast_in_dim3A_3 : vector<16xf32> to vector<1x16xf32>
      tpu.vector_store %arg6[%swap3A_305, %swap3A_306], %swap3A_309 {strides = array<i32>} : memref<256x128xf32, #tpu.memory_space<vmem>>, vector<1x16xf32>,
      %swap3A_310 = arith.index_cast %while3A_290 : i32 to index
      %swap3A_311 = arith.constant 64 : index
      %swap3A_312 = tpu.vector_load %arg6[%swap3A_310, %swap3A_311] {strides = array<i32>} : memref<256x128xf32, #tpu.memory_space<vmem>>, vector<1x16xf32>,
      %swap3A_313 = vector.shape_cast %swap3A_312 : vector<1x16xf32> to vector<16xf32>
      %swap3A_314 = vector.shape_cast %broadcast_in_dim3A_3 : vector<16xf32> to vector<1x16xf32>
      tpu.vector_store %arg6[%swap3A_310, %swap3A_311], %swap3A_314 {strides = array<i32>} : memref<256x128xf32, #tpu.memory_space<vmem>>, vector<1x16xf32>,
      %swap3A_315 = arith.index_cast %while3A_290 : i32 to index
      %swap3A_316 = arith.constant 80 : index
      %swap3A_317 = tpu.vector_load %arg6[%swap3A_315, %swap3A_316] {strides = array<i32>} : memref<256x128xf32, #tpu.memory_space<vmem>>, vector<1x16xf32>,
      %swap3A_318 = vector.shape_cast %swap3A_317 : vector<1x16xf32> to vector<16xf32>
      %swap3A_319 = vector.shape_cast %broadcast_in_dim3A_3 : vector<16xf32> to vector<1x16xf32>
      tpu.vector_store %arg6[%swap3A_315, %swap3A_316], %swap3A_319 {strides = array<i32>} : memref<256x128xf32, #tpu.memory_space<vmem>>, vector<1x16xf32>,
      %swap3A_320 = arith.index_cast %while3A_290 : i32 to index
      %swap3A_321 = arith.constant 96 : index
      %swap3A_322 = tpu.vector_load %arg6[%swap3A_320, %swap3A_321] {strides = array<i32>} : memref<256x128xf32, #tpu.memory_space<vmem>>, vector<1x16xf32>,
      %swap3A_323 = vector.shape_cast %swap3A_322 : vector<1x16xf32> to vector<16xf32>
      %swap3A_324 = vector.shape_cast %broadcast_in_dim3A_3 : vector<16xf32> to vector<1x16xf32>
      tpu.vector_store %arg6[%swap3A_320, %swap3A_321], %swap3A_324 {strides = array<i32>} : memref<256x128xf32, #tpu.memory_space<vmem>>, vector<1x16xf32>,
      %swap3A_325 = arith.index_cast %while3A_290 : i32 to index
      %swap3A_326 = arith.constant 112 : index
      %swap3A_327 = tpu.vector_load %arg6[%swap3A_325, %swap3A_326] {strides = array<i32>} : memref<256x128xf32, #tpu.memory_space<vmem>>, vector<1x16xf32>,
      %swap3A_328 = vector.shape_cast %swap3A_327 : vector<1x16xf32> to vector<16xf32>
      %swap3A_329 = vector.shape_cast %broadcast_in_dim3A_3 : vector<16xf32> to vector<1x16xf32>
      tpu.vector_store %arg6[%swap3A_325, %swap3A_326], %swap3A_329 {strides = array<i32>} : memref<256x128xf32, #tpu.memory_space<vmem>>, vector<1x16xf32>,
    }
    %sub3A_273 = arith.constant 1792 : i32
    %sub3A_274 = arith.subi %squeeze3A_19, %sub3A_273 : i32
    %max3A_275 = arith.constant 0 : i32
    %max3A_276 = arith.maxsi %sub3A_274, %max3A_275 : i32
    %sub3A_277 = arith.constant 1792 : i32
    %sub3A_278 = arith.subi %squeeze3A_21, %sub3A_277 : i32
    %min3A_279 = arith.constant 256 : i32
    %min3A_280 = arith.minsi %sub3A_278, %min3A_279 : i32
    %while3A_281 = arith.constant 0 : i32
    %while3A_282 = arith.subi %min3A_280, %max3A_276 : i32
    %while3A_283 = arith.addi %max3A_276, %while3A_282 : i32
    %while3A_284 = arith.constant 1 : i32
    %while3A_285 = arith.divsi %while3A_282, %while3A_284 : i32
    %while3A_286 = arith.muli %while3A_285, %while3A_284 : i32
    %while3A_287 = arith.addi %max3A_276, %while3A_286 : i32
    %while3A_288 = arith.constant 1 : i32
    scf.for %while3A_290 = %max3A_276 to %while3A_287 step %while3A_288  : i32 {
      %swap3A = arith.index_cast %while3A_290 : i32 to index
      %swap3A_291 = arith.constant 0 : index
      %swap3A_292 = tpu.vector_load %arg6[%swap3A, %swap3A_291] {strides = array<i32>} : memref<256x128xf32, #tpu.memory_space<vmem>>, vector<1x16xf32>,
      %swap3A_293 = vector.shape_cast %swap3A_292 : vector<1x16xf32> to vector<16xf32>
      %swap3A_294 = vector.shape_cast %broadcast_in_dim3A_3 : vector<16xf32> to vector<1x16xf32>
      tpu.vector_store %arg6[%swap3A, %swap3A_291], %swap3A_294 {strides = array<i32>} : memref<256x128xf32, #tpu.memory_space<vmem>>, vector<1x16xf32>,
      %swap3A_295 = arith.index_cast %while3A_290 : i32 to index
      %swap3A_296 = arith.constant 16 : index
      %swap3A_297 = tpu.vector_load %arg6[%swap3A_295, %swap3A_296] {strides = array<i32>} : memref<256x128xf32, #tpu.memory_space<vmem>>, vector<1x16xf32>,
      %swap3A_298 = vector.shape_cast %swap3A_297 : vector<1x16xf32> to vector<16xf32>
      %swap3A_299 = vector.shape_cast %broadcast_in_dim3A_3 : vector<16xf32> to vector<1x16xf32>
      tpu.vector_store %arg6[%swap3A_295, %swap3A_296], %swap3A_299 {strides = array<i32>} : memref<256x128xf32, #tpu.memory_space<vmem>>, vector<1x16xf32>,
      %swap3A_300 = arith.index_cast %while3A_290 : i32 to index
      %swap3A_301 = arith.constant 32 : index
      %swap3A_302 = tpu.vector_load %arg6[%swap3A_300, %swap3A_301] {strides = array<i32>} : memref<256x128xf32, #tpu.memory_space<vmem>>, vector<1x16xf32>,
      %swap3A_303 = vector.shape_cast %swap3A_302 : vector<1x16xf32> to vector<16xf32>
      %swap3A_304 = vector.shape_cast %broadcast_in_dim3A_3 : vector<16xf32> to vector<1x16xf32>
      tpu.vector_store %arg6[%swap3A_300, %swap3A_301], %swap3A_304 {strides = array<i32>} : memref<256x128xf32, #tpu.memory_space<vmem>>, vector<1x16xf32>,
      %swap3A_305 = arith.index_cast %while3A_290 : i32 to index
      %swap3A_306 = arith.constant 48 : index
      %swap3A_307 = tpu.vector_load %arg6[%swap3A_305, %swap3A_306] {strides = array<i32>} : memref<256x128xf32, #tpu.memory_space<vmem>>, vector<1x16xf32>,
      %swap3A_308 = vector.shape_cast %swap3A_307 : vector<1x16xf32> to vector<16xf32>
      %swap3A_309 = vector.shape_cast %broadcast_in_dim3A_3 : vector<16xf32> to vector<1x16xf32>
      tpu.vector_store %arg6[%swap3A_305, %swap3A_306], %swap3A_309 {strides = array<i32>} : memref<256x128xf32, #tpu.memory_space<vmem>>, vector<1x16xf32>,
      %swap3A_310 = arith.index_cast %while3A_290 : i32 to index
      %swap3A_311 = arith.constant 64 : index
      %swap3A_312 = tpu.vector_load %arg6[%swap3A_310, %swap3A_311] {strides = array<i32>} : memref<256x128xf32, #tpu.memory_space<vmem>>, vector<1x16xf32>,
      %swap3A_313 = vector.shape_cast %swap3A_312 : vector<1x16xf32> to vector<16xf32>
      %swap3A_314 = vector.shape_cast %broadcast_in_dim3A_3 : vector<16xf32> to vector<1x16xf32>
      tpu.vector_store %arg6[%swap3A_310, %swap3A_311], %swap3A_314 {strides = array<i32>} : memref<256x128xf32, #tpu.memory_space<vmem>>, vector<1x16xf32>,
      %swap3A_315 = arith.index_cast %while3A_290 : i32 to index
      %swap3A_316 = arith.constant 80 : index
      %swap3A_317 = tpu.vector_load %arg6[%swap3A_315, %swap3A_316] {strides = array<i32>} : memref<256x128xf32, #tpu.memory_space<vmem>>, vector<1x16xf32>,
      %swap3A_318 = vector.shape_cast %swap3A_317 : vector<1x16xf32> to vector<16xf32>
      %swap3A_319 = vector.shape_cast %broadcast_in_dim3A_3 : vector<16xf32> to vector<1x16xf32>
      tpu.vector_store %arg6[%swap3A_315, %swap3A_316], %swap3A_319 {strides = array<i32>} : memref<256x128xf32, #tpu.memory_space<vmem>>, vector<1x16xf32>,
      %swap3A_320 = arith.index_cast %while3A_290 : i32 to index
      %swap3A_321 = arith.constant 96 : index
      %swap3A_322 = tpu.vector_load %arg6[%swap3A_320, %swap3A_321] {strides = array<i32>} : memref<256x128xf32, #tpu.memory_space<vmem>>, vector<1x16xf32>,
      %swap3A_323 = vector.shape_cast %swap3A_322 : vector<1x16xf32> to vector<16xf32>
      %swap3A_324 = vector.shape_cast %broadcast_in_dim3A_3 : vector<16xf32> to vector<1x16xf32>
      tpu.vector_store %arg6[%swap3A_320, %swap3A_321], %swap3A_324 {strides = array<i32>} : memref<256x128xf32, #tpu.memory_space<vmem>>, vector<1x16xf32>,
      %swap3A_325 = arith.index_cast %while3A_290 : i32 to index
      %swap3A_326 = arith.constant 112 : index
      %swap3A_327 = tpu.vector_load %arg6[%swap3A_325, %swap3A_326] {strides = array<i32>} : memref<256x128xf32, #tpu.memory_space<vmem>>, vector<1x16xf32>,
      %swap3A_328 = vector.shape_cast %swap3A_327 : vector<1x16xf32> to vector<16xf32>
      %swap3A_329 = vector.shape_cast %broadcast_in_dim3A_3 : vector<16xf32> to vector<1x16xf32>
      tpu.vector_store %arg6[%swap3A_325, %swap3A_326], %swap3A_329 {strides = array<i32>} : memref<256x128xf32, #tpu.memory_space<vmem>>, vector<1x16xf32>,
    }
    %while3A_289 = arith.constant 1 : i32
    scf.for %while3A_290 = %while3A_287 to %while3A_283 step %while3A_289  : i32 {
      %swap3A = arith.index_cast %while3A_290 : i32 to index
      %swap3A_291 = arith.constant 0 : index
      %swap3A_292 = tpu.vector_load %arg6[%swap3A, %swap3A_291] {strides = array<i32>} : memref<256x128xf32, #tpu.memory_space<vmem>>, vector<1x16xf32>,
      %swap3A_293 = vector.shape_cast %swap3A_292 : vector<1x16xf32> to vector<16xf32>
      %swap3A_294 = vector.shape_cast %broadcast_in_dim3A_3 : vector<16xf32> to vector<1x16xf32>
      tpu.vector_store %arg6[%swap3A, %swap3A_291], %swap3A_294 {strides = array<i32>} : memref<256x128xf32, #tpu.memory_space<vmem>>, vector<1x16xf32>,
      %swap3A_295 = arith.index_cast %while3A_290 : i32 to index
      %swap3A_296 = arith.constant 16 : index
      %swap3A_297 = tpu.vector_load %arg6[%swap3A_295, %swap3A_296] {strides = array<i32>} : memref<256x128xf32, #tpu.memory_space<vmem>>, vector<1x16xf32>,
      %swap3A_298 = vector.shape_cast %swap3A_297 : vector<1x16xf32> to vector<16xf32>
      %swap3A_299 = vector.shape_cast %broadcast_in_dim3A_3 : vector<16xf32> to vector<1x16xf32>
      tpu.vector_store %arg6[%swap3A_295, %swap3A_296], %swap3A_299 {strides = array<i32>} : memref<256x128xf32, #tpu.memory_space<vmem>>, vector<1x16xf32>,
      %swap3A_300 = arith.index_cast %while3A_290 : i32 to index
      %swap3A_301 = arith.constant 32 : index
      %swap3A_302 = tpu.vector_load %arg6[%swap3A_300, %swap3A_301] {strides = array<i32>} : memref<256x128xf32, #tpu.memory_space<vmem>>, vector<1x16xf32>,
      %swap3A_303 = vector.shape_cast %swap3A_302 : vector<1x16xf32> to vector<16xf32>
      %swap3A_304 = vector.shape_cast %broadcast_in_dim3A_3 : vector<16xf32> to vector<1x16xf32>
      tpu.vector_store %arg6[%swap3A_300, %swap3A_301], %swap3A_304 {strides = array<i32>} : memref<256x128xf32, #tpu.memory_space<vmem>>, vector<1x16xf32>,
      %swap3A_305 = arith.index_cast %while3A_290 : i32 to index
      %swap3A_306 = arith.constant 48 : index
      %swap3A_307 = tpu.vector_load %arg6[%swap3A_305, %swap3A_306] {strides = array<i32>} : memref<256x128xf32, #tpu.memory_space<vmem>>, vector<1x16xf32>,
      %swap3A_308 = vector.shape_cast %swap3A_307 : vector<1x16xf32> to vector<16xf32>
      %swap3A_309 = vector.shape_cast %broadcast_in_dim3A_3 : vector<16xf32> to vector<1x16xf32>
      tpu.vector_store %arg6[%swap3A_305, %swap3A_306], %swap3A_309 {strides = array<i32>} : memref<256x128xf32, #tpu.memory_space<vmem>>, vector<1x16xf32>,
      %swap3A_310 = arith.index_cast %while3A_290 : i32 to index
      %swap3A_311 = arith.constant 64 : index
      %swap3A_312 = tpu.vector_load %arg6[%swap3A_310, %swap3A_311] {strides = array<i32>} : memref<256x128xf32, #tpu.memory_space<vmem>>, vector<1x16xf32>,
      %swap3A_313 = vector.shape_cast %swap3A_312 : vector<1x16xf32> to vector<16xf32>
      %swap3A_314 = vector.shape_cast %broadcast_in_dim3A_3 : vector<16xf32> to vector<1x16xf32>
      tpu.vector_store %arg6[%swap3A_310, %swap3A_311], %swap3A_314 {strides = array<i32>} : memref<256x128xf32, #tpu.memory_space<vmem>>, vector<1x16xf32>,
      %swap3A_315 = arith.index_cast %while3A_290 : i32 to index
      %swap3A_316 = arith.constant 80 : index
      %swap3A_317 = tpu.vector_load %arg6[%swap3A_315, %swap3A_316] {strides = array<i32>} : memref<256x128xf32, #tpu.memory_space<vmem>>, vector<1x16xf32>,
      %swap3A_318 = vector.shape_cast %swap3A_317 : vector<1x16xf32> to vector<16xf32>
      %swap3A_319 = vector.shape_cast %broadcast_in_dim3A_3 : vector<16xf32> to vector<1x16xf32>
      tpu.vector_store %arg6[%swap3A_315, %swap3A_316], %swap3A_319 {strides = array<i32>} : memref<256x128xf32, #tpu.memory_space<vmem>>, vector<1x16xf32>,
      %swap3A_320 = arith.index_cast %while3A_290 : i32 to index
      %swap3A_321 = arith.constant 96 : index
      %swap3A_322 = tpu.vector_load %arg6[%swap3A_320, %swap3A_321] {strides = array<i32>} : memref<256x128xf32, #tpu.memory_space<vmem>>, vector<1x16xf32>,
      %swap3A_323 = vector.shape_cast %swap3A_322 : vector<1x16xf32> to vector<16xf32>
      %swap3A_324 = vector.shape_cast %broadcast_in_dim3A_3 : vector<16xf32> to vector<1x16xf32>
      tpu.vector_store %arg6[%swap3A_320, %swap3A_321], %swap3A_324 {strides = array<i32>} : memref<256x128xf32, #tpu.memory_space<vmem>>, vector<1x16xf32>,
      %swap3A_325 = arith.index_cast %while3A_290 : i32 to index
      %swap3A_326 = arith.constant 112 : index
      %swap3A_327 = tpu.vector_load %arg6[%swap3A_325, %swap3A_326] {strides = array<i32>} : memref<256x128xf32, #tpu.memory_space<vmem>>, vector<1x16xf32>,
      %swap3A_328 = vector.shape_cast %swap3A_327 : vector<1x16xf32> to vector<16xf32>
      %swap3A_329 = vector.shape_cast %broadcast_in_dim3A_3 : vector<16xf32> to vector<1x16xf32>
      tpu.vector_store %arg6[%swap3A_325, %swap3A_326], %swap3A_329 {strides = array<i32>} : memref<256x128xf32, #tpu.memory_space<vmem>>, vector<1x16xf32>,
    }
    "tpu.region"() ({
      %run_scoped3A = tpu.sem_alloc : memref<!tpu.dma_semaphore, #tpu.memory_space<semaphore_mem>>
      %dma_start3A = arith.constant 1792 : i32
      %dma_start3A_290 = arith.constant 0 : i32
      %dma_start3A_291 = tpu.memref_slice %arg4[%add3A_15, %dma_start3A, %dma_start3A_290] : memref<32x2048x128xf32, #tpu.memory_space<hbm>> -> memref<1x256x128xf32, #tpu.memory_space<hbm>>
      %dma_start3A_292 = tpu.memref_squeeze %dma_start3A_291 : memref<1x256x128xf32, #tpu.memory_space<hbm>> -> memref<256x128xf32, #tpu.memory_space<hbm>>
      %dma_start3A_293 = arith.constant 1792 : i32
      %dma_start3A_294 = arith.constant 0 : i32
      %dma_start3A_295 = tpu.memref_slice %arg4[%add3A_15, %dma_start3A_293, %dma_start3A_294] : memref<32x2048x128xf32, #tpu.memory_space<hbm>> -> memref<1x256x128xf32, #tpu.memory_space<hbm>>
      %dma_start3A_296 = tpu.memref_squeeze %dma_start3A_295 : memref<1x256x128xf32, #tpu.memory_space<hbm>> -> memref<256x128xf32, #tpu.memory_space<hbm>>
      tpu.enqueue_dma source(%arg6 : memref<256x128xf32, #tpu.memory_space<vmem>>) target(%dma_start3A_296 : memref<256x128xf32, #tpu.memory_space<hbm>>) target_semaphore(%run_scoped3A : memref<!tpu.dma_semaphore, #tpu.memory_space<semaphore_mem>>)
      %dma_wait3A = arith.constant 1792 : i32
      %dma_wait3A_297 = arith.constant 0 : i32
      %dma_wait3A_298 = tpu.memref_slice %arg4[%add3A_15, %dma_wait3A, %dma_wait3A_297] : memref<32x2048x128xf32, #tpu.memory_space<hbm>> -> memref<1x256x128xf32, #tpu.memory_space<hbm>>
      %dma_wait3A_299 = tpu.memref_squeeze %dma_wait3A_298 : memref<1x256x128xf32, #tpu.memory_space<hbm>> -> memref<256x128xf32, #tpu.memory_space<hbm>>
      %dma_wait3A_300 = arith.constant 1792 : i32
      %dma_wait3A_301 = arith.constant 0 : i32
      %dma_wait3A_302 = tpu.memref_slice %arg4[%add3A_15, %dma_wait3A_300, %dma_wait3A_301] : memref<32x2048x128xf32, #tpu.memory_space<hbm>> -> memref<1x256x128xf32, #tpu.memory_space<hbm>>
      %dma_wait3A_303 = tpu.memref_squeeze %dma_wait3A_302 : memref<1x256x128xf32, #tpu.memory_space<hbm>> -> memref<256x128xf32, #tpu.memory_space<hbm>>
      tpu.wait_dma2 semaphore(%run_scoped3A : memref<!tpu.dma_semaphore, #tpu.memory_space<semaphore_mem>>) src(%arg6 : memref<256x128xf32, #tpu.memory_space<vmem>>) dst(%dma_wait3A_303 : memref<256x128xf32, #tpu.memory_space<hbm>>)
      tpu.yield
    }) : () -> ()
    return
  }
}

</mosaic_0001>

<sc_bundles>
// kernel: kernel.3.cloned.1.call-start
scs
__scs_entry_jumppad:
0x0: {  	(pc) =	sbr.rel $0x88, $3  }
0x1: {  	(tag) =	ssettag $0x0;
	lr =	simm.s32 $0x1  }
0x2: {  	[smem:$0x3FA0] =	sst lr;
	_ =	strace $0xD0000000  }
0x3: {  	_ = 	snop  }
0x4: {  	_ = 	snop  }
0x5: {  	_ = 	snop  }
0x6: {  	_ = 	snop  }
0x7: {  	_ = 	snop  }
__scs_overlays_trampoline_lowered:
0x8: {  	[smem:$0x3FAF] =	sst s0  }
0x9: {  	[smem:$0x3FB0] =	sst s1  }
0xa: {  	[smem:$0x3FB1] =	sst s2  }
0xb: {  	[smem:$0x3FB2] =	sst s3  }
0xc: {  	[smem:$0x3FB3] =	sst s4  }
0xd: {  	[smem:$0x3FB4] =	sst s5  }
0xe: {  	[smem:$0x3FB5] =	sst s6  }
0xf: {  	[smem:$0x3FB6] =	sst s7  }
0x10: {  	[smem:$0x3FB7] =	sst s8  }
0x11: {  	[smem:$0x3FB8] =	sst s9;
	s0 =	simm.s32 @!p0 $0x0  }
0x12: {  	s1 =	sld [smem:$0x3F9E];
	s0 =	simm.s32 @p0 $0x1  }
0x13: {  	[smem:$0x3FB9] =	sst s0;
	s0 =	simm.s32 @!p1 $0x0  }
0x14: {  	s2 =	sld [smem:$0x3F9D];
	s0 =	simm.s32 @p1 $0x1  }
0x15: {  	[smem:$0x3FBA] =	sst s0;
	s0 =	simm.s32 @!p2 $0x0  }
0x16: {  	s3 =	sld [smem:$0x3FDB];
	s0 =	simm.s32 @p2 $0x1  }
0x17: {  	s4 =	simm.s32 $0x1BF5;
	[smem:$0x3FBC] =	sst s0  }
0x18: {  	s0 =	sld [smem:$0x3F9F];
	_ =	swait.ge [sflag:s4], $0x0  }
0x19: {  	s7 =	sld [smem:$0x3FA0]  }
0x1a: {  	s8 =	sadd.s32 $0xFFFFE003, lr  }
0x1b: {  	s9 =	sadd.s32 $0xFFFFFEF7, lr;
	s5 =	simm.s32 $0xFFFFFFFF;
	p2 =	slt.u32 s8, $0xFFFFF086  }
0x1c: {  	p1 =	slt.u32 s9, $0xF7A;
	s5 =	simm.s32 @!p2 $0x0  }
0x1d: {  	s5 =	simm.s32 @p1 $0x1;
	p0 =	seq.s32 s7, s2  }
0x1e: {  	s7 =	smul.u32 @!p0 $0xF7A, s2;
	p2 =	seq.s32 @!p0 s5, $0x0  }
0x1f: {  	s9 =	smul.u32 $0xF7A, s1;
	s8 =	simm.s32 @!p0 $0x1BF5;
	p2 =	por !p2, p0  }
0x20: {  	[sflag:s8] =	ssyncset.s32 @!p0 $0xFFFFF086;
	s6 =	sadd.s32 @!p0 s3, s7;
	s7 =	simm.s32 @!p0 $0x108  }
0x21: {  	s3 =	sadd.s32 s3, s9;
	s6 =	sadd.s32 @!p0 $0x88, s6;
	s7 =	simm.s32 @p2 $0x1082  }
0x22: {  	[simem:s7], [sflag:s8] =	dma.local @!p0 [hbm:s6], $0xF7A  }
0x23: {  	s9 =	sor.u32 $0xD0000000, s2;
	s6 =	simm.s32 $0x108;
	_ =	swait.ge @!p0 [sflag:s8], $0x0  }
0x24: {  	s3 =	sadd.s32 $0x88, s3;
	s6 =	simm.s32 @!p1 $0x1082;
	[sflag:s4] =	ssyncset.s32 $0xFFFFF086  }
0x25: {  	[simem:s6], [sflag:s4] =	dma.local [hbm:s3], $0xF7A  }
0x26: {  	[smem:$0x3FA0] =	sst s1;
	(tag) =	ssettag s2;
	_ =	strace s9  }
0x27: {  	s1 =	sld [smem:$0x3FB0]  }
0x28: {  	s2 =	sld [smem:$0x3FB1]  }
0x29: {  	s4 =	sld [smem:$0x3FB3]  }
0x2a: {  	p0 =	seq.s32 s5, $0x0;
	s5 =	sld [smem:$0x3FB4]  }
0x2b: {  	s6 =	sld [smem:$0x3FB5]  }
0x2c: {  	s7 =	sld [smem:$0x3FB6]  }
0x2d: {  	s3 =	simm.s32 $0x108;
	s8 =	sld [smem:$0x3FB7]  }
0x2e: {  	s3 =	simm.s32 @!p0 $0x1082;
	s9 =	sld [smem:$0x3FB8]  }
0x2f: {  	lr =	sadd.s32 s0, s3;
	s0 =	sld [smem:$0x3FAF]  }
0x30: {  	s3 =	sld [smem:$0x3FB2]  }
0x31: {  	[smem:$0x3FBB] =	sst s10  }
0x32: {  	s10 =	sld [smem:$0x3FB9];
	_ =	sdelay $0x3  }
0x33: {  	p0 =	seq.s32 s10, $0x1;
	s10 =	sld [smem:$0x3FBB];
	_ =	sdelay $0x3  }
0x34: {  	[smem:$0x3FBB] =	sst s10  }
0x35: {  	s10 =	sld [smem:$0x3FBA];
	_ =	sdelay $0x3  }
0x36: {  	p1 =	seq.s32 s10, $0x1;
	s10 =	sld [smem:$0x3FBB];
	_ =	sdelay $0x3  }
0x37: {  	[smem:$0x3FBB] =	sst s10  }
0x38: {  	s10 =	sld [smem:$0x3FBC]  }
0x39: {  	_ = 	snop;
	(pc) =	sbr.ind lr, $3  }
0x3a: {  	_ = 	snop  }
0x3b: {  	_ = 	snop  }
0x3c: {  	p2 =	seq.s32 s10, $0x1;
	s10 =	sld [smem:$0x3FBB]  }
0x3d: {  	_ =	shalt  }
0x3e: {  	_ =	shalt  }
0x3f: {  	_ =	shalt  }
0x40: {  	_ =	shalt  }
0x41: {  	_ =	shalt  }
0x42: {  	_ =	shalt  }
0x43: {  	_ =	shalt  }
0x44: {  	_ =	shalt  }
0x45: {  	_ =	shalt  }
0x46: {  	_ =	shalt  }
0x47: {  	_ =	shalt  }
0x48: {  	_ =	shalt  }
0x49: {  	_ =	shalt  }
0x4a: {  	_ =	shalt  }
0x4b: {  	_ =	shalt  }
0x4c: {  	_ =	shalt  }
0x4d: {  	_ =	shalt  }
0x4e: {  	_ =	shalt  }
0x4f: {  	_ =	shalt  }
0x50: {  	_ =	shalt  }
0x51: {  	_ =	shalt  }
0x52: {  	_ =	shalt  }
0x53: {  	_ =	shalt  }
0x54: {  	_ =	shalt  }
0x55: {  	_ =	shalt  }
0x56: {  	_ =	shalt  }
0x57: {  	_ =	shalt  }
0x58: {  	_ =	shalt  }
0x59: {  	_ =	shalt  }
0x5a: {  	_ =	shalt  }
0x5b: {  	_ =	shalt  }
0x5c: {  	_ =	shalt  }
0x5d: {  	_ =	shalt  }
0x5e: {  	_ =	shalt  }
0x5f: {  	_ =	shalt  }
0x60: {  	_ =	shalt  }
0x61: {  	_ =	shalt  }
0x62: {  	_ =	shalt  }
0x63: {  	_ =	shalt  }
0x64: {  	_ =	shalt  }
0x65: {  	_ =	shalt  }
0x66: {  	_ =	shalt  }
0x67: {  	_ =	shalt  }
0x68: {  	_ =	shalt  }
0x69: {  	_ =	shalt  }
0x6a: {  	_ =	shalt  }
0x6b: {  	_ =	shalt  }
0x6c: {  	_ =	shalt  }
0x6d: {  	_ =	shalt  }
0x6e: {  	_ =	shalt  }
0x6f: {  	_ =	shalt  }
0x70: {  	_ =	shalt  }
0x71: {  	_ =	shalt  }
0x72: {  	_ =	shalt  }
0x73: {  	_ =	shalt  }
0x74: {  	_ =	shalt  }
0x75: {  	_ =	shalt  }
0x76: {  	_ =	shalt  }
0x77: {  	_ =	shalt  }
0x78: {  	_ =	shalt  }
0x79: {  	_ =	shalt  }
0x7a: {  	_ =	shalt  }
0x7b: {  	_ =	shalt  }
0x7c: {  	_ =	shalt  }
0x7d: {  	_ =	shalt  }
0x7e: {  	_ =	shalt  }
0x7f: {  	_ =	shalt  }
0x80: {  	_ =	shalt  }
0x81: {  	_ =	shalt  }
0x82: {  	_ =	shalt  }
0x83: {  	_ =	shalt  }
0x84: {  	_ =	shalt  }
0x85: {  	_ =	shalt  }
0x86: {  	_ =	shalt  }
0x87: {  	_ =	shalt  }
.Lfunc_end0:
.L_simem_size_0:
called_computation_lowered:
.L_overlay_start_0:
0x88: {  	s2 =	sld [smem:$0x3FD9]  }
0x89: {  	s3 =	sld [smem:$0x3FFE];
	_ =	sdelay $0x1  }
0x8a: {  	s1 =	srdreg.scid  }
0x8b: {  	s0 =	sand.u32 $0x1, s1  }
0x8c: {  	s14 =	sshll.u32 s0, $0xA;
	s2 =	sadd.s32 s3, s2  }
0x8d: {  	s2 =	sadd.s32 s2, s14  }
0x8e: {  	[smem:$0x3FC7] =	sst s2  }
0x8f: {  	_ = 	snop  }
0x90: {  	s2 =	sld [smem:$0x3FD0];
	_ =	sdelay $0x2  }
0x91: {  	s4 =	simm.s32 $0xA;
	s5 =	simm.s32 $0x10;
	s15 =	sld [smem:$0x3FC9]  }
0x92: {  	[smem:s5], [sflag:s4] =	dma.local [hbm:s2], $0x1  }
0x93: {  	_ =	swait.eq [sflag:s4], $0x1  }
0x94: {  	[sflag:s4] =	ssyncset.done $0x0  }
0x95: {  	[sflag:s4] =	ssyncadd.s32 $0xFFFFFFFF  }
0x96: {  	s16 =	sld [smem:$0x11];
	(tm) =	ssettm $0x1  }
0x97: {  	s17 =	sld [smem:$0x3FFB];
	_ =	sdelay $0x3  }
0x98: {  	_ =	strace s17  }
0x99: {  	s4 =	sld [smem:$0x3FFC];
	_ =	sdelay $0x3  }
0x9a: {  	_ =	strace s4  }
0x9b: {  	s4 =	sld [smem:$0x3FFD];
	_ =	sdelay $0x3  }
0x9c: {  	_ =	strace s4  }
0x9d: {  	_ =	strace $0x8FFFFFFF  }
0x9e: {  	s18 =	sld [smem:$0x3FDB];
	_ =	sdelay $0x1  }
0x9f: {  	s19 =	simm.s32 $_scs_section_size  }
0xa0: {  	s6 =	simm.s32 $_size__tile_overlayer_lowered;
	s7 =	simm.s32 $_tile_overlayer_lowered  }
0xa1: {  	s22 =	simm.s32 $0x1BFF;
	s21 =	sshll.u32 s7, $0x1;
	s4 =	sadd.s32 s19, s18  }
0xa2: {  	s8 =	simm.s32 $0x0;
	s20 =	sshll.u32 s6, $0x1;
	s6 =	sadd.s32 s21, s4  }
0xa3: {  	[timem:s8], [sflag:s22] =	dma.local [hbm:s6], s20  }
0xa4: {  	_ =	swait.ge [sflag:s22], s20  }
0xa5: {  	s5 =	ssub.s32 $0x0, s20;
	[sflag:s22] =	ssyncset.done $0x0  }
0xa6: {  	[sflag:s22] =	ssyncadd.s32 s5;
	_ =	sdelay $0x1  }
0xa7: {  	s23 =	simm.s32 $0x1B8B  }
0xa8: {  	_ =	swait.ge [sflag:s23], $0x1  }
0xa9: {  	[sflag:s23] =	ssyncset.done $0x0  }
0xaa: {  	s25 =	simm.s32 $0x1B8E;
	s24 =	sld [smem:$0x3FFE];
	[sflag:s23] =	ssyncadd.s32 $0xFFFFFFFF  }
0xab: {  	s26 =	simm.s32 $execute0_lowered;
	[smem:$0x3FD2] =	sst s25  }
0xac: {  	s6 =	sshll.u32 s26, $0x1;
	_ =	strace $0x80000046;
	[dreg:$0x1] =	wrdreg $0xFFFFFFFF  }
0xad: {  	s28 =	simm.s32 $_size_execute0_lowered;
	s4 =	sadd.s32 s4, s6;
	[dreg:$0x0] =	wrdreg $0x0  }
0xae: {  	s6 =	sshll.u32 s28, $0x1;
	[dreg:$0x2] =	wrdreg s4  }
0xaf: {  	[dreg:$0x3] =	wrdreg s6  }
0xb0: {  	[dreg:$0x4] =	wrdreg $0xC0  }
0xb1: {  	_ =	task [dreg:s8], $0x5FFFF  }
0xb2: {  	[dreg:$0x1] =	wrdreg $0xFFFFFFFF  }
0xb3: {  	[dreg:$0x0] =	wrdreg $0x60  }
0xb4: {  	[dreg:$0x2] =	wrdreg s24  }
0xb5: {  	[dreg:$0x3] =	wrdreg s15  }
0xb6: {  	[dreg:$0x4] =	wrdreg s16  }
0xb7: {  	[dreg:$0x5] =	wrdreg $0x9  }
0xb8: {  	_ =	task.clear_ibuf [dreg:s8], $0x6FFFF;
	_ =	strace $0x90000046  }
0xb9: {  	s29 =	simm.s32 $0x9;
	_ =	strace $0x80000048  }
0xba: {  	_ =	swait.ge [sflag:s29], $0x1  }
0xbb: {  	[sflag:s29] =	ssyncadd.s32 $0xFFFFFFFF  }
0xbc: {  	_ =	strace $0x90000048  }
0xbd: {  	_ =	sfence  }
0xbe: {  	s30 =	sld [smem:$0x0];
	_ =	sdelay $0x2  }
0xbf: {  	s31 =	sshll.u32 s1, $0xD;
	s1 =	sshrl.u32 s1, $0x2  }
0xc0: {  	s3 =	sand.u32 $0x4000, s31;
	s1 =	sadd.s32 s1, s30  }
0xc1: {  	s0 =	sor.u32 s3, s0;
	s1 =	sshll.u32 s1, $0x11  }
0xc2: {  	s0 =	sor.u32 s1, s0  }
0xc3: {  	s0 =	sadd.s32 $0x8F2B, s0  }
0xc4: {  	[sflag:s0] =	ssyncadd.remote.s32 $0x1  }
0xc5: {  	_ =	sfence.sel $0xFFFF  }
0xc6: {  	[dreg:$0x0] =	wrdreg $0xFFFFFFFF;
	(pc) =	sbr.abs _section_cstart, $3  }
0xc7: {  	[dreg:$0x1] =	wrdreg $0xFFFFFFFF  }
0xc8: {  	_ =	task.clear_ibuf [dreg:s8], $0x2FFFF;
	_ =	strace $0x9FFFFFFF  }
0xc9: {  	(tm) =	ssettm $0x7FFFFFFF  }
tec
execute0_lowered:
.L_overlay_start_1:
0x0: {  	(tag) =	ssettag $0x1  }
0x1: {  	s3 =	rddreg [dreg:$0x0]  }
0x2: {  	s4 =	rddreg [dreg:$0x1]  }
0x3: {  	s5 =	rddreg [dreg:$0x2]  }
0x4: {  	s0 =	rddreg [dreg:$0x3];
	s2 =	simm.s32 $0x0  }
0x5: {  	s6 =	srdreg.scid;
	s1 =	stileid.u32;
	s21 =	simm.s32 $0x1  }
0x6: {  	s22 =	simm.s32 $0x80;
	s6 =	sand.u32 $0x1, s6;
	s7 =	sshll.u32 s1, $0x1  }
0x7: {  	s23 =	simm.s32 $0x0;
	[smem:$0x7FF] =	sst s2;
	s7 =	sor.u32 s6, s7  }
0x8: {  	_ =	strace $0x80000047;
	s6 =	ssub.s32 $0x2, s6;
	s8 =	sshll.u32 s7, $0x1  }
0x9: {  	s9 =	sshrl.u32 s6, $0x1;
	s7 =	sshll.u32 s7, $0xF;
	s3 =	sadd.s32 s8, s3  }
0xa: {  	s20 =	ssub.s32 s6, s9;
	s18 =	sadd.s32 s7, s4;
	s5 =	sadd.s32 s5, s7  }
0xb: {  	s3 =	sadd.s32 $0x1600, s3;
	s4 =	sadd.s32 $0x300000, s18;
	s6 =	sadd.s32 $0x301000, s18  }
.Ltmp0:
0xc: {  	s7 =	sadd.s32 $0x1000, s5;
	s8 =	sadd.s32 $0x302000, s18;
	(pc) =	sbr.rel .LBB2_1-.Ltmp0, $4  }
0xd: {  	s9 =	sadd.s32 $0x2000, s5;
	s10 =	sadd.s32 $0x303000, s18;
	s11 =	sadd.s32 $0x3000, s5  }
0xe: {  	s12 =	sadd.s32 $0x304000, s18;
	s13 =	sadd.s32 $0x4000, s5;
	s14 =	sadd.s32 $0x305000, s18  }
0xf: {  	s15 =	sadd.s32 $0x5000, s5;
	s16 =	sadd.s32 $0x306000, s18;
	s17 =	sadd.s32 $0x6000, s5  }
0x10: {  	v0 =	vimm.f32 $0.0e+00;
	s18 =	sadd.s32 $0x307000, s18;
	s19 =	sadd.s32 $0x7000, s5;
	s20 =	smax.u32 s20, $0x1  }
.LBB2_64:
0x11: {  	[tilespmem:s24+$0xFFFFFFD0] =	vst v0  }
.LBB2_65:
0x12: {  	s23 =	sadd.s32 $0x1, s23  }
0x13: {  	p0 =	sne.s32 s23, s20  }
.Ltmp1:
0x14: {  	_ = 	snop;
	(pc) =	sbr.rel @!p0 .LBB2_66-.Ltmp1, $4  }
0x15: {  	[hbm4b:s19+s2] =	stream.linear.scatter [tilespmem:s22], [sflag:$0x1], $0x8000, $0x38;
	[tilespmem:$0x8080] =	vst v63  }
0x16: {  	_ =	swait.ge [sflag:s21], $0x8000  }
0x17: {  	[sflag:s21] =	ssyncset.done $0x0  }
0x18: {  	[sflag:s21] =	ssyncadd.s32 $0xFFFF8000  }
.LBB2_1:
0x19: {  	[tilespmem:s2], [sflag:$0x1] =	stream.linear.gather [hbm4b:s3+s2], $0x10, $0x38;
	[tilespmem:$0x8080] =	vst v63  }
0x1a: {  	_ =	swait.ge [sflag:s21], $0x10  }
0x1b: {  	[sflag:s21] =	ssyncset.done $0x0  }
0x1c: {  	[sflag:s21] =	ssyncadd.s32 $0xFFFFFFF0  }
0x1d: {  	v1 =	vld [tilespmem:$0x0];
	_ =	sdelay $0x4  }
0x1e: {  	(v2sf) =	vpush v1, $0x0  }
0x1f: {  	(v2sf) =	vpush v1, $0x2;
	_ =	sdelay $0x3  }
0x20: {  	(v2sf) =	vpush v1, $0x1  }
0x21: {  	(v2sf) =	vpush v1, $0x3;
	_ =	sdelay $0x7  }
0x22: {  	[tilespmem:s22], [sflag:$0x1] =	stream.linear.gather [hbm4b:s4+s2], $0x8000, $0x38;
	[tilespmem:$0x8080] =	vst v63  }
0x23: {  	s26 =	spop (v2sf)  }
0x24: {  	s28 =	spop (v2sf);
	p0 =	sgt.s32 s26, $0x0  }
0x25: {  	s30 =	smov.u32 s26;
	p1 =	slt.s32 s28, $0x100;
	s31 =	smov.u32 s28  }
0x26: {  	s30 =	simm.s32 @!p0 $0x0;
	s31 =	simm.s32 @!p1 $0x100  }
0x27: {  	p0 =	sle.s32 s31, s30  }
.Ltmp2:
0x28: {  	s24 =	spop (v2sf);
	(pc) =	sbr.rel @p0 .LBB2_5-.Ltmp2, $4  }
0x29: {  	s25 =	spop (v2sf)  }
0x2a: {  	_ =	swait.ge [sflag:s21], $0x8000  }
0x2b: {  	[sflag:s21] =	ssyncset.done $0x0  }
0x2c: {  	[sflag:s21] =	ssyncadd.s32 $0xFFFF8000  }
0x2d: {  	s29 =	sshll.u32 s30, $0x9  }
0x2e: {  	s29 =	sshra.s32 s29, $0x2  }
0x2f: {  	s29 =	sadd.s32 $0xC0, s29  }
0x30: {  	s30 =	ssub.s32 s31, s30;
	[tilespmem:s29+$0xFFFFFFC0] =	vst v0  }
0x31: {  	p0 =	sne.s32 s30, $0x1;
	[tilespmem:s29+$0x30] =	vst v0  }
.Ltmp3:
0x32: {  	[tilespmem:s29+$0x20] =	vst v0;
	(pc) =	sbr.rel @!p0 .LBB2_4-.Ltmp3, $4  }
0x33: {  	[tilespmem:s29+$0x10] =	vst v0  }
0x34: {  	[tilespmem:s29+$0x0] =	vst v0  }
0x35: {  	[tilespmem:s29+$0xFFFFFFF0] =	vst v0  }
0x36: {  	s30 =	sadd.s32 $0xFFFFFFFF, s30;
	[tilespmem:s29+$0xFFFFFFE0] =	vst v0  }
.LBB2_3:
0x37: {  	p0 =	sne.s32 s30, $0x1;
	s30 =	sadd.s32 $0xFFFFFFFF, s30;
	[tilespmem:s29+$0xFFFFFFD0] =	vst v0;
	s29 =	sadd.s32 $0x80, s29  }
0x38: {  	[tilespmem:s29+$0xFFFFFFC0] =	vst v0  }
0x39: {  	[tilespmem:s29+$0x30] =	vst v0  }
.Ltmp4:
0x3a: {  	[tilespmem:s29+$0x20] =	vst v0;
	(pc) =	sbr.rel @p0 .LBB2_3-.Ltmp4, $4  }
0x3b: {  	[tilespmem:s29+$0x10] =	vst v0  }
0x3c: {  	[tilespmem:s29+$0x0] =	vst v0  }
0x3d: {  	[tilespmem:s29+$0xFFFFFFF0] =	vst v0  }
0x3e: {  	[tilespmem:s29+$0xFFFFFFE0] =	vst v0  }
.LBB2_4:
0x3f: {  	[tilespmem:s29+$0xFFFFFFD0] =	vst v0  }
.LBB2_5:
0x40: {  	p0 =	sgt.s32 s24, $0x0  }
0x41: {  	s30 =	smov.u32 s24;
	p1 =	slt.s32 s25, $0x100;
	s31 =	smov.u32 s25  }
0x42: {  	s30 =	simm.s32 @!p0 $0x0;
	s31 =	simm.s32 @!p1 $0x100  }
0x43: {  	p0 =	sle.s32 s31, s30  }
.Ltmp5:
0x44: {  	_ = 	snop;
	(pc) =	sbr.rel @p0 .LBB2_9-.Ltmp5, $1  }
0x45: {  	_ =	sdelay $0x3  }
0x46: {  	s29 =	sshll.u32 s30, $0x9  }
0x47: {  	s29 =	sshra.s32 s29, $0x2  }
0x48: {  	s29 =	sadd.s32 $0xC0, s29  }
0x49: {  	s30 =	ssub.s32 s31, s30;
	[tilespmem:s29+$0xFFFFFFC0] =	vst v0  }
0x4a: {  	p0 =	sne.s32 s30, $0x1;
	[tilespmem:s29+$0x30] =	vst v0  }
.Ltmp6:
0x4b: {  	[tilespmem:s29+$0x20] =	vst v0;
	(pc) =	sbr.rel @!p0 .LBB2_8-.Ltmp6, $4  }
0x4c: {  	[tilespmem:s29+$0x10] =	vst v0  }
0x4d: {  	[tilespmem:s29+$0x0] =	vst v0  }
0x4e: {  	[tilespmem:s29+$0xFFFFFFF0] =	vst v0  }
0x4f: {  	s30 =	sadd.s32 $0xFFFFFFFF, s30;
	[tilespmem:s29+$0xFFFFFFE0] =	vst v0  }
.LBB2_7:
0x50: {  	p0 =	sne.s32 s30, $0x1;
	s30 =	sadd.s32 $0xFFFFFFFF, s30;
	[tilespmem:s29+$0xFFFFFFD0] =	vst v0;
	s29 =	sadd.s32 $0x80, s29  }
0x51: {  	[tilespmem:s29+$0xFFFFFFC0] =	vst v0  }
0x52: {  	[tilespmem:s29+$0x30] =	vst v0  }
.Ltmp7:
0x53: {  	[tilespmem:s29+$0x20] =	vst v0;
	(pc) =	sbr.rel @p0 .LBB2_7-.Ltmp7, $4  }
0x54: {  	[tilespmem:s29+$0x10] =	vst v0  }
0x55: {  	[tilespmem:s29+$0x0] =	vst v0  }
0x56: {  	[tilespmem:s29+$0xFFFFFFF0] =	vst v0  }
0x57: {  	[tilespmem:s29+$0xFFFFFFE0] =	vst v0  }
.LBB2_8:
0x58: {  	[tilespmem:s29+$0xFFFFFFD0] =	vst v0  }
.LBB2_9:
0x59: {  	[hbm4b:s5+s2] =	stream.linear.scatter [tilespmem:s22], [sflag:$0x1], $0x8000, $0x38;
	[tilespmem:$0x8080] =	vst v63  }
0x5a: {  	s30 =	sadd.s32 $0xFFFFFF00, s26;
	s31 =	sadd.s32 $0xFFFFFF00, s28  }
0x5b: {  	p0 =	sgt.s32 s30, $0x0;
	p1 =	slt.s32 s31, $0x100  }
0x5c: {  	_ =	swait.ge [sflag:s21], $0x8000;
	s30 =	simm.s32 @!p0 $0x0;
	s31 =	simm.s32 @!p1 $0x100  }
0x5d: {  	[sflag:s21] =	ssyncset.done $0x0;
	p0 =	sle.s32 s31, s30  }
.Ltmp8:
0x5e: {  	[sflag:s21] =	ssyncadd.s32 $0xFFFF8000;
	(pc) =	sbr.rel @p0 .LBB2_13-.Ltmp8, $4  }
0x5f: {  	[tilespmem:s22], [sflag:$0x1] =	stream.linear.gather [hbm4b:s6+s2], $0x8000, $0x38;
	[tilespmem:$0x8080] =	vst v63  }
0x60: {  	_ =	swait.ge [sflag:s21], $0x8000  }
0x61: {  	[sflag:s21] =	ssyncset.done $0x0  }
0x62: {  	[sflag:s21] =	ssyncadd.s32 $0xFFFF8000  }
0x63: {  	s29 =	sshll.u32 s30, $0x9  }
0x64: {  	s29 =	sshra.s32 s29, $0x2  }
0x65: {  	s29 =	sadd.s32 $0xC0, s29  }
0x66: {  	s30 =	ssub.s32 s31, s30;
	[tilespmem:s29+$0xFFFFFFC0] =	vst v0  }
0x67: {  	p0 =	sne.s32 s30, $0x1;
	[tilespmem:s29+$0x30] =	vst v0  }
.Ltmp9:
0x68: {  	[tilespmem:s29+$0x20] =	vst v0;
	(pc) =	sbr.rel @!p0 .LBB2_12-.Ltmp9, $4  }
0x69: {  	[tilespmem:s29+$0x10] =	vst v0  }
0x6a: {  	[tilespmem:s29+$0x0] =	vst v0  }
0x6b: {  	[tilespmem:s29+$0xFFFFFFF0] =	vst v0  }
0x6c: {  	s30 =	sadd.s32 $0xFFFFFFFF, s30;
	[tilespmem:s29+$0xFFFFFFE0] =	vst v0  }
.LBB2_11:
0x6d: {  	p0 =	sne.s32 s30, $0x1;
	s30 =	sadd.s32 $0xFFFFFFFF, s30;
	[tilespmem:s29+$0xFFFFFFD0] =	vst v0;
	s29 =	sadd.s32 $0x80, s29  }
0x6e: {  	[tilespmem:s29+$0xFFFFFFC0] =	vst v0  }
0x6f: {  	[tilespmem:s29+$0x30] =	vst v0  }
.Ltmp10:
0x70: {  	[tilespmem:s29+$0x20] =	vst v0;
	(pc) =	sbr.rel @p0 .LBB2_11-.Ltmp10, $4  }
0x71: {  	[tilespmem:s29+$0x10] =	vst v0  }
0x72: {  	[tilespmem:s29+$0x0] =	vst v0  }
0x73: {  	[tilespmem:s29+$0xFFFFFFF0] =	vst v0  }
0x74: {  	[tilespmem:s29+$0xFFFFFFE0] =	vst v0  }
.LBB2_12:
0x75: {  	[tilespmem:s29+$0xFFFFFFD0] =	vst v0  }
.LBB2_13:
0x76: {  	s30 =	sadd.s32 $0xFFFFFF00, s24;
	s31 =	sadd.s32 $0xFFFFFF00, s25  }
0x77: {  	p0 =	sgt.s32 s30, $0x0;
	p1 =	slt.s32 s31, $0x100  }
0x78: {  	s30 =	simm.s32 @!p0 $0x0;
	s31 =	simm.s32 @!p1 $0x100  }
0x79: {  	p0 =	sle.s32 s31, s30  }
.Ltmp11:
0x7a: {  	_ = 	snop;
	(pc) =	sbr.rel @p0 .LBB2_17-.Ltmp11, $1  }
0x7b: {  	_ =	sdelay $0x3  }
0x7c: {  	s29 =	sshll.u32 s30, $0x9  }
0x7d: {  	s29 =	sshra.s32 s29, $0x2  }
0x7e: {  	s29 =	sadd.s32 $0xC0, s29  }
0x7f: {  	s30 =	ssub.s32 s31, s30;
	[tilespmem:s29+$0xFFFFFFC0] =	vst v0  }
0x80: {  	p0 =	sne.s32 s30, $0x1;
	[tilespmem:s29+$0x30] =	vst v0  }
.Ltmp12:
0x81: {  	[tilespmem:s29+$0x20] =	vst v0;
	(pc) =	sbr.rel @!p0 .LBB2_16-.Ltmp12, $4  }
0x82: {  	[tilespmem:s29+$0x10] =	vst v0  }
0x83: {  	[tilespmem:s29+$0x0] =	vst v0  }
0x84: {  	[tilespmem:s29+$0xFFFFFFF0] =	vst v0  }
0x85: {  	s30 =	sadd.s32 $0xFFFFFFFF, s30;
	[tilespmem:s29+$0xFFFFFFE0] =	vst v0  }
.LBB2_15:
0x86: {  	p0 =	sne.s32 s30, $0x1;
	s30 =	sadd.s32 $0xFFFFFFFF, s30;
	[tilespmem:s29+$0xFFFFFFD0] =	vst v0;
	s29 =	sadd.s32 $0x80, s29  }
0x87: {  	[tilespmem:s29+$0xFFFFFFC0] =	vst v0  }
0x88: {  	[tilespmem:s29+$0x30] =	vst v0  }
.Ltmp13:
0x89: {  	[tilespmem:s29+$0x20] =	vst v0;
	(pc) =	sbr.rel @p0 .LBB2_15-.Ltmp13, $4  }
0x8a: {  	[tilespmem:s29+$0x10] =	vst v0  }
0x8b: {  	[tilespmem:s29+$0x0] =	vst v0  }
0x8c: {  	[tilespmem:s29+$0xFFFFFFF0] =	vst v0  }
0x8d: {  	[tilespmem:s29+$0xFFFFFFE0] =	vst v0  }
.LBB2_16:
0x8e: {  	[tilespmem:s29+$0xFFFFFFD0] =	vst v0  }
.LBB2_17:
0x8f: {  	[hbm4b:s7+s2] =	stream.linear.scatter [tilespmem:s22], [sflag:$0x1], $0x8000, $0x38;
	[tilespmem:$0x8080] =	vst v63  }
0x90: {  	s30 =	sadd.s32 $0xFFFFFE00, s26;
	s31 =	sadd.s32 $0xFFFFFE00, s28  }
0x91: {  	p0 =	sgt.s32 s30, $0x0;
	p1 =	slt.s32 s31, $0x100  }
0x92: {  	_ =	swait.ge [sflag:s21], $0x8000;
	s30 =	simm.s32 @!p0 $0x0;
	s31 =	simm.s32 @!p1 $0x100  }
0x93: {  	[sflag:s21] =	ssyncset.done $0x0;
	p0 =	sle.s32 s31, s30  }
.Ltmp14:
0x94: {  	[sflag:s21] =	ssyncadd.s32 $0xFFFF8000;
	(pc) =	sbr.rel @p0 .LBB2_21-.Ltmp14, $4  }
0x95: {  	[tilespmem:s22], [sflag:$0x1] =	stream.linear.gather [hbm4b:s8+s2], $0x8000, $0x38;
	[tilespmem:$0x8080] =	vst v63  }
0x96: {  	_ =	swait.ge [sflag:s21], $0x8000  }
0x97: {  	[sflag:s21] =	ssyncset.done $0x0  }
0x98: {  	[sflag:s21] =	ssyncadd.s32 $0xFFFF8000  }
0x99: {  	s29 =	sshll.u32 s30, $0x9  }
0x9a: {  	s29 =	sshra.s32 s29, $0x2  }
0x9b: {  	s29 =	sadd.s32 $0xC0, s29  }
0x9c: {  	s30 =	ssub.s32 s31, s30;
	[tilespmem:s29+$0xFFFFFFC0] =	vst v0  }
0x9d: {  	p0 =	sne.s32 s30, $0x1;
	[tilespmem:s29+$0x30] =	vst v0  }
.Ltmp15:
0x9e: {  	[tilespmem:s29+$0x20] =	vst v0;
	(pc) =	sbr.rel @!p0 .LBB2_20-.Ltmp15, $4  }
0x9f: {  	[tilespmem:s29+$0x10] =	vst v0  }
0xa0: {  	[tilespmem:s29+$0x0] =	vst v0  }
0xa1: {  	[tilespmem:s29+$0xFFFFFFF0] =	vst v0  }
0xa2: {  	s30 =	sadd.s32 $0xFFFFFFFF, s30;
	[tilespmem:s29+$0xFFFFFFE0] =	vst v0  }
.LBB2_19:
0xa3: {  	p0 =	sne.s32 s30, $0x1;
	s30 =	sadd.s32 $0xFFFFFFFF, s30;
	[tilespmem:s29+$0xFFFFFFD0] =	vst v0;
	s29 =	sadd.s32 $0x80, s29  }
0xa4: {  	[tilespmem:s29+$0xFFFFFFC0] =	vst v0  }
0xa5: {  	[tilespmem:s29+$0x30] =	vst v0  }
.Ltmp16:
0xa6: {  	[tilespmem:s29+$0x20] =	vst v0;
	(pc) =	sbr.rel @p0 .LBB2_19-.Ltmp16, $4  }
0xa7: {  	[tilespmem:s29+$0x10] =	vst v0  }
0xa8: {  	[tilespmem:s29+$0x0] =	vst v0  }
0xa9: {  	[tilespmem:s29+$0xFFFFFFF0] =	vst v0  }
0xaa: {  	[tilespmem:s29+$0xFFFFFFE0] =	vst v0  }
.LBB2_20:
0xab: {  	[tilespmem:s29+$0xFFFFFFD0] =	vst v0  }
.LBB2_21:
0xac: {  	s30 =	sadd.s32 $0xFFFFFE00, s24;
	s31 =	sadd.s32 $0xFFFFFE00, s25  }
0xad: {  	p0 =	sgt.s32 s30, $0x0;
	p1 =	slt.s32 s31, $0x100  }
0xae: {  	s30 =	simm.s32 @!p0 $0x0;
	s31 =	simm.s32 @!p1 $0x100  }
0xaf: {  	p0 =	sle.s32 s31, s30  }
.Ltmp17:
0xb0: {  	_ = 	snop;
	(pc) =	sbr.rel @p0 .LBB2_25-.Ltmp17, $1  }
0xb1: {  	_ =	sdelay $0x3  }
0xb2: {  	s29 =	sshll.u32 s30, $0x9  }
0xb3: {  	s29 =	sshra.s32 s29, $0x2  }
0xb4: {  	s29 =	sadd.s32 $0xC0, s29  }
0xb5: {  	s30 =	ssub.s32 s31, s30;
	[tilespmem:s29+$0xFFFFFFC0] =	vst v0  }
0xb6: {  	p0 =	sne.s32 s30, $0x1;
	[tilespmem:s29+$0x30] =	vst v0  }
.Ltmp18:
0xb7: {  	[tilespmem:s29+$0x20] =	vst v0;
	(pc) =	sbr.rel @!p0 .LBB2_24-.Ltmp18, $4  }
0xb8: {  	[tilespmem:s29+$0x10] =	vst v0  }
0xb9: {  	[tilespmem:s29+$0x0] =	vst v0  }
0xba: {  	[tilespmem:s29+$0xFFFFFFF0] =	vst v0  }
0xbb: {  	s30 =	sadd.s32 $0xFFFFFFFF, s30;
	[tilespmem:s29+$0xFFFFFFE0] =	vst v0  }
.LBB2_23:
0xbc: {  	p0 =	sne.s32 s30, $0x1;
	s30 =	sadd.s32 $0xFFFFFFFF, s30;
	[tilespmem:s29+$0xFFFFFFD0] =	vst v0;
	s29 =	sadd.s32 $0x80, s29  }
0xbd: {  	[tilespmem:s29+$0xFFFFFFC0] =	vst v0  }
0xbe: {  	[tilespmem:s29+$0x30] =	vst v0  }
.Ltmp19:
0xbf: {  	[tilespmem:s29+$0x20] =	vst v0;
	(pc) =	sbr.rel @p0 .LBB2_23-.Ltmp19, $4  }
0xc0: {  	[tilespmem:s29+$0x10] =	vst v0  }
0xc1: {  	[tilespmem:s29+$0x0] =	vst v0  }
0xc2: {  	[tilespmem:s29+$0xFFFFFFF0] =	vst v0  }
0xc3: {  	[tilespmem:s29+$0xFFFFFFE0] =	vst v0  }
.LBB2_24:
0xc4: {  	[tilespmem:s29+$0xFFFFFFD0] =	vst v0  }
.LBB2_25:
0xc5: {  	[hbm4b:s9+s2] =	stream.linear.scatter [tilespmem:s22], [sflag:$0x1], $0x8000, $0x38;
	[tilespmem:$0x8080] =	vst v63  }
0xc6: {  	s30 =	sadd.s32 $0xFFFFFD00, s26;
	s31 =	sadd.s32 $0xFFFFFD00, s28  }
0xc7: {  	p0 =	sgt.s32 s30, $0x0;
	p1 =	slt.s32 s31, $0x100  }
0xc8: {  	_ =	swait.ge [sflag:s21], $0x8000;
	s30 =	simm.s32 @!p0 $0x0;
	s31 =	simm.s32 @!p1 $0x100  }
0xc9: {  	[sflag:s21] =	ssyncset.done $0x0;
	p0 =	sle.s32 s31, s30  }
.Ltmp20:
0xca: {  	[sflag:s21] =	ssyncadd.s32 $0xFFFF8000;
	(pc) =	sbr.rel @p0 .LBB2_29-.Ltmp20, $4  }
0xcb: {  	[tilespmem:s22], [sflag:$0x1] =	stream.linear.gather [hbm4b:s10+s2], $0x8000, $0x38;
	[tilespmem:$0x8080] =	vst v63  }
0xcc: {  	_ =	swait.ge [sflag:s21], $0x8000  }
0xcd: {  	[sflag:s21] =	ssyncset.done $0x0  }
0xce: {  	[sflag:s21] =	ssyncadd.s32 $0xFFFF8000  }
0xcf: {  	s29 =	sshll.u32 s30, $0x9  }
0xd0: {  	s29 =	sshra.s32 s29, $0x2  }
0xd1: {  	s29 =	sadd.s32 $0xC0, s29  }
0xd2: {  	s30 =	ssub.s32 s31, s30;
	[tilespmem:s29+$0xFFFFFFC0] =	vst v0  }
0xd3: {  	p0 =	sne.s32 s30, $0x1;
	[tilespmem:s29+$0x30] =	vst v0  }
.Ltmp21:
0xd4: {  	[tilespmem:s29+$0x20] =	vst v0;
	(pc) =	sbr.rel @!p0 .LBB2_28-.Ltmp21, $4  }
0xd5: {  	[tilespmem:s29+$0x10] =	vst v0  }
0xd6: {  	[tilespmem:s29+$0x0] =	vst v0  }
0xd7: {  	[tilespmem:s29+$0xFFFFFFF0] =	vst v0  }
0xd8: {  	s30 =	sadd.s32 $0xFFFFFFFF, s30;
	[tilespmem:s29+$0xFFFFFFE0] =	vst v0  }
.LBB2_27:
0xd9: {  	p0 =	sne.s32 s30, $0x1;
	s30 =	sadd.s32 $0xFFFFFFFF, s30;
	[tilespmem:s29+$0xFFFFFFD0] =	vst v0;
	s29 =	sadd.s32 $0x80, s29  }
0xda: {  	[tilespmem:s29+$0xFFFFFFC0] =	vst v0  }
0xdb: {  	[tilespmem:s29+$0x30] =	vst v0  }
.Ltmp22:
0xdc: {  	[tilespmem:s29+$0x20] =	vst v0;
	(pc) =	sbr.rel @p0 .LBB2_27-.Ltmp22, $4  }
0xdd: {  	[tilespmem:s29+$0x10] =	vst v0  }
0xde: {  	[tilespmem:s29+$0x0] =	vst v0  }
0xdf: {  	[tilespmem:s29+$0xFFFFFFF0] =	vst v0  }
0xe0: {  	[tilespmem:s29+$0xFFFFFFE0] =	vst v0  }
.LBB2_28:
0xe1: {  	[tilespmem:s29+$0xFFFFFFD0] =	vst v0  }
.LBB2_29:
0xe2: {  	s30 =	sadd.s32 $0xFFFFFD00, s24;
	s31 =	sadd.s32 $0xFFFFFD00, s25  }
0xe3: {  	p0 =	sgt.s32 s30, $0x0;
	p1 =	slt.s32 s31, $0x100  }
0xe4: {  	s30 =	simm.s32 @!p0 $0x0;
	s31 =	simm.s32 @!p1 $0x100  }
0xe5: {  	p0 =	sle.s32 s31, s30  }
.Ltmp23:
0xe6: {  	_ = 	snop;
	(pc) =	sbr.rel @p0 .LBB2_33-.Ltmp23, $1  }
0xe7: {  	_ =	sdelay $0x3  }
0xe8: {  	s29 =	sshll.u32 s30, $0x9  }
0xe9: {  	s29 =	sshra.s32 s29, $0x2  }
0xea: {  	s29 =	sadd.s32 $0xC0, s29  }
0xeb: {  	s30 =	ssub.s32 s31, s30;
	[tilespmem:s29+$0xFFFFFFC0] =	vst v0  }
0xec: {  	p0 =	sne.s32 s30, $0x1;
	[tilespmem:s29+$0x30] =	vst v0  }
.Ltmp24:
0xed: {  	[tilespmem:s29+$0x20] =	vst v0;
	(pc) =	sbr.rel @!p0 .LBB2_32-.Ltmp24, $4  }
0xee: {  	[tilespmem:s29+$0x10] =	vst v0  }
0xef: {  	[tilespmem:s29+$0x0] =	vst v0  }
0xf0: {  	[tilespmem:s29+$0xFFFFFFF0] =	vst v0  }
0xf1: {  	s30 =	sadd.s32 $0xFFFFFFFF, s30;
	[tilespmem:s29+$0xFFFFFFE0] =	vst v0  }
.LBB2_31:
0xf2: {  	p0 =	sne.s32 s30, $0x1;
	s30 =	sadd.s32 $0xFFFFFFFF, s30;
	[tilespmem:s29+$0xFFFFFFD0] =	vst v0;
	s29 =	sadd.s32 $0x80, s29  }
0xf3: {  	[tilespmem:s29+$0xFFFFFFC0] =	vst v0  }
0xf4: {  	[tilespmem:s29+$0x30] =	vst v0  }
.Ltmp25:
0xf5: {  	[tilespmem:s29+$0x20] =	vst v0;
	(pc) =	sbr.rel @p0 .LBB2_31-.Ltmp25, $4  }
0xf6: {  	[tilespmem:s29+$0x10] =	vst v0  }
0xf7: {  	[tilespmem:s29+$0x0] =	vst v0  }
0xf8: {  	[tilespmem:s29+$0xFFFFFFF0] =	vst v0  }
0xf9: {  	[tilespmem:s29+$0xFFFFFFE0] =	vst v0  }
.LBB2_32:
0xfa: {  	[tilespmem:s29+$0xFFFFFFD0] =	vst v0  }
.LBB2_33:
0xfb: {  	[hbm4b:s11+s2] =	stream.linear.scatter [tilespmem:s22], [sflag:$0x1], $0x8000, $0x38;
	[tilespmem:$0x8080] =	vst v63  }
0xfc: {  	s30 =	sadd.s32 $0xFFFFFC00, s26;
	s31 =	sadd.s32 $0xFFFFFC00, s28  }
0xfd: {  	p0 =	sgt.s32 s30, $0x0;
	p1 =	slt.s32 s31, $0x100  }
0xfe: {  	_ =	swait.ge [sflag:s21], $0x8000;
	s30 =	simm.s32 @!p0 $0x0;
	s31 =	simm.s32 @!p1 $0x100  }
0xff: {  	[sflag:s21] =	ssyncset.done $0x0;
	p0 =	sle.s32 s31, s30  }
.Ltmp26:
0x100: {  	[sflag:s21] =	ssyncadd.s32 $0xFFFF8000;
	(pc) =	sbr.rel @p0 .LBB2_37-.Ltmp26, $4  }
0x101: {  	[tilespmem:s22], [sflag:$0x1] =	stream.linear.gather [hbm4b:s12+s2], $0x8000, $0x38;
	[tilespmem:$0x8080] =	vst v63  }
0x102: {  	_ =	swait.ge [sflag:s21], $0x8000  }
0x103: {  	[sflag:s21] =	ssyncset.done $0x0  }
0x104: {  	[sflag:s21] =	ssyncadd.s32 $0xFFFF8000  }
0x105: {  	s29 =	sshll.u32 s30, $0x9  }
0x106: {  	s29 =	sshra.s32 s29, $0x2  }
0x107: {  	s29 =	sadd.s32 $0xC0, s29  }
0x108: {  	s30 =	ssub.s32 s31, s30;
	[tilespmem:s29+$0xFFFFFFC0] =	vst v0  }
0x109: {  	p0 =	sne.s32 s30, $0x1;
	[tilespmem:s29+$0x30] =	vst v0  }
.Ltmp27:
0x10a: {  	[tilespmem:s29+$0x20] =	vst v0;
	(pc) =	sbr.rel @!p0 .LBB2_36-.Ltmp27, $4  }
0x10b: {  	[tilespmem:s29+$0x10] =	vst v0  }
0x10c: {  	[tilespmem:s29+$0x0] =	vst v0  }
0x10d: {  	[tilespmem:s29+$0xFFFFFFF0] =	vst v0  }
0x10e: {  	s30 =	sadd.s32 $0xFFFFFFFF, s30;
	[tilespmem:s29+$0xFFFFFFE0] =	vst v0  }
.LBB2_35:
0x10f: {  	p0 =	sne.s32 s30, $0x1;
	s30 =	sadd.s32 $0xFFFFFFFF, s30;
	[tilespmem:s29+$0xFFFFFFD0] =	vst v0;
	s29 =	sadd.s32 $0x80, s29  }
0x110: {  	[tilespmem:s29+$0xFFFFFFC0] =	vst v0  }
0x111: {  	[tilespmem:s29+$0x30] =	vst v0  }
.Ltmp28:
0x112: {  	[tilespmem:s29+$0x20] =	vst v0;
	(pc) =	sbr.rel @p0 .LBB2_35-.Ltmp28, $4  }
0x113: {  	[tilespmem:s29+$0x10] =	vst v0  }
0x114: {  	[tilespmem:s29+$0x0] =	vst v0  }
0x115: {  	[tilespmem:s29+$0xFFFFFFF0] =	vst v0  }
0x116: {  	[tilespmem:s29+$0xFFFFFFE0] =	vst v0  }
.LBB2_36:
0x117: {  	[tilespmem:s29+$0xFFFFFFD0] =	vst v0  }
.LBB2_37:
0x118: {  	s30 =	sadd.s32 $0xFFFFFC00, s24;
	s31 =	sadd.s32 $0xFFFFFC00, s25  }
0x119: {  	p0 =	sgt.s32 s30, $0x0;
	p1 =	slt.s32 s31, $0x100  }
0x11a: {  	s30 =	simm.s32 @!p0 $0x0;
	s31 =	simm.s32 @!p1 $0x100  }
0x11b: {  	p0 =	sle.s32 s31, s30  }
.Ltmp29:
0x11c: {  	_ = 	snop;
	(pc) =	sbr.rel @p0 .LBB2_41-.Ltmp29, $1  }
0x11d: {  	_ =	sdelay $0x3  }
0x11e: {  	s29 =	sshll.u32 s30, $0x9  }
0x11f: {  	s29 =	sshra.s32 s29, $0x2  }
0x120: {  	s29 =	sadd.s32 $0xC0, s29  }
0x121: {  	s30 =	ssub.s32 s31, s30;
	[tilespmem:s29+$0xFFFFFFC0] =	vst v0  }
0x122: {  	p0 =	sne.s32 s30, $0x1;
	[tilespmem:s29+$0x30] =	vst v0  }
.Ltmp30:
0x123: {  	[tilespmem:s29+$0x20] =	vst v0;
	(pc) =	sbr.rel @!p0 .LBB2_40-.Ltmp30, $4  }
0x124: {  	[tilespmem:s29+$0x10] =	vst v0  }
0x125: {  	[tilespmem:s29+$0x0] =	vst v0  }
0x126: {  	[tilespmem:s29+$0xFFFFFFF0] =	vst v0  }
0x127: {  	s30 =	sadd.s32 $0xFFFFFFFF, s30;
	[tilespmem:s29+$0xFFFFFFE0] =	vst v0  }
.LBB2_39:
0x128: {  	p0 =	sne.s32 s30, $0x1;
	s30 =	sadd.s32 $0xFFFFFFFF, s30;
	[tilespmem:s29+$0xFFFFFFD0] =	vst v0;
	s29 =	sadd.s32 $0x80, s29  }
0x129: {  	[tilespmem:s29+$0xFFFFFFC0] =	vst v0  }
0x12a: {  	[tilespmem:s29+$0x30] =	vst v0  }
.Ltmp31:
0x12b: {  	[tilespmem:s29+$0x20] =	vst v0;
	(pc) =	sbr.rel @p0 .LBB2_39-.Ltmp31, $4  }
0x12c: {  	[tilespmem:s29+$0x10] =	vst v0  }
0x12d: {  	[tilespmem:s29+$0x0] =	vst v0  }
0x12e: {  	[tilespmem:s29+$0xFFFFFFF0] =	vst v0  }
0x12f: {  	[tilespmem:s29+$0xFFFFFFE0] =	vst v0  }
.LBB2_40:
0x130: {  	[tilespmem:s29+$0xFFFFFFD0] =	vst v0  }
.LBB2_41:
0x131: {  	[hbm4b:s13+s2] =	stream.linear.scatter [tilespmem:s22], [sflag:$0x1], $0x8000, $0x38;
	[tilespmem:$0x8080] =	vst v63  }
0x132: {  	s30 =	sadd.s32 $0xFFFFFB00, s26;
	s31 =	sadd.s32 $0xFFFFFB00, s28  }
0x133: {  	p0 =	sgt.s32 s30, $0x0;
	p1 =	slt.s32 s31, $0x100  }
0x134: {  	_ =	swait.ge [sflag:s21], $0x8000;
	s30 =	simm.s32 @!p0 $0x0;
	s31 =	simm.s32 @!p1 $0x100  }
0x135: {  	[sflag:s21] =	ssyncset.done $0x0;
	p0 =	sle.s32 s31, s30  }
.Ltmp32:
0x136: {  	[sflag:s21] =	ssyncadd.s32 $0xFFFF8000;
	(pc) =	sbr.rel @p0 .LBB2_45-.Ltmp32, $4  }
0x137: {  	[tilespmem:s22], [sflag:$0x1] =	stream.linear.gather [hbm4b:s14+s2], $0x8000, $0x38;
	[tilespmem:$0x8080] =	vst v63  }
0x138: {  	_ =	swait.ge [sflag:s21], $0x8000  }
0x139: {  	[sflag:s21] =	ssyncset.done $0x0  }
0x13a: {  	[sflag:s21] =	ssyncadd.s32 $0xFFFF8000  }
0x13b: {  	s29 =	sshll.u32 s30, $0x9  }
0x13c: {  	s29 =	sshra.s32 s29, $0x2  }
0x13d: {  	s29 =	sadd.s32 $0xC0, s29  }
0x13e: {  	s30 =	ssub.s32 s31, s30;
	[tilespmem:s29+$0xFFFFFFC0] =	vst v0  }
0x13f: {  	p0 =	sne.s32 s30, $0x1;
	[tilespmem:s29+$0x30] =	vst v0  }
.Ltmp33:
0x140: {  	[tilespmem:s29+$0x20] =	vst v0;
	(pc) =	sbr.rel @!p0 .LBB2_44-.Ltmp33, $4  }
0x141: {  	[tilespmem:s29+$0x10] =	vst v0  }
0x142: {  	[tilespmem:s29+$0x0] =	vst v0  }
0x143: {  	[tilespmem:s29+$0xFFFFFFF0] =	vst v0  }
0x144: {  	s30 =	sadd.s32 $0xFFFFFFFF, s30;
	[tilespmem:s29+$0xFFFFFFE0] =	vst v0  }
.LBB2_43:
0x145: {  	p0 =	sne.s32 s30, $0x1;
	s30 =	sadd.s32 $0xFFFFFFFF, s30;
	[tilespmem:s29+$0xFFFFFFD0] =	vst v0;
	s29 =	sadd.s32 $0x80, s29  }
0x146: {  	[tilespmem:s29+$0xFFFFFFC0] =	vst v0  }
0x147: {  	[tilespmem:s29+$0x30] =	vst v0  }
.Ltmp34:
0x148: {  	[tilespmem:s29+$0x20] =	vst v0;
	(pc) =	sbr.rel @p0 .LBB2_43-.Ltmp34, $4  }
0x149: {  	[tilespmem:s29+$0x10] =	vst v0  }
0x14a: {  	[tilespmem:s29+$0x0] =	vst v0  }
0x14b: {  	[tilespmem:s29+$0xFFFFFFF0] =	vst v0  }
0x14c: {  	[tilespmem:s29+$0xFFFFFFE0] =	vst v0  }
.LBB2_44:
0x14d: {  	[tilespmem:s29+$0xFFFFFFD0] =	vst v0  }
.LBB2_45:
0x14e: {  	s30 =	sadd.s32 $0xFFFFFB00, s24;
	s31 =	sadd.s32 $0xFFFFFB00, s25  }
0x14f: {  	p0 =	sgt.s32 s30, $0x0;
	p1 =	slt.s32 s31, $0x100  }
0x150: {  	s30 =	simm.s32 @!p0 $0x0;
	s31 =	simm.s32 @!p1 $0x100  }
0x151: {  	p0 =	sle.s32 s31, s30  }
.Ltmp35:
0x152: {  	_ = 	snop;
	(pc) =	sbr.rel @p0 .LBB2_49-.Ltmp35, $1  }
0x153: {  	_ =	sdelay $0x3  }
0x154: {  	s29 =	sshll.u32 s30, $0x9  }
0x155: {  	s29 =	sshra.s32 s29, $0x2  }
0x156: {  	s29 =	sadd.s32 $0xC0, s29  }
0x157: {  	s30 =	ssub.s32 s31, s30;
	[tilespmem:s29+$0xFFFFFFC0] =	vst v0  }
0x158: {  	p0 =	sne.s32 s30, $0x1;
	[tilespmem:s29+$0x30] =	vst v0  }
.Ltmp36:
0x159: {  	[tilespmem:s29+$0x20] =	vst v0;
	(pc) =	sbr.rel @!p0 .LBB2_48-.Ltmp36, $4  }
0x15a: {  	[tilespmem:s29+$0x10] =	vst v0  }
0x15b: {  	[tilespmem:s29+$0x0] =	vst v0  }
0x15c: {  	[tilespmem:s29+$0xFFFFFFF0] =	vst v0  }
0x15d: {  	s30 =	sadd.s32 $0xFFFFFFFF, s30;
	[tilespmem:s29+$0xFFFFFFE0] =	vst v0  }
.LBB2_47:
0x15e: {  	p0 =	sne.s32 s30, $0x1;
	s30 =	sadd.s32 $0xFFFFFFFF, s30;
	[tilespmem:s29+$0xFFFFFFD0] =	vst v0;
	s29 =	sadd.s32 $0x80, s29  }
0x15f: {  	[tilespmem:s29+$0xFFFFFFC0] =	vst v0  }
0x160: {  	[tilespmem:s29+$0x30] =	vst v0  }
.Ltmp37:
0x161: {  	[tilespmem:s29+$0x20] =	vst v0;
	(pc) =	sbr.rel @p0 .LBB2_47-.Ltmp37, $4  }
0x162: {  	[tilespmem:s29+$0x10] =	vst v0  }
0x163: {  	[tilespmem:s29+$0x0] =	vst v0  }
0x164: {  	[tilespmem:s29+$0xFFFFFFF0] =	vst v0  }
0x165: {  	[tilespmem:s29+$0xFFFFFFE0] =	vst v0  }
.LBB2_48:
0x166: {  	[tilespmem:s29+$0xFFFFFFD0] =	vst v0  }
.LBB2_49:
0x167: {  	[hbm4b:s15+s2] =	stream.linear.scatter [tilespmem:s22], [sflag:$0x1], $0x8000, $0x38;
	[tilespmem:$0x8080] =	vst v63  }
0x168: {  	s30 =	sadd.s32 $0xFFFFFA00, s26;
	s31 =	sadd.s32 $0xFFFFFA00, s28  }
0x169: {  	p0 =	sgt.s32 s30, $0x0;
	p1 =	slt.s32 s31, $0x100  }
0x16a: {  	_ =	swait.ge [sflag:s21], $0x8000;
	s30 =	simm.s32 @!p0 $0x0;
	s31 =	simm.s32 @!p1 $0x100  }
0x16b: {  	[sflag:s21] =	ssyncset.done $0x0;
	p0 =	sle.s32 s31, s30  }
.Ltmp38:
0x16c: {  	[sflag:s21] =	ssyncadd.s32 $0xFFFF8000;
	(pc) =	sbr.rel @p0 .LBB2_53-.Ltmp38, $4  }
0x16d: {  	[tilespmem:s22], [sflag:$0x1] =	stream.linear.gather [hbm4b:s16+s2], $0x8000, $0x38;
	[tilespmem:$0x8080] =	vst v63  }
0x16e: {  	_ =	swait.ge [sflag:s21], $0x8000  }
0x16f: {  	[sflag:s21] =	ssyncset.done $0x0  }
0x170: {  	[sflag:s21] =	ssyncadd.s32 $0xFFFF8000  }
0x171: {  	s29 =	sshll.u32 s30, $0x9  }
0x172: {  	s29 =	sshra.s32 s29, $0x2  }
0x173: {  	s29 =	sadd.s32 $0xC0, s29  }
0x174: {  	s30 =	ssub.s32 s31, s30;
	[tilespmem:s29+$0xFFFFFFC0] =	vst v0  }
0x175: {  	p0 =	sne.s32 s30, $0x1;
	[tilespmem:s29+$0x30] =	vst v0  }
.Ltmp39:
0x176: {  	[tilespmem:s29+$0x20] =	vst v0;
	(pc) =	sbr.rel @!p0 .LBB2_52-.Ltmp39, $4  }
0x177: {  	[tilespmem:s29+$0x10] =	vst v0  }
0x178: {  	[tilespmem:s29+$0x0] =	vst v0  }
0x179: {  	[tilespmem:s29+$0xFFFFFFF0] =	vst v0  }
0x17a: {  	s30 =	sadd.s32 $0xFFFFFFFF, s30;
	[tilespmem:s29+$0xFFFFFFE0] =	vst v0  }
.LBB2_51:
0x17b: {  	p0 =	sne.s32 s30, $0x1;
	s30 =	sadd.s32 $0xFFFFFFFF, s30;
	[tilespmem:s29+$0xFFFFFFD0] =	vst v0;
	s29 =	sadd.s32 $0x80, s29  }
0x17c: {  	[tilespmem:s29+$0xFFFFFFC0] =	vst v0  }
0x17d: {  	[tilespmem:s29+$0x30] =	vst v0  }
.Ltmp40:
0x17e: {  	[tilespmem:s29+$0x20] =	vst v0;
	(pc) =	sbr.rel @p0 .LBB2_51-.Ltmp40, $4  }
0x17f: {  	[tilespmem:s29+$0x10] =	vst v0  }
0x180: {  	[tilespmem:s29+$0x0] =	vst v0  }
0x181: {  	[tilespmem:s29+$0xFFFFFFF0] =	vst v0  }
0x182: {  	[tilespmem:s29+$0xFFFFFFE0] =	vst v0  }
.LBB2_52:
0x183: {  	[tilespmem:s29+$0xFFFFFFD0] =	vst v0  }
.LBB2_53:
0x184: {  	s30 =	sadd.s32 $0xFFFFFA00, s24;
	s31 =	sadd.s32 $0xFFFFFA00, s25  }
0x185: {  	p0 =	sgt.s32 s30, $0x0;
	p1 =	slt.s32 s31, $0x100  }
0x186: {  	s30 =	simm.s32 @!p0 $0x0;
	s31 =	simm.s32 @!p1 $0x100  }
0x187: {  	p0 =	sle.s32 s31, s30  }
.Ltmp41:
0x188: {  	_ = 	snop;
	(pc) =	sbr.rel @p0 .LBB2_57-.Ltmp41, $1  }
0x189: {  	_ =	sdelay $0x3  }
0x18a: {  	s29 =	sshll.u32 s30, $0x9  }
0x18b: {  	s29 =	sshra.s32 s29, $0x2  }
0x18c: {  	s29 =	sadd.s32 $0xC0, s29  }
0x18d: {  	s30 =	ssub.s32 s31, s30;
	[tilespmem:s29+$0xFFFFFFC0] =	vst v0  }
0x18e: {  	p0 =	sne.s32 s30, $0x1;
	[tilespmem:s29+$0x30] =	vst v0  }
.Ltmp42:
0x18f: {  	[tilespmem:s29+$0x20] =	vst v0;
	(pc) =	sbr.rel @!p0 .LBB2_56-.Ltmp42, $4  }
0x190: {  	[tilespmem:s29+$0x10] =	vst v0  }
0x191: {  	[tilespmem:s29+$0x0] =	vst v0  }
0x192: {  	[tilespmem:s29+$0xFFFFFFF0] =	vst v0  }
0x193: {  	s30 =	sadd.s32 $0xFFFFFFFF, s30;
	[tilespmem:s29+$0xFFFFFFE0] =	vst v0  }
.LBB2_55:
0x194: {  	p0 =	sne.s32 s30, $0x1;
	s30 =	sadd.s32 $0xFFFFFFFF, s30;
	[tilespmem:s29+$0xFFFFFFD0] =	vst v0;
	s29 =	sadd.s32 $0x80, s29  }
0x195: {  	[tilespmem:s29+$0xFFFFFFC0] =	vst v0  }
0x196: {  	[tilespmem:s29+$0x30] =	vst v0  }
.Ltmp43:
0x197: {  	[tilespmem:s29+$0x20] =	vst v0;
	(pc) =	sbr.rel @p0 .LBB2_55-.Ltmp43, $4  }
0x198: {  	[tilespmem:s29+$0x10] =	vst v0  }
0x199: {  	[tilespmem:s29+$0x0] =	vst v0  }
0x19a: {  	[tilespmem:s29+$0xFFFFFFF0] =	vst v0  }
0x19b: {  	[tilespmem:s29+$0xFFFFFFE0] =	vst v0  }
.LBB2_56:
0x19c: {  	[tilespmem:s29+$0xFFFFFFD0] =	vst v0  }
.LBB2_57:
0x19d: {  	[hbm4b:s17+s2] =	stream.linear.scatter [tilespmem:s22], [sflag:$0x1], $0x8000, $0x38;
	[tilespmem:$0x8080] =	vst v63  }
0x19e: {  	s29 =	sadd.s32 $0xFFFFF900, s26;
	s28 =	sadd.s32 $0xFFFFF900, s28  }
0x19f: {  	p0 =	sgt.s32 s29, $0x0;
	p1 =	slt.s32 s28, $0x100  }
0x1a0: {  	_ =	swait.ge [sflag:s21], $0x8000;
	s29 =	simm.s32 @!p0 $0x0;
	s28 =	simm.s32 @!p1 $0x100  }
0x1a1: {  	[sflag:s21] =	ssyncset.done $0x0;
	p0 =	sle.s32 s28, s29  }
.Ltmp44:
0x1a2: {  	[sflag:s21] =	ssyncadd.s32 $0xFFFF8000;
	(pc) =	sbr.rel @p0 .LBB2_61-.Ltmp44, $4  }
0x1a3: {  	[tilespmem:s22], [sflag:$0x1] =	stream.linear.gather [hbm4b:s18+s2], $0x8000, $0x38;
	[tilespmem:$0x8080] =	vst v63  }
0x1a4: {  	_ =	swait.ge [sflag:s21], $0x8000  }
0x1a5: {  	[sflag:s21] =	ssyncset.done $0x0  }
0x1a6: {  	[sflag:s21] =	ssyncadd.s32 $0xFFFF8000  }
0x1a7: {  	s26 =	sshll.u32 s29, $0x9  }
0x1a8: {  	s26 =	sshra.s32 s26, $0x2  }
0x1a9: {  	s26 =	sadd.s32 $0xC0, s26  }
0x1aa: {  	s28 =	ssub.s32 s28, s29;
	[tilespmem:s26+$0xFFFFFFC0] =	vst v0  }
0x1ab: {  	p0 =	sne.s32 s28, $0x1;
	[tilespmem:s26+$0x30] =	vst v0  }
.Ltmp45:
0x1ac: {  	[tilespmem:s26+$0x20] =	vst v0;
	(pc) =	sbr.rel @!p0 .LBB2_60-.Ltmp45, $4  }
0x1ad: {  	[tilespmem:s26+$0x10] =	vst v0  }
0x1ae: {  	[tilespmem:s26+$0x0] =	vst v0  }
0x1af: {  	[tilespmem:s26+$0xFFFFFFF0] =	vst v0  }
0x1b0: {  	s28 =	sadd.s32 $0xFFFFFFFF, s28;
	[tilespmem:s26+$0xFFFFFFE0] =	vst v0  }
.LBB2_59:
0x1b1: {  	p0 =	sne.s32 s28, $0x1;
	s28 =	sadd.s32 $0xFFFFFFFF, s28;
	[tilespmem:s26+$0xFFFFFFD0] =	vst v0;
	s26 =	sadd.s32 $0x80, s26  }
0x1b2: {  	[tilespmem:s26+$0xFFFFFFC0] =	vst v0  }
0x1b3: {  	[tilespmem:s26+$0x30] =	vst v0  }
.Ltmp46:
0x1b4: {  	[tilespmem:s26+$0x20] =	vst v0;
	(pc) =	sbr.rel @p0 .LBB2_59-.Ltmp46, $4  }
0x1b5: {  	[tilespmem:s26+$0x10] =	vst v0  }
0x1b6: {  	[tilespmem:s26+$0x0] =	vst v0  }
0x1b7: {  	[tilespmem:s26+$0xFFFFFFF0] =	vst v0  }
0x1b8: {  	[tilespmem:s26+$0xFFFFFFE0] =	vst v0  }
.LBB2_60:
0x1b9: {  	[tilespmem:s26+$0xFFFFFFD0] =	vst v0  }
.LBB2_61:
0x1ba: {  	s26 =	sadd.s32 $0xFFFFF900, s24;
	s25 =	sadd.s32 $0xFFFFF900, s25  }
0x1bb: {  	p0 =	sgt.s32 s26, $0x0;
	p1 =	slt.s32 s25, $0x100  }
0x1bc: {  	s26 =	simm.s32 @!p0 $0x0;
	s25 =	simm.s32 @!p1 $0x100  }
0x1bd: {  	p0 =	sle.s32 s25, s26  }
.Ltmp47:
0x1be: {  	_ = 	snop;
	(pc) =	sbr.rel @p0 .LBB2_65-.Ltmp47, $1  }
0x1bf: {  	_ =	sdelay $0x3  }
0x1c0: {  	s24 =	sshll.u32 s26, $0x9  }
0x1c1: {  	s24 =	sshra.s32 s24, $0x2  }
0x1c2: {  	s24 =	sadd.s32 $0xC0, s24  }
0x1c3: {  	s25 =	ssub.s32 s25, s26;
	[tilespmem:s24+$0xFFFFFFC0] =	vst v0  }
0x1c4: {  	p0 =	sne.s32 s25, $0x1;
	[tilespmem:s24+$0x30] =	vst v0  }
.Ltmp48:
0x1c5: {  	[tilespmem:s24+$0x20] =	vst v0;
	(pc) =	sbr.rel @!p0 .LBB2_64-.Ltmp48, $4  }
0x1c6: {  	[tilespmem:s24+$0x10] =	vst v0  }
0x1c7: {  	[tilespmem:s24+$0x0] =	vst v0  }
0x1c8: {  	[tilespmem:s24+$0xFFFFFFF0] =	vst v0  }
0x1c9: {  	s25 =	sadd.s32 $0xFFFFFFFF, s25;
	[tilespmem:s24+$0xFFFFFFE0] =	vst v0  }
.LBB2_63:
0x1ca: {  	p0 =	sne.s32 s25, $0x1;
	s25 =	sadd.s32 $0xFFFFFFFF, s25;
	[tilespmem:s24+$0xFFFFFFD0] =	vst v0;
	s24 =	sadd.s32 $0x80, s24  }
0x1cb: {  	[tilespmem:s24+$0xFFFFFFC0] =	vst v0  }
0x1cc: {  	[tilespmem:s24+$0x30] =	vst v0  }
.Ltmp49:
0x1cd: {  	[tilespmem:s24+$0x20] =	vst v0;
	(pc) =	sbr.rel @p0 .LBB2_63-.Ltmp49, $4  }
0x1ce: {  	[tilespmem:s24+$0x10] =	vst v0  }
0x1cf: {  	[tilespmem:s24+$0x0] =	vst v0  }
0x1d0: {  	[tilespmem:s24+$0xFFFFFFF0] =	vst v0  }
0x1d1: {  	[tilespmem:s24+$0xFFFFFFE0] =	vst v0  }
.Ltmp50:
0x1d2: {  	_ = 	snop;
	(pc) =	sbr.rel .LBB2_64-.Ltmp50, $1  }
0x1d3: {  	_ =	sdelay $0x3  }
.LBB2_66:
0x1d4: {  	_ =	sfence.sel $0x180000  }
0x1d5: {  	[bflag:$0x0] =	sbarrier.arrive $0xFFFF  }
0x1d6: {  	p0 =	sne.s32 s1, $0x0;
	_ =	strace $0x90000047  }
0x1d7: {  	s0 =	sadd.s32 @!p0 $0x100000, s0;
	[bflag:$0x2] =	sbarrier.arrive $0xFFFF  }
0x1d8: {  	[sflag:s0] =	ssyncadd.tile.s32 @!p0 $0x1;
	_ =	shalt  }
.Lfunc_end2:
_tile_overlayer_lowered:
.L_overlay_start_2:
0x1d9: {  	(tag) =	ssettag $0x2  }
0x1da: {  	s0 =	rddreg [dreg:$0x0];
	s2 =	stileid.u32  }
0x1db: {  	s1 =	rddreg [dreg:$0x1];
	p0 =	sne.s32 s2, $0x0  }
0x1dc: {  	s3 =	rddreg [dreg:$0x2];
	[bflag:$0x3] =	sbarrier.arrive $0xFFFF;
	s2 =	simm.s32 @!p0 $0x1C01  }
0x1dd: {  	[timem:s3], [sflag:s2] =	dma.local @!p0 [hbm:s0], s1  }
0x1de: {  	s0 =	simm.s32 @!p0 $0x1  }
0x1df: {  	_ =	swait.ge @!p0 [sflag:s0], s1  }
0x1e0: {  	s1 =	ssub.s32 @!p0 $0x0, s1;
	[sflag:s0] =	ssyncset.done @!p0 $0x0  }
0x1e1: {  	[sflag:s0] =	ssyncadd.s32 @!p0 s1  }
0x1e2: {  	[bflag:$0x3] =	sbarrier.arrive $0xFFFF  }
0x1e3: {  	_ =	shalt  }

</sc_bundles>
